<compile_context>
chip_gen: v7x
topology: tpu7x:2x2x1
jax: 0.10.2.dev20260603
libtpu: 0.0.44.dev20260713+nightly
codegen_flags: <defaults>
</compile_context>

<pallas_src>
import functools

import jax
import jax.numpy as jnp
from jax import lax
from jax.experimental import pallas as pl
from jax.experimental.pallas import tpu as pltpu
from jax.experimental.pallas import tpu_sc as plsc

D = 32
T = 7
NW = 32
IW = 128
NBUF = 2


@functools.lru_cache(maxsize=None)
def _build(B, L, V):
    CB = B // NW
    K = CB // IW
    CT = CB * T

    mesh = plsc.VectorSubcoreMesh(core_axis_name="c", subcore_axis_name="s")

    @functools.partial(
        pl.kernel,
        out_type=jax.ShapeDtypeStruct((L, B, D), jnp.float32),
        mesh=mesh,
        scratch_types=[
            pltpu.VMEM((NBUF * CT,), jnp.int32),
            pltpu.VMEM((NBUF, CB, D), jnp.float32),
            pltpu.SemaphoreType.DMA((NBUF,)),
            pltpu.SemaphoreType.DMA((NBUF,)),
            pltpu.SemaphoreType.DMA((NBUF,)),
        ],
        compiler_params=pltpu.CompilerParams(
            use_tc_tiling_on_sc=False, needs_layout_passes=False
        ),
    )
    def k(xt_hbm, table_hbm, out_hbm, ibuf, acc_v, ssem, gsem, wsem):
        wid = lax.axis_index("s") * 2 + lax.axis_index("c")
        b0 = wid * CB

        def stage(l, slot):
            ioff = slot * CT
            for t in range(T):
                pltpu.async_copy(
                    xt_hbm.at[t, l, pl.ds(b0, CB)],
                    ibuf.at[pl.ds(ioff + t * CB, CB)],
                    ssem.at[slot],
                )

        def fire0(l, slot):
            ioff = slot * CT
            for t in range(T):
                pltpu.make_async_copy(
                    xt_hbm.at[t, l, pl.ds(b0, CB)],
                    ibuf.at[pl.ds(ioff + t * CB, CB)],
                    ssem.at[slot],
                ).wait()
            for j in range(K):
                pltpu.async_copy(
                    table_hbm.at[ibuf.at[pl.ds(ioff + j * IW, IW)]],
                    acc_v.at[slot, pl.ds(j * IW, IW)],
                    gsem.at[slot],
                )

        def addfire(slot):
            ioff = slot * CT
            for j in range(K):
                pltpu.make_async_copy(
                    table_hbm.at[ibuf.at[pl.ds(ioff + j * IW, IW)]],
                    acc_v.at[slot, pl.ds(j * IW, IW)],
                    gsem.at[slot],
                ).wait()
            for t in range(1, T):
                for j in range(K):
                    pltpu.async_copy(
                        table_hbm.at[ibuf.at[pl.ds(ioff + t * CB + j * IW, IW)]],
                        acc_v.at[slot, pl.ds(j * IW, IW)],
                        gsem.at[slot],
                        add=True,
                    )

        def drain_adds(slot):
            ioff = slot * CT
            for t in range(1, T):
                for j in range(K):
                    pltpu.make_async_copy(
                        table_hbm.at[ibuf.at[pl.ds(ioff + t * CB + j * IW, IW)]],
                        acc_v.at[slot, pl.ds(j * IW, IW)],
                        gsem.at[slot],
                    ).wait()

        def writeback(l, slot):
            pltpu.async_copy(
                acc_v.at[slot],
                out_hbm.at[l, pl.ds(b0, CB)],
                wsem.at[slot],
            )

        def wait_writeback(l, slot):
            pltpu.make_async_copy(
                acc_v.at[slot],
                out_hbm.at[l, pl.ds(b0, CB)],
                wsem.at[slot],
            ).wait()

        stage(0, 0)
        fire0(0, 0)
        addfire(0)

        def body(l, _):
            slot = lax.rem(l, NBUF)
            nslot = lax.rem(l + 1, NBUF)

            @pl.when(l + 1 < L)
            def _():
                @pl.when(l + 1 >= NBUF)
                def _():
                    wait_writeback(l + 1 - NBUF, nslot)
                stage(l + 1, nslot)
                fire0(l + 1, nslot)
                addfire(nslot)

            drain_adds(slot)
            writeback(l, slot)
            return 0

        lax.fori_loop(0, L, body, 0)
        for i in range(NBUF):
            l = L - NBUF + i
            wait_writeback(l, l % NBUF)

    return k


def kernel(x, table):
    B, L, t = x.shape
    V, d = table.shape
    xt = jnp.transpose(x.astype(jnp.int32), (2, 1, 0))
    out = _build(B, L, V)(xt, table)
    return jnp.transpose(out, (1, 0, 2))

# --- scband reference (transcript-rebuilt; emitter-appended) ---
"""Pipeline reference for scband-tags-set-embedding-89670327206380 (READ-ONLY COPY).

The authoritative reference and input builder live on the scoring server;
editing this copy changes nothing except your own understanding.
"""

import jax, jax.numpy as jnp
import numpy as np

B, L, T = 16384, 50, 7
VOCAB, D = 1000000, 32

def setup_inputs(seed: int = 0) -> dict:
    key = jax.random.key(seed)
    k1, k2 = jax.random.split(key)
    x = jax.random.randint(k1, (B, L, T), 0, VOCAB, dtype=jnp.int64 if jax.config.read('jax_enable_x64') else jnp.int32)
    table = jax.random.normal(k2, (VOCAB, D), dtype=jnp.float32)
    return {"x": x, "table": table}

def reference(x, table):
    # Tags_set_embedding (discrete=True): embed first 7 tag ids, sum over tag axis
    idx = x[:, :, :7]
    emb = jnp.take(table, idx, axis=0)  # [B, L, 7, D]
    out = jnp.sum(emb, axis=-2)          # [B, L, D]
    return out

if __name__ == "__main__":
    import jax
    _d = setup_inputs()
    print(jax.jit(kernel)(*tuple(_d.values())))

</pallas_src>

<mosaic_0001>
#map = affine_map<(d0, d1) -> (0, 0, 0)>
#map1 = affine_map<(d0, d1) -> (0, 0)>
module attributes {stable_mosaic.version = 14 : i64} {
  func.func @k(%arg0: i32, %arg1: i32, %arg2: memref<7x50x16384xi32, #tpu.memory_space<hbm>>, %arg3: memref<1000000x32xf32, #tpu.memory_space<hbm>>, %arg4: memref<50x16384x32xf32, #tpu.memory_space<hbm>>, %arg5: memref<7168xi32, #tpu.memory_space<vmem>>, %arg6: memref<2x512x32xf32, #tpu.memory_space<vmem>>, %arg7: memref<2x!tpu.dma_semaphore, #tpu.memory_space<semaphore_mem>>, %arg8: memref<2x!tpu.dma_semaphore, #tpu.memory_space<semaphore_mem>>, %arg9: memref<2x!tpu.dma_semaphore, #tpu.memory_space<semaphore_mem>>) attributes {dimension_semantics = [#tpu.dimension_semantics<core_parallel>, #tpu.dimension_semantics<subcore_parallel>], iteration_bounds = array<i64: 2, 16>, scalar_prefetch = 0 : i64, scratch_operands = 5 : i64, tpu.core_type = #tpu.core_type<sc_vector_subcore>, window_params = [{transform_indices = #map}, {transform_indices = #map1}, {transform_indices = #map}]} {
    %mul3A = arith.constant 2 : i32
    %mul3A_0 = arith.muli %arg1, %mul3A : i32
    %add3A = arith.addi %mul3A_0, %arg0 : i32
    %mul3A_1 = arith.constant 512 : i32
    %mul3A_2 = arith.muli %add3A, %mul3A_1 : i32
    %dma_start3A = arith.constant 0 : i32
    %dma_start3A_3 = arith.constant 0 : i32
    %dma_start3A_4 = arith.constant 0 : i32
    %dma_start3A_5 = arith.constant 0 : i32
    %dma_start3A_6 = tpu.memref_slice %arg5[%dma_start3A_5] : memref<7168xi32, #tpu.memory_space<vmem>> -> memref<512xi32, #tpu.memory_space<vmem>>
    %dma_start3A_7 = tpu.memref_slice %arg2[%dma_start3A, %dma_start3A_3, %mul3A_2] : memref<7x50x16384xi32, #tpu.memory_space<hbm>> -> memref<1x1x512xi32, #tpu.memory_space<hbm>>
    %dma_start3A_8 = tpu.memref_squeeze %dma_start3A_7 : memref<1x1x512xi32, #tpu.memory_space<hbm>> -> memref<512xi32, #tpu.memory_space<hbm>>
    %dma_start3A_9 = tpu.memref_slice %arg7[%dma_start3A_4] : memref<2x!tpu.dma_semaphore, #tpu.memory_space<semaphore_mem>> -> memref<1x!tpu.dma_semaphore, #tpu.memory_space<semaphore_mem>>
    %dma_start3A_10 = tpu.memref_squeeze %dma_start3A_9 : memref<1x!tpu.dma_semaphore, #tpu.memory_space<semaphore_mem>> -> memref<!tpu.dma_semaphore, #tpu.memory_space<semaphore_mem>>
    %dma_start3A_11 = arith.constant 0 : i32
    %dma_start3A_12 = tpu.memref_slice %arg5[%dma_start3A_11] : memref<7168xi32, #tpu.memory_space<vmem>> -> memref<512xi32, #tpu.memory_space<vmem>>
    %dma_start3A_13 = tpu.memref_slice %arg2[%dma_start3A, %dma_start3A_3, %mul3A_2] : memref<7x50x16384xi32, #tpu.memory_space<hbm>> -> memref<1x1x512xi32, #tpu.memory_space<hbm>>
    %dma_start3A_14 = tpu.memref_squeeze %dma_start3A_13 : memref<1x1x512xi32, #tpu.memory_space<hbm>> -> memref<512xi32, #tpu.memory_space<hbm>>
    tpu.enqueue_dma source(%dma_start3A_14 : memref<512xi32, #tpu.memory_space<hbm>>) target(%dma_start3A_12 : memref<512xi32, #tpu.memory_space<vmem>>) target_semaphore(%dma_start3A_10 : memref<!tpu.dma_semaphore, #tpu.memory_space<semaphore_mem>>)
    %dma_start3A_15 = arith.constant 1 : i32
    %dma_start3A_16 = arith.constant 0 : i32
    %dma_start3A_17 = arith.constant 0 : i32
    %dma_start3A_18 = arith.constant 512 : i32
    %dma_start3A_19 = tpu.memref_slice %arg5[%dma_start3A_18] : memref<7168xi32, #tpu.memory_space<vmem>> -> memref<512xi32, #tpu.memory_space<vmem>>
    %dma_start3A_20 = tpu.memref_slice %arg2[%dma_start3A_15, %dma_start3A_16, %mul3A_2] : memref<7x50x16384xi32, #tpu.memory_space<hbm>> -> memref<1x1x512xi32, #tpu.memory_space<hbm>>
    %dma_start3A_21 = tpu.memref_squeeze %dma_start3A_20 : memref<1x1x512xi32, #tpu.memory_space<hbm>> -> memref<512xi32, #tpu.memory_space<hbm>>
    %dma_start3A_22 = tpu.memref_slice %arg7[%dma_start3A_17] : memref<2x!tpu.dma_semaphore, #tpu.memory_space<semaphore_mem>> -> memref<1x!tpu.dma_semaphore, #tpu.memory_space<semaphore_mem>>
    %dma_start3A_23 = tpu.memref_squeeze %dma_start3A_22 : memref<1x!tpu.dma_semaphore, #tpu.memory_space<semaphore_mem>> -> memref<!tpu.dma_semaphore, #tpu.memory_space<semaphore_mem>>
    %dma_start3A_24 = arith.constant 512 : i32
    %dma_start3A_25 = tpu.memref_slice %arg5[%dma_start3A_24] : memref<7168xi32, #tpu.memory_space<vmem>> -> memref<512xi32, #tpu.memory_space<vmem>>
    %dma_start3A_26 = tpu.memref_slice %arg2[%dma_start3A_15, %dma_start3A_16, %mul3A_2] : memref<7x50x16384xi32, #tpu.memory_space<hbm>> -> memref<1x1x512xi32, #tpu.memory_space<hbm>>
    %dma_start3A_27 = tpu.memref_squeeze %dma_start3A_26 : memref<1x1x512xi32, #tpu.memory_space<hbm>> -> memref<512xi32, #tpu.memory_space<hbm>>
    tpu.enqueue_dma source(%dma_start3A_27 : memref<512xi32, #tpu.memory_space<hbm>>) target(%dma_start3A_25 : memref<512xi32, #tpu.memory_space<vmem>>) target_semaphore(%dma_start3A_23 : memref<!tpu.dma_semaphore, #tpu.memory_space<semaphore_mem>>)
    %dma_start3A_28 = arith.constant 2 : i32
    %dma_start3A_29 = arith.constant 0 : i32
    %dma_start3A_30 = arith.constant 0 : i32
    %dma_start3A_31 = arith.constant 1024 : i32
    %dma_start3A_32 = tpu.memref_slice %arg5[%dma_start3A_31] : memref<7168xi32, #tpu.memory_space<vmem>> -> memref<512xi32, #tpu.memory_space<vmem>>
    %dma_start3A_33 = tpu.memref_slice %arg2[%dma_start3A_28, %dma_start3A_29, %mul3A_2] : memref<7x50x16384xi32, #tpu.memory_space<hbm>> -> memref<1x1x512xi32, #tpu.memory_space<hbm>>
    %dma_start3A_34 = tpu.memref_squeeze %dma_start3A_33 : memref<1x1x512xi32, #tpu.memory_space<hbm>> -> memref<512xi32, #tpu.memory_space<hbm>>
    %dma_start3A_35 = tpu.memref_slice %arg7[%dma_start3A_30] : memref<2x!tpu.dma_semaphore, #tpu.memory_space<semaphore_mem>> -> memref<1x!tpu.dma_semaphore, #tpu.memory_space<semaphore_mem>>
    %dma_start3A_36 = tpu.memref_squeeze %dma_start3A_35 : memref<1x!tpu.dma_semaphore, #tpu.memory_space<semaphore_mem>> -> memref<!tpu.dma_semaphore, #tpu.memory_space<semaphore_mem>>
    %dma_start3A_37 = arith.constant 1024 : i32
    %dma_start3A_38 = tpu.memref_slice %arg5[%dma_start3A_37] : memref<7168xi32, #tpu.memory_space<vmem>> -> memref<512xi32, #tpu.memory_space<vmem>>
    %dma_start3A_39 = tpu.memref_slice %arg2[%dma_start3A_28, %dma_start3A_29, %mul3A_2] : memref<7x50x16384xi32, #tpu.memory_space<hbm>> -> memref<1x1x512xi32, #tpu.memory_space<hbm>>
    %dma_start3A_40 = tpu.memref_squeeze %dma_start3A_39 : memref<1x1x512xi32, #tpu.memory_space<hbm>> -> memref<512xi32, #tpu.memory_space<hbm>>
    tpu.enqueue_dma source(%dma_start3A_40 : memref<512xi32, #tpu.memory_space<hbm>>) target(%dma_start3A_38 : memref<512xi32, #tpu.memory_space<vmem>>) target_semaphore(%dma_start3A_36 : memref<!tpu.dma_semaphore, #tpu.memory_space<semaphore_mem>>)
    %dma_start3A_41 = arith.constant 3 : i32
    %dma_start3A_42 = arith.constant 0 : i32
    %dma_start3A_43 = arith.constant 0 : i32
    %dma_start3A_44 = arith.constant 1536 : i32
    %dma_start3A_45 = tpu.memref_slice %arg5[%dma_start3A_44] : memref<7168xi32, #tpu.memory_space<vmem>> -> memref<512xi32, #tpu.memory_space<vmem>>
    %dma_start3A_46 = tpu.memref_slice %arg2[%dma_start3A_41, %dma_start3A_42, %mul3A_2] : memref<7x50x16384xi32, #tpu.memory_space<hbm>> -> memref<1x1x512xi32, #tpu.memory_space<hbm>>
    %dma_start3A_47 = tpu.memref_squeeze %dma_start3A_46 : memref<1x1x512xi32, #tpu.memory_space<hbm>> -> memref<512xi32, #tpu.memory_space<hbm>>
    %dma_start3A_48 = tpu.memref_slice %arg7[%dma_start3A_43] : memref<2x!tpu.dma_semaphore, #tpu.memory_space<semaphore_mem>> -> memref<1x!tpu.dma_semaphore, #tpu.memory_space<semaphore_mem>>
    %dma_start3A_49 = tpu.memref_squeeze %dma_start3A_48 : memref<1x!tpu.dma_semaphore, #tpu.memory_space<semaphore_mem>> -> memref<!tpu.dma_semaphore, #tpu.memory_space<semaphore_mem>>
    %dma_start3A_50 = arith.constant 1536 : i32
    %dma_start3A_51 = tpu.memref_slice %arg5[%dma_start3A_50] : memref<7168xi32, #tpu.memory_space<vmem>> -> memref<512xi32, #tpu.memory_space<vmem>>
    %dma_start3A_52 = tpu.memref_slice %arg2[%dma_start3A_41, %dma_start3A_42, %mul3A_2] : memref<7x50x16384xi32, #tpu.memory_space<hbm>> -> memref<1x1x512xi32, #tpu.memory_space<hbm>>
    %dma_start3A_53 = tpu.memref_squeeze %dma_start3A_52 : memref<1x1x512xi32, #tpu.memory_space<hbm>> -> memref<512xi32, #tpu.memory_space<hbm>>
    tpu.enqueue_dma source(%dma_start3A_53 : memref<512xi32, #tpu.memory_space<hbm>>) target(%dma_start3A_51 : memref<512xi32, #tpu.memory_space<vmem>>) target_semaphore(%dma_start3A_49 : memref<!tpu.dma_semaphore, #tpu.memory_space<semaphore_mem>>)
    %dma_start3A_54 = arith.constant 4 : i32
    %dma_start3A_55 = arith.constant 0 : i32
    %dma_start3A_56 = arith.constant 0 : i32
    %dma_start3A_57 = arith.constant 2048 : i32
    %dma_start3A_58 = tpu.memref_slice %arg5[%dma_start3A_57] : memref<7168xi32, #tpu.memory_space<vmem>> -> memref<512xi32, #tpu.memory_space<vmem>>
    %dma_start3A_59 = tpu.memref_slice %arg2[%dma_start3A_54, %dma_start3A_55, %mul3A_2] : memref<7x50x16384xi32, #tpu.memory_space<hbm>> -> memref<1x1x512xi32, #tpu.memory_space<hbm>>
    %dma_start3A_60 = tpu.memref_squeeze %dma_start3A_59 : memref<1x1x512xi32, #tpu.memory_space<hbm>> -> memref<512xi32, #tpu.memory_space<hbm>>
    %dma_start3A_61 = tpu.memref_slice %arg7[%dma_start3A_56] : memref<2x!tpu.dma_semaphore, #tpu.memory_space<semaphore_mem>> -> memref<1x!tpu.dma_semaphore, #tpu.memory_space<semaphore_mem>>
    %dma_start3A_62 = tpu.memref_squeeze %dma_start3A_61 : memref<1x!tpu.dma_semaphore, #tpu.memory_space<semaphore_mem>> -> memref<!tpu.dma_semaphore, #tpu.memory_space<semaphore_mem>>
    %dma_start3A_63 = arith.constant 2048 : i32
    %dma_start3A_64 = tpu.memref_slice %arg5[%dma_start3A_63] : memref<7168xi32, #tpu.memory_space<vmem>> -> memref<512xi32, #tpu.memory_space<vmem>>
    %dma_start3A_65 = tpu.memref_slice %arg2[%dma_start3A_54, %dma_start3A_55, %mul3A_2] : memref<7x50x16384xi32, #tpu.memory_space<hbm>> -> memref<1x1x512xi32, #tpu.memory_space<hbm>>
    %dma_start3A_66 = tpu.memref_squeeze %dma_start3A_65 : memref<1x1x512xi32, #tpu.memory_space<hbm>> -> memref<512xi32, #tpu.memory_space<hbm>>
    tpu.enqueue_dma source(%dma_start3A_66 : memref<512xi32, #tpu.memory_space<hbm>>) target(%dma_start3A_64 : memref<512xi32, #tpu.memory_space<vmem>>) target_semaphore(%dma_start3A_62 : memref<!tpu.dma_semaphore, #tpu.memory_space<semaphore_mem>>)
    %dma_start3A_67 = arith.constant 5 : i32
    %dma_start3A_68 = arith.constant 0 : i32
    %dma_start3A_69 = arith.constant 0 : i32
    %dma_start3A_70 = arith.constant 2560 : i32
    %dma_start3A_71 = tpu.memref_slice %arg5[%dma_start3A_70] : memref<7168xi32, #tpu.memory_space<vmem>> -> memref<512xi32, #tpu.memory_space<vmem>>
    %dma_start3A_72 = tpu.memref_slice %arg2[%dma_start3A_67, %dma_start3A_68, %mul3A_2] : memref<7x50x16384xi32, #tpu.memory_space<hbm>> -> memref<1x1x512xi32, #tpu.memory_space<hbm>>
    %dma_start3A_73 = tpu.memref_squeeze %dma_start3A_72 : memref<1x1x512xi32, #tpu.memory_space<hbm>> -> memref<512xi32, #tpu.memory_space<hbm>>
    %dma_start3A_74 = tpu.memref_slice %arg7[%dma_start3A_69] : memref<2x!tpu.dma_semaphore, #tpu.memory_space<semaphore_mem>> -> memref<1x!tpu.dma_semaphore, #tpu.memory_space<semaphore_mem>>
    %dma_start3A_75 = tpu.memref_squeeze %dma_start3A_74 : memref<1x!tpu.dma_semaphore, #tpu.memory_space<semaphore_mem>> -> memref<!tpu.dma_semaphore, #tpu.memory_space<semaphore_mem>>
    %dma_start3A_76 = arith.constant 2560 : i32
    %dma_start3A_77 = tpu.memref_slice %arg5[%dma_start3A_76] : memref<7168xi32, #tpu.memory_space<vmem>> -> memref<512xi32, #tpu.memory_space<vmem>>
    %dma_start3A_78 = tpu.memref_slice %arg2[%dma_start3A_67, %dma_start3A_68, %mul3A_2] : memref<7x50x16384xi32, #tpu.memory_space<hbm>> -> memref<1x1x512xi32, #tpu.memory_space<hbm>>
    %dma_start3A_79 = tpu.memref_squeeze %dma_start3A_78 : memref<1x1x512xi32, #tpu.memory_space<hbm>> -> memref<512xi32, #tpu.memory_space<hbm>>
    tpu.enqueue_dma source(%dma_start3A_79 : memref<512xi32, #tpu.memory_space<hbm>>) target(%dma_start3A_77 : memref<512xi32, #tpu.memory_space<vmem>>) target_semaphore(%dma_start3A_75 : memref<!tpu.dma_semaphore, #tpu.memory_space<semaphore_mem>>)
    %dma_start3A_80 = arith.constant 6 : i32
    %dma_start3A_81 = arith.constant 0 : i32
    %dma_start3A_82 = arith.constant 0 : i32
    %dma_start3A_83 = arith.constant 3072 : i32
    %dma_start3A_84 = tpu.memref_slice %arg5[%dma_start3A_83] : memref<7168xi32, #tpu.memory_space<vmem>> -> memref<512xi32, #tpu.memory_space<vmem>>
    %dma_start3A_85 = tpu.memref_slice %arg2[%dma_start3A_80, %dma_start3A_81, %mul3A_2] : memref<7x50x16384xi32, #tpu.memory_space<hbm>> -> memref<1x1x512xi32, #tpu.memory_space<hbm>>
    %dma_start3A_86 = tpu.memref_squeeze %dma_start3A_85 : memref<1x1x512xi32, #tpu.memory_space<hbm>> -> memref<512xi32, #tpu.memory_space<hbm>>
    %dma_start3A_87 = tpu.memref_slice %arg7[%dma_start3A_82] : memref<2x!tpu.dma_semaphore, #tpu.memory_space<semaphore_mem>> -> memref<1x!tpu.dma_semaphore, #tpu.memory_space<semaphore_mem>>
    %dma_start3A_88 = tpu.memref_squeeze %dma_start3A_87 : memref<1x!tpu.dma_semaphore, #tpu.memory_space<semaphore_mem>> -> memref<!tpu.dma_semaphore, #tpu.memory_space<semaphore_mem>>
    %dma_start3A_89 = arith.constant 3072 : i32
    %dma_start3A_90 = tpu.memref_slice %arg5[%dma_start3A_89] : memref<7168xi32, #tpu.memory_space<vmem>> -> memref<512xi32, #tpu.memory_space<vmem>>
    %dma_start3A_91 = tpu.memref_slice %arg2[%dma_start3A_80, %dma_start3A_81, %mul3A_2] : memref<7x50x16384xi32, #tpu.memory_space<hbm>> -> memref<1x1x512xi32, #tpu.memory_space<hbm>>
    %dma_start3A_92 = tpu.memref_squeeze %dma_start3A_91 : memref<1x1x512xi32, #tpu.memory_space<hbm>> -> memref<512xi32, #tpu.memory_space<hbm>>
    tpu.enqueue_dma source(%dma_start3A_92 : memref<512xi32, #tpu.memory_space<hbm>>) target(%dma_start3A_90 : memref<512xi32, #tpu.memory_space<vmem>>) target_semaphore(%dma_start3A_88 : memref<!tpu.dma_semaphore, #tpu.memory_space<semaphore_mem>>)
    %dma_wait3A = arith.constant 0 : i32
    %dma_wait3A_93 = arith.constant 0 : i32
    %dma_wait3A_94 = arith.constant 0 : i32
    %dma_wait3A_95 = arith.constant 0 : i32
    %dma_wait3A_96 = tpu.memref_slice %arg5[%dma_wait3A_95] : memref<7168xi32, #tpu.memory_space<vmem>> -> memref<512xi32, #tpu.memory_space<vmem>>
    %dma_wait3A_97 = tpu.memref_slice %arg2[%dma_wait3A, %dma_wait3A_93, %mul3A_2] : memref<7x50x16384xi32, #tpu.memory_space<hbm>> -> memref<1x1x512xi32, #tpu.memory_space<hbm>>
    %dma_wait3A_98 = tpu.memref_squeeze %dma_wait3A_97 : memref<1x1x512xi32, #tpu.memory_space<hbm>> -> memref<512xi32, #tpu.memory_space<hbm>>
    %dma_wait3A_99 = tpu.memref_slice %arg7[%dma_wait3A_94] : memref<2x!tpu.dma_semaphore, #tpu.memory_space<semaphore_mem>> -> memref<1x!tpu.dma_semaphore, #tpu.memory_space<semaphore_mem>>
    %dma_wait3A_100 = tpu.memref_squeeze %dma_wait3A_99 : memref<1x!tpu.dma_semaphore, #tpu.memory_space<semaphore_mem>> -> memref<!tpu.dma_semaphore, #tpu.memory_space<semaphore_mem>>
    %dma_wait3A_101 = arith.constant 0 : i32
    %dma_wait3A_102 = tpu.memref_slice %arg5[%dma_wait3A_101] : memref<7168xi32, #tpu.memory_space<vmem>> -> memref<512xi32, #tpu.memory_space<vmem>>
    %dma_wait3A_103 = tpu.memref_slice %arg2[%dma_wait3A, %dma_wait3A_93, %mul3A_2] : memref<7x50x16384xi32, #tpu.memory_space<hbm>> -> memref<1x1x512xi32, #tpu.memory_space<hbm>>
    %dma_wait3A_104 = tpu.memref_squeeze %dma_wait3A_103 : memref<1x1x512xi32, #tpu.memory_space<hbm>> -> memref<512xi32, #tpu.memory_space<hbm>>
    tpu.wait_dma2 semaphore(%dma_wait3A_100 : memref<!tpu.dma_semaphore, #tpu.memory_space<semaphore_mem>>) src(%dma_wait3A_104 : memref<512xi32, #tpu.memory_space<hbm>>) dst(%dma_wait3A_102 : memref<512xi32, #tpu.memory_space<vmem>>)
    %dma_wait3A_105 = arith.constant 1 : i32
    %dma_wait3A_106 = arith.constant 0 : i32
    %dma_wait3A_107 = arith.constant 0 : i32
    %dma_wait3A_108 = arith.constant 512 : i32
    %dma_wait3A_109 = tpu.memref_slice %arg5[%dma_wait3A_108] : memref<7168xi32, #tpu.memory_space<vmem>> -> memref<512xi32, #tpu.memory_space<vmem>>
    %dma_wait3A_110 = tpu.memref_slice %arg2[%dma_wait3A_105, %dma_wait3A_106, %mul3A_2] : memref<7x50x16384xi32, #tpu.memory_space<hbm>> -> memref<1x1x512xi32, #tpu.memory_space<hbm>>
    %dma_wait3A_111 = tpu.memref_squeeze %dma_wait3A_110 : memref<1x1x512xi32, #tpu.memory_space<hbm>> -> memref<512xi32, #tpu.memory_space<hbm>>
    %dma_wait3A_112 = tpu.memref_slice %arg7[%dma_wait3A_107] : memref<2x!tpu.dma_semaphore, #tpu.memory_space<semaphore_mem>> -> memref<1x!tpu.dma_semaphore, #tpu.memory_space<semaphore_mem>>
    %dma_wait3A_113 = tpu.memref_squeeze %dma_wait3A_112 : memref<1x!tpu.dma_semaphore, #tpu.memory_space<semaphore_mem>> -> memref<!tpu.dma_semaphore, #tpu.memory_space<semaphore_mem>>
    %dma_wait3A_114 = arith.constant 512 : i32
    %dma_wait3A_115 = tpu.memref_slice %arg5[%dma_wait3A_114] : memref<7168xi32, #tpu.memory_space<vmem>> -> memref<512xi32, #tpu.memory_space<vmem>>
    %dma_wait3A_116 = tpu.memref_slice %arg2[%dma_wait3A_105, %dma_wait3A_106, %mul3A_2] : memref<7x50x16384xi32, #tpu.memory_space<hbm>> -> memref<1x1x512xi32, #tpu.memory_space<hbm>>
    %dma_wait3A_117 = tpu.memref_squeeze %dma_wait3A_116 : memref<1x1x512xi32, #tpu.memory_space<hbm>> -> memref<512xi32, #tpu.memory_space<hbm>>
    tpu.wait_dma2 semaphore(%dma_wait3A_113 : memref<!tpu.dma_semaphore, #tpu.memory_space<semaphore_mem>>) src(%dma_wait3A_117 : memref<512xi32, #tpu.memory_space<hbm>>) dst(%dma_wait3A_115 : memref<512xi32, #tpu.memory_space<vmem>>)
    %dma_wait3A_118 = arith.constant 2 : i32
    %dma_wait3A_119 = arith.constant 0 : i32
    %dma_wait3A_120 = arith.constant 0 : i32
    %dma_wait3A_121 = arith.constant 1024 : i32
    %dma_wait3A_122 = tpu.memref_slice %arg5[%dma_wait3A_121] : memref<7168xi32, #tpu.memory_space<vmem>> -> memref<512xi32, #tpu.memory_space<vmem>>
    %dma_wait3A_123 = tpu.memref_slice %arg2[%dma_wait3A_118, %dma_wait3A_119, %mul3A_2] : memref<7x50x16384xi32, #tpu.memory_space<hbm>> -> memref<1x1x512xi32, #tpu.memory_space<hbm>>
    %dma_wait3A_124 = tpu.memref_squeeze %dma_wait3A_123 : memref<1x1x512xi32, #tpu.memory_space<hbm>> -> memref<512xi32, #tpu.memory_space<hbm>>
    %dma_wait3A_125 = tpu.memref_slice %arg7[%dma_wait3A_120] : memref<2x!tpu.dma_semaphore, #tpu.memory_space<semaphore_mem>> -> memref<1x!tpu.dma_semaphore, #tpu.memory_space<semaphore_mem>>
    %dma_wait3A_126 = tpu.memref_squeeze %dma_wait3A_125 : memref<1x!tpu.dma_semaphore, #tpu.memory_space<semaphore_mem>> -> memref<!tpu.dma_semaphore, #tpu.memory_space<semaphore_mem>>
    %dma_wait3A_127 = arith.constant 1024 : i32
    %dma_wait3A_128 = tpu.memref_slice %arg5[%dma_wait3A_127] : memref<7168xi32, #tpu.memory_space<vmem>> -> memref<512xi32, #tpu.memory_space<vmem>>
    %dma_wait3A_129 = tpu.memref_slice %arg2[%dma_wait3A_118, %dma_wait3A_119, %mul3A_2] : memref<7x50x16384xi32, #tpu.memory_space<hbm>> -> memref<1x1x512xi32, #tpu.memory_space<hbm>>
    %dma_wait3A_130 = tpu.memref_squeeze %dma_wait3A_129 : memref<1x1x512xi32, #tpu.memory_space<hbm>> -> memref<512xi32, #tpu.memory_space<hbm>>
    tpu.wait_dma2 semaphore(%dma_wait3A_126 : memref<!tpu.dma_semaphore, #tpu.memory_space<semaphore_mem>>) src(%dma_wait3A_130 : memref<512xi32, #tpu.memory_space<hbm>>) dst(%dma_wait3A_128 : memref<512xi32, #tpu.memory_space<vmem>>)
    %dma_wait3A_131 = arith.constant 3 : i32
    %dma_wait3A_132 = arith.constant 0 : i32
    %dma_wait3A_133 = arith.constant 0 : i32
    %dma_wait3A_134 = arith.constant 1536 : i32
    %dma_wait3A_135 = tpu.memref_slice %arg5[%dma_wait3A_134] : memref<7168xi32, #tpu.memory_space<vmem>> -> memref<512xi32, #tpu.memory_space<vmem>>
    %dma_wait3A_136 = tpu.memref_slice %arg2[%dma_wait3A_131, %dma_wait3A_132, %mul3A_2] : memref<7x50x16384xi32, #tpu.memory_space<hbm>> -> memref<1x1x512xi32, #tpu.memory_space<hbm>>
    %dma_wait3A_137 = tpu.memref_squeeze %dma_wait3A_136 : memref<1x1x512xi32, #tpu.memory_space<hbm>> -> memref<512xi32, #tpu.memory_space<hbm>>
    %dma_wait3A_138 = tpu.memref_slice %arg7[%dma_wait3A_133] : memref<2x!tpu.dma_semaphore, #tpu.memory_space<semaphore_mem>> -> memref<1x!tpu.dma_semaphore, #tpu.memory_space<semaphore_mem>>
    %dma_wait3A_139 = tpu.memref_squeeze %dma_wait3A_138 : memref<1x!tpu.dma_semaphore, #tpu.memory_space<semaphore_mem>> -> memref<!tpu.dma_semaphore, #tpu.memory_space<semaphore_mem>>
    %dma_wait3A_140 = arith.constant 1536 : i32
    %dma_wait3A_141 = tpu.memref_slice %arg5[%dma_wait3A_140] : memref<7168xi32, #tpu.memory_space<vmem>> -> memref<512xi32, #tpu.memory_space<vmem>>
    %dma_wait3A_142 = tpu.memref_slice %arg2[%dma_wait3A_131, %dma_wait3A_132, %mul3A_2] : memref<7x50x16384xi32, #tpu.memory_space<hbm>> -> memref<1x1x512xi32, #tpu.memory_space<hbm>>
    %dma_wait3A_143 = tpu.memref_squeeze %dma_wait3A_142 : memref<1x1x512xi32, #tpu.memory_space<hbm>> -> memref<512xi32, #tpu.memory_space<hbm>>
    tpu.wait_dma2 semaphore(%dma_wait3A_139 : memref<!tpu.dma_semaphore, #tpu.memory_space<semaphore_mem>>) src(%dma_wait3A_143 : memref<512xi32, #tpu.memory_space<hbm>>) dst(%dma_wait3A_141 : memref<512xi32, #tpu.memory_space<vmem>>)
    %dma_wait3A_144 = arith.constant 4 : i32
    %dma_wait3A_145 = arith.constant 0 : i32
    %dma_wait3A_146 = arith.constant 0 : i32
    %dma_wait3A_147 = arith.constant 2048 : i32
    %dma_wait3A_148 = tpu.memref_slice %arg5[%dma_wait3A_147] : memref<7168xi32, #tpu.memory_space<vmem>> -> memref<512xi32, #tpu.memory_space<vmem>>
    %dma_wait3A_149 = tpu.memref_slice %arg2[%dma_wait3A_144, %dma_wait3A_145, %mul3A_2] : memref<7x50x16384xi32, #tpu.memory_space<hbm>> -> memref<1x1x512xi32, #tpu.memory_space<hbm>>
    %dma_wait3A_150 = tpu.memref_squeeze %dma_wait3A_149 : memref<1x1x512xi32, #tpu.memory_space<hbm>> -> memref<512xi32, #tpu.memory_space<hbm>>
    %dma_wait3A_151 = tpu.memref_slice %arg7[%dma_wait3A_146] : memref<2x!tpu.dma_semaphore, #tpu.memory_space<semaphore_mem>> -> memref<1x!tpu.dma_semaphore, #tpu.memory_space<semaphore_mem>>
    %dma_wait3A_152 = tpu.memref_squeeze %dma_wait3A_151 : memref<1x!tpu.dma_semaphore, #tpu.memory_space<semaphore_mem>> -> memref<!tpu.dma_semaphore, #tpu.memory_space<semaphore_mem>>
    %dma_wait3A_153 = arith.constant 2048 : i32
    %dma_wait3A_154 = tpu.memref_slice %arg5[%dma_wait3A_153] : memref<7168xi32, #tpu.memory_space<vmem>> -> memref<512xi32, #tpu.memory_space<vmem>>
    %dma_wait3A_155 = tpu.memref_slice %arg2[%dma_wait3A_144, %dma_wait3A_145, %mul3A_2] : memref<7x50x16384xi32, #tpu.memory_space<hbm>> -> memref<1x1x512xi32, #tpu.memory_space<hbm>>
    %dma_wait3A_156 = tpu.memref_squeeze %dma_wait3A_155 : memref<1x1x512xi32, #tpu.memory_space<hbm>> -> memref<512xi32, #tpu.memory_space<hbm>>
    tpu.wait_dma2 semaphore(%dma_wait3A_152 : memref<!tpu.dma_semaphore, #tpu.memory_space<semaphore_mem>>) src(%dma_wait3A_156 : memref<512xi32, #tpu.memory_space<hbm>>) dst(%dma_wait3A_154 : memref<512xi32, #tpu.memory_space<vmem>>)
    %dma_wait3A_157 = arith.constant 5 : i32
    %dma_wait3A_158 = arith.constant 0 : i32
    %dma_wait3A_159 = arith.constant 0 : i32
    %dma_wait3A_160 = arith.constant 2560 : i32
    %dma_wait3A_161 = tpu.memref_slice %arg5[%dma_wait3A_160] : memref<7168xi32, #tpu.memory_space<vmem>> -> memref<512xi32, #tpu.memory_space<vmem>>
    %dma_wait3A_162 = tpu.memref_slice %arg2[%dma_wait3A_157, %dma_wait3A_158, %mul3A_2] : memref<7x50x16384xi32, #tpu.memory_space<hbm>> -> memref<1x1x512xi32, #tpu.memory_space<hbm>>
    %dma_wait3A_163 = tpu.memref_squeeze %dma_wait3A_162 : memref<1x1x512xi32, #tpu.memory_space<hbm>> -> memref<512xi32, #tpu.memory_space<hbm>>
    %dma_wait3A_164 = tpu.memref_slice %arg7[%dma_wait3A_159] : memref<2x!tpu.dma_semaphore, #tpu.memory_space<semaphore_mem>> -> memref<1x!tpu.dma_semaphore, #tpu.memory_space<semaphore_mem>>
    %dma_wait3A_165 = tpu.memref_squeeze %dma_wait3A_164 : memref<1x!tpu.dma_semaphore, #tpu.memory_space<semaphore_mem>> -> memref<!tpu.dma_semaphore, #tpu.memory_space<semaphore_mem>>
    %dma_wait3A_166 = arith.constant 2560 : i32
    %dma_wait3A_167 = tpu.memref_slice %arg5[%dma_wait3A_166] : memref<7168xi32, #tpu.memory_space<vmem>> -> memref<512xi32, #tpu.memory_space<vmem>>
    %dma_wait3A_168 = tpu.memref_slice %arg2[%dma_wait3A_157, %dma_wait3A_158, %mul3A_2] : memref<7x50x16384xi32, #tpu.memory_space<hbm>> -> memref<1x1x512xi32, #tpu.memory_space<hbm>>
    %dma_wait3A_169 = tpu.memref_squeeze %dma_wait3A_168 : memref<1x1x512xi32, #tpu.memory_space<hbm>> -> memref<512xi32, #tpu.memory_space<hbm>>
    tpu.wait_dma2 semaphore(%dma_wait3A_165 : memref<!tpu.dma_semaphore, #tpu.memory_space<semaphore_mem>>) src(%dma_wait3A_169 : memref<512xi32, #tpu.memory_space<hbm>>) dst(%dma_wait3A_167 : memref<512xi32, #tpu.memory_space<vmem>>)
    %dma_wait3A_170 = arith.constant 6 : i32
    %dma_wait3A_171 = arith.constant 0 : i32
    %dma_wait3A_172 = arith.constant 0 : i32
    %dma_wait3A_173 = arith.constant 3072 : i32
    %dma_wait3A_174 = tpu.memref_slice %arg5[%dma_wait3A_173] : memref<7168xi32, #tpu.memory_space<vmem>> -> memref<512xi32, #tpu.memory_space<vmem>>
    %dma_wait3A_175 = tpu.memref_slice %arg2[%dma_wait3A_170, %dma_wait3A_171, %mul3A_2] : memref<7x50x16384xi32, #tpu.memory_space<hbm>> -> memref<1x1x512xi32, #tpu.memory_space<hbm>>
    %dma_wait3A_176 = tpu.memref_squeeze %dma_wait3A_175 : memref<1x1x512xi32, #tpu.memory_space<hbm>> -> memref<512xi32, #tpu.memory_space<hbm>>
    %dma_wait3A_177 = tpu.memref_slice %arg7[%dma_wait3A_172] : memref<2x!tpu.dma_semaphore, #tpu.memory_space<semaphore_mem>> -> memref<1x!tpu.dma_semaphore, #tpu.memory_space<semaphore_mem>>
    %dma_wait3A_178 = tpu.memref_squeeze %dma_wait3A_177 : memref<1x!tpu.dma_semaphore, #tpu.memory_space<semaphore_mem>> -> memref<!tpu.dma_semaphore, #tpu.memory_space<semaphore_mem>>
    %dma_wait3A_179 = arith.constant 3072 : i32
    %dma_wait3A_180 = tpu.memref_slice %arg5[%dma_wait3A_179] : memref<7168xi32, #tpu.memory_space<vmem>> -> memref<512xi32, #tpu.memory_space<vmem>>
    %dma_wait3A_181 = tpu.memref_slice %arg2[%dma_wait3A_170, %dma_wait3A_171, %mul3A_2] : memref<7x50x16384xi32, #tpu.memory_space<hbm>> -> memref<1x1x512xi32, #tpu.memory_space<hbm>>
    %dma_wait3A_182 = tpu.memref_squeeze %dma_wait3A_181 : memref<1x1x512xi32, #tpu.memory_space<hbm>> -> memref<512xi32, #tpu.memory_space<hbm>>
    tpu.wait_dma2 semaphore(%dma_wait3A_178 : memref<!tpu.dma_semaphore, #tpu.memory_space<semaphore_mem>>) src(%dma_wait3A_182 : memref<512xi32, #tpu.memory_space<hbm>>) dst(%dma_wait3A_180 : memref<512xi32, #tpu.memory_space<vmem>>)
    %dma_start3A_183 = arith.constant 0 : i32
    %dma_start3A_184 = arith.constant 0 : i32
    %dma_start3A_185 = arith.constant 0 : i32
    %dma_start3A_186 = arith.constant 0 : i32
    %dma_start3A_187 = tpu.memref_slice %arg6[%dma_start3A_183, %dma_start3A_185, %dma_start3A_186] : memref<2x512x32xf32, #tpu.memory_space<vmem>> -> memref<1x128x32xf32, #tpu.memory_space<vmem>>
    %dma_start3A_188 = tpu.memref_squeeze %dma_start3A_187 : memref<1x128x32xf32, #tpu.memory_space<vmem>> -> memref<128x32xf32, #tpu.memory_space<vmem>>
    %dma_start3A_189 = arith.constant 0 : i32
    %dma_start3A_190 = tpu.memref_slice %arg5[%dma_start3A_189] : memref<7168xi32, #tpu.memory_space<vmem>> -> memref<128xi32, #tpu.memory_space<vmem>>
    %dma_start3A_191 = arith.constant 0 : i32
    %dma_start3A_192 = arith.constant 0 : i32
    %dma_start3A_193 = tpu.memref_slice %arg3[%dma_start3A_191, %dma_start3A_192] : memref<1000000x32xf32, #tpu.memory_space<hbm>> -> memref<1000000x32xf32, #tpu.memory_space<hbm>>
    %dma_start3A_194 = tpu.memref_slice %arg8[%dma_start3A_184] : memref<2x!tpu.dma_semaphore, #tpu.memory_space<semaphore_mem>> -> memref<1x!tpu.dma_semaphore, #tpu.memory_space<semaphore_mem>>
    %dma_start3A_195 = tpu.memref_squeeze %dma_start3A_194 : memref<1x!tpu.dma_semaphore, #tpu.memory_space<semaphore_mem>> -> memref<!tpu.dma_semaphore, #tpu.memory_space<semaphore_mem>>
    tpu.enqueue_indirect_dma source(%dma_start3A_193 : memref<1000000x32xf32, #tpu.memory_space<hbm>>) target(%dma_start3A_188 : memref<128x32xf32, #tpu.memory_space<vmem>>) offsets(%dma_start3A_190 : memref<128xi32, #tpu.memory_space<vmem>>) semaphore(%dma_start3A_195 : memref<!tpu.dma_semaphore, #tpu.memory_space<semaphore_mem>>)
    %dma_start3A_196 = arith.constant 0 : i32
    %dma_start3A_197 = arith.constant 0 : i32
    %dma_start3A_198 = arith.constant 128 : i32
    %dma_start3A_199 = arith.constant 0 : i32
    %dma_start3A_200 = tpu.memref_slice %arg6[%dma_start3A_196, %dma_start3A_198, %dma_start3A_199] : memref<2x512x32xf32, #tpu.memory_space<vmem>> -> memref<1x128x32xf32, #tpu.memory_space<vmem>>
    %dma_start3A_201 = tpu.memref_squeeze %dma_start3A_200 : memref<1x128x32xf32, #tpu.memory_space<vmem>> -> memref<128x32xf32, #tpu.memory_space<vmem>>
    %dma_start3A_202 = arith.constant 128 : i32
    %dma_start3A_203 = tpu.memref_slice %arg5[%dma_start3A_202] : memref<7168xi32, #tpu.memory_space<vmem>> -> memref<128xi32, #tpu.memory_space<vmem>>
    %dma_start3A_204 = arith.constant 0 : i32
    %dma_start3A_205 = arith.constant 0 : i32
    %dma_start3A_206 = tpu.memref_slice %arg3[%dma_start3A_204, %dma_start3A_205] : memref<1000000x32xf32, #tpu.memory_space<hbm>> -> memref<1000000x32xf32, #tpu.memory_space<hbm>>
    %dma_start3A_207 = tpu.memref_slice %arg8[%dma_start3A_197] : memref<2x!tpu.dma_semaphore, #tpu.memory_space<semaphore_mem>> -> memref<1x!tpu.dma_semaphore, #tpu.memory_space<semaphore_mem>>
    %dma_start3A_208 = tpu.memref_squeeze %dma_start3A_207 : memref<1x!tpu.dma_semaphore, #tpu.memory_space<semaphore_mem>> -> memref<!tpu.dma_semaphore, #tpu.memory_space<semaphore_mem>>
    tpu.enqueue_indirect_dma source(%dma_start3A_206 : memref<1000000x32xf32, #tpu.memory_space<hbm>>) target(%dma_start3A_201 : memref<128x32xf32, #tpu.memory_space<vmem>>) offsets(%dma_start3A_203 : memref<128xi32, #tpu.memory_space<vmem>>) semaphore(%dma_start3A_208 : memref<!tpu.dma_semaphore, #tpu.memory_space<semaphore_mem>>)
    %dma_start3A_209 = arith.constant 0 : i32
    %dma_start3A_210 = arith.constant 0 : i32
    %dma_start3A_211 = arith.constant 256 : i32
    %dma_start3A_212 = arith.constant 0 : i32
    %dma_start3A_213 = tpu.memref_slice %arg6[%dma_start3A_209, %dma_start3A_211, %dma_start3A_212] : memref<2x512x32xf32, #tpu.memory_space<vmem>> -> memref<1x128x32xf32, #tpu.memory_space<vmem>>
    %dma_start3A_214 = tpu.memref_squeeze %dma_start3A_213 : memref<1x128x32xf32, #tpu.memory_space<vmem>> -> memref<128x32xf32, #tpu.memory_space<vmem>>
    %dma_start3A_215 = arith.constant 256 : i32
    %dma_start3A_216 = tpu.memref_slice %arg5[%dma_start3A_215] : memref<7168xi32, #tpu.memory_space<vmem>> -> memref<128xi32, #tpu.memory_space<vmem>>
    %dma_start3A_217 = arith.constant 0 : i32
    %dma_start3A_218 = arith.constant 0 : i32
    %dma_start3A_219 = tpu.memref_slice %arg3[%dma_start3A_217, %dma_start3A_218] : memref<1000000x32xf32, #tpu.memory_space<hbm>> -> memref<1000000x32xf32, #tpu.memory_space<hbm>>
    %dma_start3A_220 = tpu.memref_slice %arg8[%dma_start3A_210] : memref<2x!tpu.dma_semaphore, #tpu.memory_space<semaphore_mem>> -> memref<1x!tpu.dma_semaphore, #tpu.memory_space<semaphore_mem>>
    %dma_start3A_221 = tpu.memref_squeeze %dma_start3A_220 : memref<1x!tpu.dma_semaphore, #tpu.memory_space<semaphore_mem>> -> memref<!tpu.dma_semaphore, #tpu.memory_space<semaphore_mem>>
    tpu.enqueue_indirect_dma source(%dma_start3A_219 : memref<1000000x32xf32, #tpu.memory_space<hbm>>) target(%dma_start3A_214 : memref<128x32xf32, #tpu.memory_space<vmem>>) offsets(%dma_start3A_216 : memref<128xi32, #tpu.memory_space<vmem>>) semaphore(%dma_start3A_221 : memref<!tpu.dma_semaphore, #tpu.memory_space<semaphore_mem>>)
    %dma_start3A_222 = arith.constant 0 : i32
    %dma_start3A_223 = arith.constant 0 : i32
    %dma_start3A_224 = arith.constant 384 : i32
    %dma_start3A_225 = arith.constant 0 : i32
    %dma_start3A_226 = tpu.memref_slice %arg6[%dma_start3A_222, %dma_start3A_224, %dma_start3A_225] : memref<2x512x32xf32, #tpu.memory_space<vmem>> -> memref<1x128x32xf32, #tpu.memory_space<vmem>>
    %dma_start3A_227 = tpu.memref_squeeze %dma_start3A_226 : memref<1x128x32xf32, #tpu.memory_space<vmem>> -> memref<128x32xf32, #tpu.memory_space<vmem>>
    %dma_start3A_228 = arith.constant 384 : i32
    %dma_start3A_229 = tpu.memref_slice %arg5[%dma_start3A_228] : memref<7168xi32, #tpu.memory_space<vmem>> -> memref<128xi32, #tpu.memory_space<vmem>>
    %dma_start3A_230 = arith.constant 0 : i32
    %dma_start3A_231 = arith.constant 0 : i32
    %dma_start3A_232 = tpu.memref_slice %arg3[%dma_start3A_230, %dma_start3A_231] : memref<1000000x32xf32, #tpu.memory_space<hbm>> -> memref<1000000x32xf32, #tpu.memory_space<hbm>>
    %dma_start3A_233 = tpu.memref_slice %arg8[%dma_start3A_223] : memref<2x!tpu.dma_semaphore, #tpu.memory_space<semaphore_mem>> -> memref<1x!tpu.dma_semaphore, #tpu.memory_space<semaphore_mem>>
    %dma_start3A_234 = tpu.memref_squeeze %dma_start3A_233 : memref<1x!tpu.dma_semaphore, #tpu.memory_space<semaphore_mem>> -> memref<!tpu.dma_semaphore, #tpu.memory_space<semaphore_mem>>
    tpu.enqueue_indirect_dma source(%dma_start3A_232 : memref<1000000x32xf32, #tpu.memory_space<hbm>>) target(%dma_start3A_227 : memref<128x32xf32, #tpu.memory_space<vmem>>) offsets(%dma_start3A_229 : memref<128xi32, #tpu.memory_space<vmem>>) semaphore(%dma_start3A_234 : memref<!tpu.dma_semaphore, #tpu.memory_space<semaphore_mem>>)
    %dma_wait3A_235 = arith.constant 0 : i32
    %dma_wait3A_236 = arith.constant 0 : i32
    %dma_wait3A_237 = arith.constant 0 : i32
    %dma_wait3A_238 = arith.constant 0 : i32
    %dma_wait3A_239 = tpu.memref_slice %arg6[%dma_wait3A_235, %dma_wait3A_237, %dma_wait3A_238] : memref<2x512x32xf32, #tpu.memory_space<vmem>> -> memref<1x128x32xf32, #tpu.memory_space<vmem>>
    %dma_wait3A_240 = tpu.memref_squeeze %dma_wait3A_239 : memref<1x128x32xf32, #tpu.memory_space<vmem>> -> memref<128x32xf32, #tpu.memory_space<vmem>>
    %dma_wait3A_241 = arith.constant 0 : i32
    %dma_wait3A_242 = tpu.memref_slice %arg5[%dma_wait3A_241] : memref<7168xi32, #tpu.memory_space<vmem>> -> memref<128xi32, #tpu.memory_space<vmem>>
    %dma_wait3A_243 = arith.constant 0 : i32
    %dma_wait3A_244 = arith.constant 0 : i32
    %dma_wait3A_245 = tpu.memref_slice %arg3[%dma_wait3A_243, %dma_wait3A_244] : memref<1000000x32xf32, #tpu.memory_space<hbm>> -> memref<1000000x32xf32, #tpu.memory_space<hbm>>
    %dma_wait3A_246 = tpu.memref_slice %arg8[%dma_wait3A_236] : memref<2x!tpu.dma_semaphore, #tpu.memory_space<semaphore_mem>> -> memref<1x!tpu.dma_semaphore, #tpu.memory_space<semaphore_mem>>
    %dma_wait3A_247 = tpu.memref_squeeze %dma_wait3A_246 : memref<1x!tpu.dma_semaphore, #tpu.memory_space<semaphore_mem>> -> memref<!tpu.dma_semaphore, #tpu.memory_space<semaphore_mem>>
    tpu.wait_indirect_dma semaphore(%dma_wait3A_247 : memref<!tpu.dma_semaphore, #tpu.memory_space<semaphore_mem>>) src(%dma_wait3A_245 : memref<1000000x32xf32, #tpu.memory_space<hbm>>) dst(%dma_wait3A_240 : memref<128x32xf32, #tpu.memory_space<vmem>>)
    %dma_wait3A_248 = arith.constant 0 : i32
    %dma_wait3A_249 = arith.constant 0 : i32
    %dma_wait3A_250 = arith.constant 128 : i32
    %dma_wait3A_251 = arith.constant 0 : i32
    %dma_wait3A_252 = tpu.memref_slice %arg6[%dma_wait3A_248, %dma_wait3A_250, %dma_wait3A_251] : memref<2x512x32xf32, #tpu.memory_space<vmem>> -> memref<1x128x32xf32, #tpu.memory_space<vmem>>
    %dma_wait3A_253 = tpu.memref_squeeze %dma_wait3A_252 : memref<1x128x32xf32, #tpu.memory_space<vmem>> -> memref<128x32xf32, #tpu.memory_space<vmem>>
    %dma_wait3A_254 = arith.constant 128 : i32
    %dma_wait3A_255 = tpu.memref_slice %arg5[%dma_wait3A_254] : memref<7168xi32, #tpu.memory_space<vmem>> -> memref<128xi32, #tpu.memory_space<vmem>>
    %dma_wait3A_256 = arith.constant 0 : i32
    %dma_wait3A_257 = arith.constant 0 : i32
    %dma_wait3A_258 = tpu.memref_slice %arg3[%dma_wait3A_256, %dma_wait3A_257] : memref<1000000x32xf32, #tpu.memory_space<hbm>> -> memref<1000000x32xf32, #tpu.memory_space<hbm>>
    %dma_wait3A_259 = tpu.memref_slice %arg8[%dma_wait3A_249] : memref<2x!tpu.dma_semaphore, #tpu.memory_space<semaphore_mem>> -> memref<1x!tpu.dma_semaphore, #tpu.memory_space<semaphore_mem>>
    %dma_wait3A_260 = tpu.memref_squeeze %dma_wait3A_259 : memref<1x!tpu.dma_semaphore, #tpu.memory_space<semaphore_mem>> -> memref<!tpu.dma_semaphore, #tpu.memory_space<semaphore_mem>>
    tpu.wait_indirect_dma semaphore(%dma_wait3A_260 : memref<!tpu.dma_semaphore, #tpu.memory_space<semaphore_mem>>) src(%dma_wait3A_258 : memref<1000000x32xf32, #tpu.memory_space<hbm>>) dst(%dma_wait3A_253 : memref<128x32xf32, #tpu.memory_space<vmem>>)
    %dma_wait3A_261 = arith.constant 0 : i32
    %dma_wait3A_262 = arith.constant 0 : i32
    %dma_wait3A_263 = arith.constant 256 : i32
    %dma_wait3A_264 = arith.constant 0 : i32
    %dma_wait3A_265 = tpu.memref_slice %arg6[%dma_wait3A_261, %dma_wait3A_263, %dma_wait3A_264] : memref<2x512x32xf32, #tpu.memory_space<vmem>> -> memref<1x128x32xf32, #tpu.memory_space<vmem>>
    %dma_wait3A_266 = tpu.memref_squeeze %dma_wait3A_265 : memref<1x128x32xf32, #tpu.memory_space<vmem>> -> memref<128x32xf32, #tpu.memory_space<vmem>>
    %dma_wait3A_267 = arith.constant 256 : i32
    %dma_wait3A_268 = tpu.memref_slice %arg5[%dma_wait3A_267] : memref<7168xi32, #tpu.memory_space<vmem>> -> memref<128xi32, #tpu.memory_space<vmem>>
    %dma_wait3A_269 = arith.constant 0 : i32
    %dma_wait3A_270 = arith.constant 0 : i32
    %dma_wait3A_271 = tpu.memref_slice %arg3[%dma_wait3A_269, %dma_wait3A_270] : memref<1000000x32xf32, #tpu.memory_space<hbm>> -> memref<1000000x32xf32, #tpu.memory_space<hbm>>
    %dma_wait3A_272 = tpu.memref_slice %arg8[%dma_wait3A_262] : memref<2x!tpu.dma_semaphore, #tpu.memory_space<semaphore_mem>> -> memref<1x!tpu.dma_semaphore, #tpu.memory_space<semaphore_mem>>
    %dma_wait3A_273 = tpu.memref_squeeze %dma_wait3A_272 : memref<1x!tpu.dma_semaphore, #tpu.memory_space<semaphore_mem>> -> memref<!tpu.dma_semaphore, #tpu.memory_space<semaphore_mem>>
    tpu.wait_indirect_dma semaphore(%dma_wait3A_273 : memref<!tpu.dma_semaphore, #tpu.memory_space<semaphore_mem>>) src(%dma_wait3A_271 : memref<1000000x32xf32, #tpu.memory_space<hbm>>) dst(%dma_wait3A_266 : memref<128x32xf32, #tpu.memory_space<vmem>>)
    %dma_wait3A_274 = arith.constant 0 : i32
    %dma_wait3A_275 = arith.constant 0 : i32
    %dma_wait3A_276 = arith.constant 384 : i32
    %dma_wait3A_277 = arith.constant 0 : i32
    %dma_wait3A_278 = tpu.memref_slice %arg6[%dma_wait3A_274, %dma_wait3A_276, %dma_wait3A_277] : memref<2x512x32xf32, #tpu.memory_space<vmem>> -> memref<1x128x32xf32, #tpu.memory_space<vmem>>
    %dma_wait3A_279 = tpu.memref_squeeze %dma_wait3A_278 : memref<1x128x32xf32, #tpu.memory_space<vmem>> -> memref<128x32xf32, #tpu.memory_space<vmem>>
    %dma_wait3A_280 = arith.constant 384 : i32
    %dma_wait3A_281 = tpu.memref_slice %arg5[%dma_wait3A_280] : memref<7168xi32, #tpu.memory_space<vmem>> -> memref<128xi32, #tpu.memory_space<vmem>>
    %dma_wait3A_282 = arith.constant 0 : i32
    %dma_wait3A_283 = arith.constant 0 : i32
    %dma_wait3A_284 = tpu.memref_slice %arg3[%dma_wait3A_282, %dma_wait3A_283] : memref<1000000x32xf32, #tpu.memory_space<hbm>> -> memref<1000000x32xf32, #tpu.memory_space<hbm>>
    %dma_wait3A_285 = tpu.memref_slice %arg8[%dma_wait3A_275] : memref<2x!tpu.dma_semaphore, #tpu.memory_space<semaphore_mem>> -> memref<1x!tpu.dma_semaphore, #tpu.memory_space<semaphore_mem>>
    %dma_wait3A_286 = tpu.memref_squeeze %dma_wait3A_285 : memref<1x!tpu.dma_semaphore, #tpu.memory_space<semaphore_mem>> -> memref<!tpu.dma_semaphore, #tpu.memory_space<semaphore_mem>>
    tpu.wait_indirect_dma semaphore(%dma_wait3A_286 : memref<!tpu.dma_semaphore, #tpu.memory_space<semaphore_mem>>) src(%dma_wait3A_284 : memref<1000000x32xf32, #tpu.memory_space<hbm>>) dst(%dma_wait3A_279 : memref<128x32xf32, #tpu.memory_space<vmem>>)
    %dma_start3A_287 = arith.constant 0 : i32
    %dma_start3A_288 = arith.constant 0 : i32
    %dma_start3A_289 = arith.constant 0 : i32
    %dma_start3A_290 = arith.constant 0 : i32
    %dma_start3A_291 = tpu.memref_slice %arg6[%dma_start3A_287, %dma_start3A_289, %dma_start3A_290] : memref<2x512x32xf32, #tpu.memory_space<vmem>> -> memref<1x128x32xf32, #tpu.memory_space<vmem>>
    %dma_start3A_292 = tpu.memref_squeeze %dma_start3A_291 : memref<1x128x32xf32, #tpu.memory_space<vmem>> -> memref<128x32xf32, #tpu.memory_space<vmem>>
    %dma_start3A_293 = arith.constant 512 : i32
    %dma_start3A_294 = tpu.memref_slice %arg5[%dma_start3A_293] : memref<7168xi32, #tpu.memory_space<vmem>> -> memref<128xi32, #tpu.memory_space<vmem>>
    %dma_start3A_295 = arith.constant 0 : i32
    %dma_start3A_296 = arith.constant 0 : i32
    %dma_start3A_297 = tpu.memref_slice %arg3[%dma_start3A_295, %dma_start3A_296] : memref<1000000x32xf32, #tpu.memory_space<hbm>> -> memref<1000000x32xf32, #tpu.memory_space<hbm>>
    %dma_start3A_298 = tpu.memref_slice %arg8[%dma_start3A_288] : memref<2x!tpu.dma_semaphore, #tpu.memory_space<semaphore_mem>> -> memref<1x!tpu.dma_semaphore, #tpu.memory_space<semaphore_mem>>
    %dma_start3A_299 = tpu.memref_squeeze %dma_start3A_298 : memref<1x!tpu.dma_semaphore, #tpu.memory_space<semaphore_mem>> -> memref<!tpu.dma_semaphore, #tpu.memory_space<semaphore_mem>>
    tpu.enqueue_indirect_dma source(%dma_start3A_297 : memref<1000000x32xf32, #tpu.memory_space<hbm>>) target(%dma_start3A_292 : memref<128x32xf32, #tpu.memory_space<vmem>>) offsets(%dma_start3A_294 : memref<128xi32, #tpu.memory_space<vmem>>) semaphore(%dma_start3A_299 : memref<!tpu.dma_semaphore, #tpu.memory_space<semaphore_mem>>) {add = true}
    %dma_start3A_300 = arith.constant 0 : i32
    %dma_start3A_301 = arith.constant 0 : i32
    %dma_start3A_302 = arith.constant 128 : i32
    %dma_start3A_303 = arith.constant 0 : i32
    %dma_start3A_304 = tpu.memref_slice %arg6[%dma_start3A_300, %dma_start3A_302, %dma_start3A_303] : memref<2x512x32xf32, #tpu.memory_space<vmem>> -> memref<1x128x32xf32, #tpu.memory_space<vmem>>
    %dma_start3A_305 = tpu.memref_squeeze %dma_start3A_304 : memref<1x128x32xf32, #tpu.memory_space<vmem>> -> memref<128x32xf32, #tpu.memory_space<vmem>>
    %dma_start3A_306 = arith.constant 640 : i32
    %dma_start3A_307 = tpu.memref_slice %arg5[%dma_start3A_306] : memref<7168xi32, #tpu.memory_space<vmem>> -> memref<128xi32, #tpu.memory_space<vmem>>
    %dma_start3A_308 = arith.constant 0 : i32
    %dma_start3A_309 = arith.constant 0 : i32
    %dma_start3A_310 = tpu.memref_slice %arg3[%dma_start3A_308, %dma_start3A_309] : memref<1000000x32xf32, #tpu.memory_space<hbm>> -> memref<1000000x32xf32, #tpu.memory_space<hbm>>
    %dma_start3A_311 = tpu.memref_slice %arg8[%dma_start3A_301] : memref<2x!tpu.dma_semaphore, #tpu.memory_space<semaphore_mem>> -> memref<1x!tpu.dma_semaphore, #tpu.memory_space<semaphore_mem>>
    %dma_start3A_312 = tpu.memref_squeeze %dma_start3A_311 : memref<1x!tpu.dma_semaphore, #tpu.memory_space<semaphore_mem>> -> memref<!tpu.dma_semaphore, #tpu.memory_space<semaphore_mem>>
    tpu.enqueue_indirect_dma source(%dma_start3A_310 : memref<1000000x32xf32, #tpu.memory_space<hbm>>) target(%dma_start3A_305 : memref<128x32xf32, #tpu.memory_space<vmem>>) offsets(%dma_start3A_307 : memref<128xi32, #tpu.memory_space<vmem>>) semaphore(%dma_start3A_312 : memref<!tpu.dma_semaphore, #tpu.memory_space<semaphore_mem>>) {add = true}
    %dma_start3A_313 = arith.constant 0 : i32
    %dma_start3A_314 = arith.constant 0 : i32
    %dma_start3A_315 = arith.constant 256 : i32
    %dma_start3A_316 = arith.constant 0 : i32
    %dma_start3A_317 = tpu.memref_slice %arg6[%dma_start3A_313, %dma_start3A_315, %dma_start3A_316] : memref<2x512x32xf32, #tpu.memory_space<vmem>> -> memref<1x128x32xf32, #tpu.memory_space<vmem>>
    %dma_start3A_318 = tpu.memref_squeeze %dma_start3A_317 : memref<1x128x32xf32, #tpu.memory_space<vmem>> -> memref<128x32xf32, #tpu.memory_space<vmem>>
    %dma_start3A_319 = arith.constant 768 : i32
    %dma_start3A_320 = tpu.memref_slice %arg5[%dma_start3A_319] : memref<7168xi32, #tpu.memory_space<vmem>> -> memref<128xi32, #tpu.memory_space<vmem>>
    %dma_start3A_321 = arith.constant 0 : i32
    %dma_start3A_322 = arith.constant 0 : i32
    %dma_start3A_323 = tpu.memref_slice %arg3[%dma_start3A_321, %dma_start3A_322] : memref<1000000x32xf32, #tpu.memory_space<hbm>> -> memref<1000000x32xf32, #tpu.memory_space<hbm>>
    %dma_start3A_324 = tpu.memref_slice %arg8[%dma_start3A_314] : memref<2x!tpu.dma_semaphore, #tpu.memory_space<semaphore_mem>> -> memref<1x!tpu.dma_semaphore, #tpu.memory_space<semaphore_mem>>
    %dma_start3A_325 = tpu.memref_squeeze %dma_start3A_324 : memref<1x!tpu.dma_semaphore, #tpu.memory_space<semaphore_mem>> -> memref<!tpu.dma_semaphore, #tpu.memory_space<semaphore_mem>>
    tpu.enqueue_indirect_dma source(%dma_start3A_323 : memref<1000000x32xf32, #tpu.memory_space<hbm>>) target(%dma_start3A_318 : memref<128x32xf32, #tpu.memory_space<vmem>>) offsets(%dma_start3A_320 : memref<128xi32, #tpu.memory_space<vmem>>) semaphore(%dma_start3A_325 : memref<!tpu.dma_semaphore, #tpu.memory_space<semaphore_mem>>) {add = true}
    %dma_start3A_326 = arith.constant 0 : i32
    %dma_start3A_327 = arith.constant 0 : i32
    %dma_start3A_328 = arith.constant 384 : i32
    %dma_start3A_329 = arith.constant 0 : i32
    %dma_start3A_330 = tpu.memref_slice %arg6[%dma_start3A_326, %dma_start3A_328, %dma_start3A_329] : memref<2x512x32xf32, #tpu.memory_space<vmem>> -> memref<1x128x32xf32, #tpu.memory_space<vmem>>
    %dma_start3A_331 = tpu.memref_squeeze %dma_start3A_330 : memref<1x128x32xf32, #tpu.memory_space<vmem>> -> memref<128x32xf32, #tpu.memory_space<vmem>>
    %dma_start3A_332 = arith.constant 896 : i32
    %dma_start3A_333 = tpu.memref_slice %arg5[%dma_start3A_332] : memref<7168xi32, #tpu.memory_space<vmem>> -> memref<128xi32, #tpu.memory_space<vmem>>
    %dma_start3A_334 = arith.constant 0 : i32
    %dma_start3A_335 = arith.constant 0 : i32
    %dma_start3A_336 = tpu.memref_slice %arg3[%dma_start3A_334, %dma_start3A_335] : memref<1000000x32xf32, #tpu.memory_space<hbm>> -> memref<1000000x32xf32, #tpu.memory_space<hbm>>
    %dma_start3A_337 = tpu.memref_slice %arg8[%dma_start3A_327] : memref<2x!tpu.dma_semaphore, #tpu.memory_space<semaphore_mem>> -> memref<1x!tpu.dma_semaphore, #tpu.memory_space<semaphore_mem>>
    %dma_start3A_338 = tpu.memref_squeeze %dma_start3A_337 : memref<1x!tpu.dma_semaphore, #tpu.memory_space<semaphore_mem>> -> memref<!tpu.dma_semaphore, #tpu.memory_space<semaphore_mem>>
    tpu.enqueue_indirect_dma source(%dma_start3A_336 : memref<1000000x32xf32, #tpu.memory_space<hbm>>) target(%dma_start3A_331 : memref<128x32xf32, #tpu.memory_space<vmem>>) offsets(%dma_start3A_333 : memref<128xi32, #tpu.memory_space<vmem>>) semaphore(%dma_start3A_338 : memref<!tpu.dma_semaphore, #tpu.memory_space<semaphore_mem>>) {add = true}
    %dma_start3A_339 = arith.constant 0 : i32
    %dma_start3A_340 = arith.constant 0 : i32
    %dma_start3A_341 = arith.constant 0 : i32
    %dma_start3A_342 = arith.constant 0 : i32
    %dma_start3A_343 = tpu.memref_slice %arg6[%dma_start3A_339, %dma_start3A_341, %dma_start3A_342] : memref<2x512x32xf32, #tpu.memory_space<vmem>> -> memref<1x128x32xf32, #tpu.memory_space<vmem>>
    %dma_start3A_344 = tpu.memref_squeeze %dma_start3A_343 : memref<1x128x32xf32, #tpu.memory_space<vmem>> -> memref<128x32xf32, #tpu.memory_space<vmem>>
    %dma_start3A_345 = arith.constant 1024 : i32
    %dma_start3A_346 = tpu.memref_slice %arg5[%dma_start3A_345] : memref<7168xi32, #tpu.memory_space<vmem>> -> memref<128xi32, #tpu.memory_space<vmem>>
    %dma_start3A_347 = arith.constant 0 : i32
    %dma_start3A_348 = arith.constant 0 : i32
    %dma_start3A_349 = tpu.memref_slice %arg3[%dma_start3A_347, %dma_start3A_348] : memref<1000000x32xf32, #tpu.memory_space<hbm>> -> memref<1000000x32xf32, #tpu.memory_space<hbm>>
    %dma_start3A_350 = tpu.memref_slice %arg8[%dma_start3A_340] : memref<2x!tpu.dma_semaphore, #tpu.memory_space<semaphore_mem>> -> memref<1x!tpu.dma_semaphore, #tpu.memory_space<semaphore_mem>>
    %dma_start3A_351 = tpu.memref_squeeze %dma_start3A_350 : memref<1x!tpu.dma_semaphore, #tpu.memory_space<semaphore_mem>> -> memref<!tpu.dma_semaphore, #tpu.memory_space<semaphore_mem>>
    tpu.enqueue_indirect_dma source(%dma_start3A_349 : memref<1000000x32xf32, #tpu.memory_space<hbm>>) target(%dma_start3A_344 : memref<128x32xf32, #tpu.memory_space<vmem>>) offsets(%dma_start3A_346 : memref<128xi32, #tpu.memory_space<vmem>>) semaphore(%dma_start3A_351 : memref<!tpu.dma_semaphore, #tpu.memory_space<semaphore_mem>>) {add = true}
    %dma_start3A_352 = arith.constant 0 : i32
    %dma_start3A_353 = arith.constant 0 : i32
    %dma_start3A_354 = arith.constant 128 : i32
    %dma_start3A_355 = arith.constant 0 : i32
    %dma_start3A_356 = tpu.memref_slice %arg6[%dma_start3A_352, %dma_start3A_354, %dma_start3A_355] : memref<2x512x32xf32, #tpu.memory_space<vmem>> -> memref<1x128x32xf32, #tpu.memory_space<vmem>>
    %dma_start3A_357 = tpu.memref_squeeze %dma_start3A_356 : memref<1x128x32xf32, #tpu.memory_space<vmem>> -> memref<128x32xf32, #tpu.memory_space<vmem>>
    %dma_start3A_358 = arith.constant 1152 : i32
    %dma_start3A_359 = tpu.memref_slice %arg5[%dma_start3A_358] : memref<7168xi32, #tpu.memory_space<vmem>> -> memref<128xi32, #tpu.memory_space<vmem>>
    %dma_start3A_360 = arith.constant 0 : i32
    %dma_start3A_361 = arith.constant 0 : i32
    %dma_start3A_362 = tpu.memref_slice %arg3[%dma_start3A_360, %dma_start3A_361] : memref<1000000x32xf32, #tpu.memory_space<hbm>> -> memref<1000000x32xf32, #tpu.memory_space<hbm>>
    %dma_start3A_363 = tpu.memref_slice %arg8[%dma_start3A_353] : memref<2x!tpu.dma_semaphore, #tpu.memory_space<semaphore_mem>> -> memref<1x!tpu.dma_semaphore, #tpu.memory_space<semaphore_mem>>
    %dma_start3A_364 = tpu.memref_squeeze %dma_start3A_363 : memref<1x!tpu.dma_semaphore, #tpu.memory_space<semaphore_mem>> -> memref<!tpu.dma_semaphore, #tpu.memory_space<semaphore_mem>>
    tpu.enqueue_indirect_dma source(%dma_start3A_362 : memref<1000000x32xf32, #tpu.memory_space<hbm>>) target(%dma_start3A_357 : memref<128x32xf32, #tpu.memory_space<vmem>>) offsets(%dma_start3A_359 : memref<128xi32, #tpu.memory_space<vmem>>) semaphore(%dma_start3A_364 : memref<!tpu.dma_semaphore, #tpu.memory_space<semaphore_mem>>) {add = true}
    %dma_start3A_365 = arith.constant 0 : i32
    %dma_start3A_366 = arith.constant 0 : i32
    %dma_start3A_367 = arith.constant 256 : i32
    %dma_start3A_368 = arith.constant 0 : i32
    %dma_start3A_369 = tpu.memref_slice %arg6[%dma_start3A_365, %dma_start3A_367, %dma_start3A_368] : memref<2x512x32xf32, #tpu.memory_space<vmem>> -> memref<1x128x32xf32, #tpu.memory_space<vmem>>
    %dma_start3A_370 = tpu.memref_squeeze %dma_start3A_369 : memref<1x128x32xf32, #tpu.memory_space<vmem>> -> memref<128x32xf32, #tpu.memory_space<vmem>>
    %dma_start3A_371 = arith.constant 1280 : i32
    %dma_start3A_372 = tpu.memref_slice %arg5[%dma_start3A_371] : memref<7168xi32, #tpu.memory_space<vmem>> -> memref<128xi32, #tpu.memory_space<vmem>>
    %dma_start3A_373 = arith.constant 0 : i32
    %dma_start3A_374 = arith.constant 0 : i32
    %dma_start3A_375 = tpu.memref_slice %arg3[%dma_start3A_373, %dma_start3A_374] : memref<1000000x32xf32, #tpu.memory_space<hbm>> -> memref<1000000x32xf32, #tpu.memory_space<hbm>>
    %dma_start3A_376 = tpu.memref_slice %arg8[%dma_start3A_366] : memref<2x!tpu.dma_semaphore, #tpu.memory_space<semaphore_mem>> -> memref<1x!tpu.dma_semaphore, #tpu.memory_space<semaphore_mem>>
    %dma_start3A_377 = tpu.memref_squeeze %dma_start3A_376 : memref<1x!tpu.dma_semaphore, #tpu.memory_space<semaphore_mem>> -> memref<!tpu.dma_semaphore, #tpu.memory_space<semaphore_mem>>
    tpu.enqueue_indirect_dma source(%dma_start3A_375 : memref<1000000x32xf32, #tpu.memory_space<hbm>>) target(%dma_start3A_370 : memref<128x32xf32, #tpu.memory_space<vmem>>) offsets(%dma_start3A_372 : memref<128xi32, #tpu.memory_space<vmem>>) semaphore(%dma_start3A_377 : memref<!tpu.dma_semaphore, #tpu.memory_space<semaphore_mem>>) {add = true}
    %dma_start3A_378 = arith.constant 0 : i32
    %dma_start3A_379 = arith.constant 0 : i32
    %dma_start3A_380 = arith.constant 384 : i32
    %dma_start3A_381 = arith.constant 0 : i32
    %dma_start3A_382 = tpu.memref_slice %arg6[%dma_start3A_378, %dma_start3A_380, %dma_start3A_381] : memref<2x512x32xf32, #tpu.memory_space<vmem>> -> memref<1x128x32xf32, #tpu.memory_space<vmem>>
    %dma_start3A_383 = tpu.memref_squeeze %dma_start3A_382 : memref<1x128x32xf32, #tpu.memory_space<vmem>> -> memref<128x32xf32, #tpu.memory_space<vmem>>
    %dma_start3A_384 = arith.constant 1408 : i32
    %dma_start3A_385 = tpu.memref_slice %arg5[%dma_start3A_384] : memref<7168xi32, #tpu.memory_space<vmem>> -> memref<128xi32, #tpu.memory_space<vmem>>
    %dma_start3A_386 = arith.constant 0 : i32
    %dma_start3A_387 = arith.constant 0 : i32
    %dma_start3A_388 = tpu.memref_slice %arg3[%dma_start3A_386, %dma_start3A_387] : memref<1000000x32xf32, #tpu.memory_space<hbm>> -> memref<1000000x32xf32, #tpu.memory_space<hbm>>
    %dma_start3A_389 = tpu.memref_slice %arg8[%dma_start3A_379] : memref<2x!tpu.dma_semaphore, #tpu.memory_space<semaphore_mem>> -> memref<1x!tpu.dma_semaphore, #tpu.memory_space<semaphore_mem>>
    %dma_start3A_390 = tpu.memref_squeeze %dma_start3A_389 : memref<1x!tpu.dma_semaphore, #tpu.memory_space<semaphore_mem>> -> memref<!tpu.dma_semaphore, #tpu.memory_space<semaphore_mem>>
    tpu.enqueue_indirect_dma source(%dma_start3A_388 : memref<1000000x32xf32, #tpu.memory_space<hbm>>) target(%dma_start3A_383 : memref<128x32xf32, #tpu.memory_space<vmem>>) offsets(%dma_start3A_385 : memref<128xi32, #tpu.memory_space<vmem>>) semaphore(%dma_start3A_390 : memref<!tpu.dma_semaphore, #tpu.memory_space<semaphore_mem>>) {add = true}
    %dma_start3A_391 = arith.constant 0 : i32
    %dma_start3A_392 = arith.constant 0 : i32
    %dma_start3A_393 = arith.constant 0 : i32
    %dma_start3A_394 = arith.constant 0 : i32
    %dma_start3A_395 = tpu.memref_slice %arg6[%dma_start3A_391, %dma_start3A_393, %dma_start3A_394] : memref<2x512x32xf32, #tpu.memory_space<vmem>> -> memref<1x128x32xf32, #tpu.memory_space<vmem>>
    %dma_start3A_396 = tpu.memref_squeeze %dma_start3A_395 : memref<1x128x32xf32, #tpu.memory_space<vmem>> -> memref<128x32xf32, #tpu.memory_space<vmem>>
    %dma_start3A_397 = arith.constant 1536 : i32
    %dma_start3A_398 = tpu.memref_slice %arg5[%dma_start3A_397] : memref<7168xi32, #tpu.memory_space<vmem>> -> memref<128xi32, #tpu.memory_space<vmem>>
    %dma_start3A_399 = arith.constant 0 : i32
    %dma_start3A_400 = arith.constant 0 : i32
    %dma_start3A_401 = tpu.memref_slice %arg3[%dma_start3A_399, %dma_start3A_400] : memref<1000000x32xf32, #tpu.memory_space<hbm>> -> memref<1000000x32xf32, #tpu.memory_space<hbm>>
    %dma_start3A_402 = tpu.memref_slice %arg8[%dma_start3A_392] : memref<2x!tpu.dma_semaphore, #tpu.memory_space<semaphore_mem>> -> memref<1x!tpu.dma_semaphore, #tpu.memory_space<semaphore_mem>>
    %dma_start3A_403 = tpu.memref_squeeze %dma_start3A_402 : memref<1x!tpu.dma_semaphore, #tpu.memory_space<semaphore_mem>> -> memref<!tpu.dma_semaphore, #tpu.memory_space<semaphore_mem>>
    tpu.enqueue_indirect_dma source(%dma_start3A_401 : memref<1000000x32xf32, #tpu.memory_space<hbm>>) target(%dma_start3A_396 : memref<128x32xf32, #tpu.memory_space<vmem>>) offsets(%dma_start3A_398 : memref<128xi32, #tpu.memory_space<vmem>>) semaphore(%dma_start3A_403 : memref<!tpu.dma_semaphore, #tpu.memory_space<semaphore_mem>>) {add = true}
    %dma_start3A_404 = arith.constant 0 : i32
    %dma_start3A_405 = arith.constant 0 : i32
    %dma_start3A_406 = arith.constant 128 : i32
    %dma_start3A_407 = arith.constant 0 : i32
    %dma_start3A_408 = tpu.memref_slice %arg6[%dma_start3A_404, %dma_start3A_406, %dma_start3A_407] : memref<2x512x32xf32, #tpu.memory_space<vmem>> -> memref<1x128x32xf32, #tpu.memory_space<vmem>>
    %dma_start3A_409 = tpu.memref_squeeze %dma_start3A_408 : memref<1x128x32xf32, #tpu.memory_space<vmem>> -> memref<128x32xf32, #tpu.memory_space<vmem>>
    %dma_start3A_410 = arith.constant 1664 : i32
    %dma_start3A_411 = tpu.memref_slice %arg5[%dma_start3A_410] : memref<7168xi32, #tpu.memory_space<vmem>> -> memref<128xi32, #tpu.memory_space<vmem>>
    %dma_start3A_412 = arith.constant 0 : i32
    %dma_start3A_413 = arith.constant 0 : i32
    %dma_start3A_414 = tpu.memref_slice %arg3[%dma_start3A_412, %dma_start3A_413] : memref<1000000x32xf32, #tpu.memory_space<hbm>> -> memref<1000000x32xf32, #tpu.memory_space<hbm>>
    %dma_start3A_415 = tpu.memref_slice %arg8[%dma_start3A_405] : memref<2x!tpu.dma_semaphore, #tpu.memory_space<semaphore_mem>> -> memref<1x!tpu.dma_semaphore, #tpu.memory_space<semaphore_mem>>
    %dma_start3A_416 = tpu.memref_squeeze %dma_start3A_415 : memref<1x!tpu.dma_semaphore, #tpu.memory_space<semaphore_mem>> -> memref<!tpu.dma_semaphore, #tpu.memory_space<semaphore_mem>>
    tpu.enqueue_indirect_dma source(%dma_start3A_414 : memref<1000000x32xf32, #tpu.memory_space<hbm>>) target(%dma_start3A_409 : memref<128x32xf32, #tpu.memory_space<vmem>>) offsets(%dma_start3A_411 : memref<128xi32, #tpu.memory_space<vmem>>) semaphore(%dma_start3A_416 : memref<!tpu.dma_semaphore, #tpu.memory_space<semaphore_mem>>) {add = true}
    %dma_start3A_417 = arith.constant 0 : i32
    %dma_start3A_418 = arith.constant 0 : i32
    %dma_start3A_419 = arith.constant 256 : i32
    %dma_start3A_420 = arith.constant 0 : i32
    %dma_start3A_421 = tpu.memref_slice %arg6[%dma_start3A_417, %dma_start3A_419, %dma_start3A_420] : memref<2x512x32xf32, #tpu.memory_space<vmem>> -> memref<1x128x32xf32, #tpu.memory_space<vmem>>
    %dma_start3A_422 = tpu.memref_squeeze %dma_start3A_421 : memref<1x128x32xf32, #tpu.memory_space<vmem>> -> memref<128x32xf32, #tpu.memory_space<vmem>>
    %dma_start3A_423 = arith.constant 1792 : i32
    %dma_start3A_424 = tpu.memref_slice %arg5[%dma_start3A_423] : memref<7168xi32, #tpu.memory_space<vmem>> -> memref<128xi32, #tpu.memory_space<vmem>>
    %dma_start3A_425 = arith.constant 0 : i32
    %dma_start3A_426 = arith.constant 0 : i32
    %dma_start3A_427 = tpu.memref_slice %arg3[%dma_start3A_425, %dma_start3A_426] : memref<1000000x32xf32, #tpu.memory_space<hbm>> -> memref<1000000x32xf32, #tpu.memory_space<hbm>>
    %dma_start3A_428 = tpu.memref_slice %arg8[%dma_start3A_418] : memref<2x!tpu.dma_semaphore, #tpu.memory_space<semaphore_mem>> -> memref<1x!tpu.dma_semaphore, #tpu.memory_space<semaphore_mem>>
    %dma_start3A_429 = tpu.memref_squeeze %dma_start3A_428 : memref<1x!tpu.dma_semaphore, #tpu.memory_space<semaphore_mem>> -> memref<!tpu.dma_semaphore, #tpu.memory_space<semaphore_mem>>
    tpu.enqueue_indirect_dma source(%dma_start3A_427 : memref<1000000x32xf32, #tpu.memory_space<hbm>>) target(%dma_start3A_422 : memref<128x32xf32, #tpu.memory_space<vmem>>) offsets(%dma_start3A_424 : memref<128xi32, #tpu.memory_space<vmem>>) semaphore(%dma_start3A_429 : memref<!tpu.dma_semaphore, #tpu.memory_space<semaphore_mem>>) {add = true}
    %dma_start3A_430 = arith.constant 0 : i32
    %dma_start3A_431 = arith.constant 0 : i32
    %dma_start3A_432 = arith.constant 384 : i32
    %dma_start3A_433 = arith.constant 0 : i32
    %dma_start3A_434 = tpu.memref_slice %arg6[%dma_start3A_430, %dma_start3A_432, %dma_start3A_433] : memref<2x512x32xf32, #tpu.memory_space<vmem>> -> memref<1x128x32xf32, #tpu.memory_space<vmem>>
    %dma_start3A_435 = tpu.memref_squeeze %dma_start3A_434 : memref<1x128x32xf32, #tpu.memory_space<vmem>> -> memref<128x32xf32, #tpu.memory_space<vmem>>
    %dma_start3A_436 = arith.constant 1920 : i32
    %dma_start3A_437 = tpu.memref_slice %arg5[%dma_start3A_436] : memref<7168xi32, #tpu.memory_space<vmem>> -> memref<128xi32, #tpu.memory_space<vmem>>
    %dma_start3A_438 = arith.constant 0 : i32
    %dma_start3A_439 = arith.constant 0 : i32
    %dma_start3A_440 = tpu.memref_slice %arg3[%dma_start3A_438, %dma_start3A_439] : memref<1000000x32xf32, #tpu.memory_space<hbm>> -> memref<1000000x32xf32, #tpu.memory_space<hbm>>
    %dma_start3A_441 = tpu.memref_slice %arg8[%dma_start3A_431] : memref<2x!tpu.dma_semaphore, #tpu.memory_space<semaphore_mem>> -> memref<1x!tpu.dma_semaphore, #tpu.memory_space<semaphore_mem>>
    %dma_start3A_442 = tpu.memref_squeeze %dma_start3A_441 : memref<1x!tpu.dma_semaphore, #tpu.memory_space<semaphore_mem>> -> memref<!tpu.dma_semaphore, #tpu.memory_space<semaphore_mem>>
    tpu.enqueue_indirect_dma source(%dma_start3A_440 : memref<1000000x32xf32, #tpu.memory_space<hbm>>) target(%dma_start3A_435 : memref<128x32xf32, #tpu.memory_space<vmem>>) offsets(%dma_start3A_437 : memref<128xi32, #tpu.memory_space<vmem>>) semaphore(%dma_start3A_442 : memref<!tpu.dma_semaphore, #tpu.memory_space<semaphore_mem>>) {add = true}
    %dma_start3A_443 = arith.constant 0 : i32
    %dma_start3A_444 = arith.constant 0 : i32
    %dma_start3A_445 = arith.constant 0 : i32
    %dma_start3A_446 = arith.constant 0 : i32
    %dma_start3A_447 = tpu.memref_slice %arg6[%dma_start3A_443, %dma_start3A_445, %dma_start3A_446] : memref<2x512x32xf32, #tpu.memory_space<vmem>> -> memref<1x128x32xf32, #tpu.memory_space<vmem>>
    %dma_start3A_448 = tpu.memref_squeeze %dma_start3A_447 : memref<1x128x32xf32, #tpu.memory_space<vmem>> -> memref<128x32xf32, #tpu.memory_space<vmem>>
    %dma_start3A_449 = arith.constant 2048 : i32
    %dma_start3A_450 = tpu.memref_slice %arg5[%dma_start3A_449] : memref<7168xi32, #tpu.memory_space<vmem>> -> memref<128xi32, #tpu.memory_space<vmem>>
    %dma_start3A_451 = arith.constant 0 : i32
    %dma_start3A_452 = arith.constant 0 : i32
    %dma_start3A_453 = tpu.memref_slice %arg3[%dma_start3A_451, %dma_start3A_452] : memref<1000000x32xf32, #tpu.memory_space<hbm>> -> memref<1000000x32xf32, #tpu.memory_space<hbm>>
    %dma_start3A_454 = tpu.memref_slice %arg8[%dma_start3A_444] : memref<2x!tpu.dma_semaphore, #tpu.memory_space<semaphore_mem>> -> memref<1x!tpu.dma_semaphore, #tpu.memory_space<semaphore_mem>>
    %dma_start3A_455 = tpu.memref_squeeze %dma_start3A_454 : memref<1x!tpu.dma_semaphore, #tpu.memory_space<semaphore_mem>> -> memref<!tpu.dma_semaphore, #tpu.memory_space<semaphore_mem>>
    tpu.enqueue_indirect_dma source(%dma_start3A_453 : memref<1000000x32xf32, #tpu.memory_space<hbm>>) target(%dma_start3A_448 : memref<128x32xf32, #tpu.memory_space<vmem>>) offsets(%dma_start3A_450 : memref<128xi32, #tpu.memory_space<vmem>>) semaphore(%dma_start3A_455 : memref<!tpu.dma_semaphore, #tpu.memory_space<semaphore_mem>>) {add = true}
    %dma_start3A_456 = arith.constant 0 : i32
    %dma_start3A_457 = arith.constant 0 : i32
    %dma_start3A_458 = arith.constant 128 : i32
    %dma_start3A_459 = arith.constant 0 : i32
    %dma_start3A_460 = tpu.memref_slice %arg6[%dma_start3A_456, %dma_start3A_458, %dma_start3A_459] : memref<2x512x32xf32, #tpu.memory_space<vmem>> -> memref<1x128x32xf32, #tpu.memory_space<vmem>>
    %dma_start3A_461 = tpu.memref_squeeze %dma_start3A_460 : memref<1x128x32xf32, #tpu.memory_space<vmem>> -> memref<128x32xf32, #tpu.memory_space<vmem>>
    %dma_start3A_462 = arith.constant 2176 : i32
    %dma_start3A_463 = tpu.memref_slice %arg5[%dma_start3A_462] : memref<7168xi32, #tpu.memory_space<vmem>> -> memref<128xi32, #tpu.memory_space<vmem>>
    %dma_start3A_464 = arith.constant 0 : i32
    %dma_start3A_465 = arith.constant 0 : i32
    %dma_start3A_466 = tpu.memref_slice %arg3[%dma_start3A_464, %dma_start3A_465] : memref<1000000x32xf32, #tpu.memory_space<hbm>> -> memref<1000000x32xf32, #tpu.memory_space<hbm>>
    %dma_start3A_467 = tpu.memref_slice %arg8[%dma_start3A_457] : memref<2x!tpu.dma_semaphore, #tpu.memory_space<semaphore_mem>> -> memref<1x!tpu.dma_semaphore, #tpu.memory_space<semaphore_mem>>
    %dma_start3A_468 = tpu.memref_squeeze %dma_start3A_467 : memref<1x!tpu.dma_semaphore, #tpu.memory_space<semaphore_mem>> -> memref<!tpu.dma_semaphore, #tpu.memory_space<semaphore_mem>>
    tpu.enqueue_indirect_dma source(%dma_start3A_466 : memref<1000000x32xf32, #tpu.memory_space<hbm>>) target(%dma_start3A_461 : memref<128x32xf32, #tpu.memory_space<vmem>>) offsets(%dma_start3A_463 : memref<128xi32, #tpu.memory_space<vmem>>) semaphore(%dma_start3A_468 : memref<!tpu.dma_semaphore, #tpu.memory_space<semaphore_mem>>) {add = true}
    %dma_start3A_469 = arith.constant 0 : i32
    %dma_start3A_470 = arith.constant 0 : i32
    %dma_start3A_471 = arith.constant 256 : i32
    %dma_start3A_472 = arith.constant 0 : i32
    %dma_start3A_473 = tpu.memref_slice %arg6[%dma_start3A_469, %dma_start3A_471, %dma_start3A_472] : memref<2x512x32xf32, #tpu.memory_space<vmem>> -> memref<1x128x32xf32, #tpu.memory_space<vmem>>
    %dma_start3A_474 = tpu.memref_squeeze %dma_start3A_473 : memref<1x128x32xf32, #tpu.memory_space<vmem>> -> memref<128x32xf32, #tpu.memory_space<vmem>>
    %dma_start3A_475 = arith.constant 2304 : i32
    %dma_start3A_476 = tpu.memref_slice %arg5[%dma_start3A_475] : memref<7168xi32, #tpu.memory_space<vmem>> -> memref<128xi32, #tpu.memory_space<vmem>>
    %dma_start3A_477 = arith.constant 0 : i32
    %dma_start3A_478 = arith.constant 0 : i32
    %dma_start3A_479 = tpu.memref_slice %arg3[%dma_start3A_477, %dma_start3A_478] : memref<1000000x32xf32, #tpu.memory_space<hbm>> -> memref<1000000x32xf32, #tpu.memory_space<hbm>>
    %dma_start3A_480 = tpu.memref_slice %arg8[%dma_start3A_470] : memref<2x!tpu.dma_semaphore, #tpu.memory_space<semaphore_mem>> -> memref<1x!tpu.dma_semaphore, #tpu.memory_space<semaphore_mem>>
    %dma_start3A_481 = tpu.memref_squeeze %dma_start3A_480 : memref<1x!tpu.dma_semaphore, #tpu.memory_space<semaphore_mem>> -> memref<!tpu.dma_semaphore, #tpu.memory_space<semaphore_mem>>
    tpu.enqueue_indirect_dma source(%dma_start3A_479 : memref<1000000x32xf32, #tpu.memory_space<hbm>>) target(%dma_start3A_474 : memref<128x32xf32, #tpu.memory_space<vmem>>) offsets(%dma_start3A_476 : memref<128xi32, #tpu.memory_space<vmem>>) semaphore(%dma_start3A_481 : memref<!tpu.dma_semaphore, #tpu.memory_space<semaphore_mem>>) {add = true}
    %dma_start3A_482 = arith.constant 0 : i32
    %dma_start3A_483 = arith.constant 0 : i32
    %dma_start3A_484 = arith.constant 384 : i32
    %dma_start3A_485 = arith.constant 0 : i32
    %dma_start3A_486 = tpu.memref_slice %arg6[%dma_start3A_482, %dma_start3A_484, %dma_start3A_485] : memref<2x512x32xf32, #tpu.memory_space<vmem>> -> memref<1x128x32xf32, #tpu.memory_space<vmem>>
    %dma_start3A_487 = tpu.memref_squeeze %dma_start3A_486 : memref<1x128x32xf32, #tpu.memory_space<vmem>> -> memref<128x32xf32, #tpu.memory_space<vmem>>
    %dma_start3A_488 = arith.constant 2432 : i32
    %dma_start3A_489 = tpu.memref_slice %arg5[%dma_start3A_488] : memref<7168xi32, #tpu.memory_space<vmem>> -> memref<128xi32, #tpu.memory_space<vmem>>
    %dma_start3A_490 = arith.constant 0 : i32
    %dma_start3A_491 = arith.constant 0 : i32
    %dma_start3A_492 = tpu.memref_slice %arg3[%dma_start3A_490, %dma_start3A_491] : memref<1000000x32xf32, #tpu.memory_space<hbm>> -> memref<1000000x32xf32, #tpu.memory_space<hbm>>
    %dma_start3A_493 = tpu.memref_slice %arg8[%dma_start3A_483] : memref<2x!tpu.dma_semaphore, #tpu.memory_space<semaphore_mem>> -> memref<1x!tpu.dma_semaphore, #tpu.memory_space<semaphore_mem>>
    %dma_start3A_494 = tpu.memref_squeeze %dma_start3A_493 : memref<1x!tpu.dma_semaphore, #tpu.memory_space<semaphore_mem>> -> memref<!tpu.dma_semaphore, #tpu.memory_space<semaphore_mem>>
    tpu.enqueue_indirect_dma source(%dma_start3A_492 : memref<1000000x32xf32, #tpu.memory_space<hbm>>) target(%dma_start3A_487 : memref<128x32xf32, #tpu.memory_space<vmem>>) offsets(%dma_start3A_489 : memref<128xi32, #tpu.memory_space<vmem>>) semaphore(%dma_start3A_494 : memref<!tpu.dma_semaphore, #tpu.memory_space<semaphore_mem>>) {add = true}
    %dma_start3A_495 = arith.constant 0 : i32
    %dma_start3A_496 = arith.constant 0 : i32
    %dma_start3A_497 = arith.constant 0 : i32
    %dma_start3A_498 = arith.constant 0 : i32
    %dma_start3A_499 = tpu.memref_slice %arg6[%dma_start3A_495, %dma_start3A_497, %dma_start3A_498] : memref<2x512x32xf32, #tpu.memory_space<vmem>> -> memref<1x128x32xf32, #tpu.memory_space<vmem>>
    %dma_start3A_500 = tpu.memref_squeeze %dma_start3A_499 : memref<1x128x32xf32, #tpu.memory_space<vmem>> -> memref<128x32xf32, #tpu.memory_space<vmem>>
    %dma_start3A_501 = arith.constant 2560 : i32
    %dma_start3A_502 = tpu.memref_slice %arg5[%dma_start3A_501] : memref<7168xi32, #tpu.memory_space<vmem>> -> memref<128xi32, #tpu.memory_space<vmem>>
    %dma_start3A_503 = arith.constant 0 : i32
    %dma_start3A_504 = arith.constant 0 : i32
    %dma_start3A_505 = tpu.memref_slice %arg3[%dma_start3A_503, %dma_start3A_504] : memref<1000000x32xf32, #tpu.memory_space<hbm>> -> memref<1000000x32xf32, #tpu.memory_space<hbm>>
    %dma_start3A_506 = tpu.memref_slice %arg8[%dma_start3A_496] : memref<2x!tpu.dma_semaphore, #tpu.memory_space<semaphore_mem>> -> memref<1x!tpu.dma_semaphore, #tpu.memory_space<semaphore_mem>>
    %dma_start3A_507 = tpu.memref_squeeze %dma_start3A_506 : memref<1x!tpu.dma_semaphore, #tpu.memory_space<semaphore_mem>> -> memref<!tpu.dma_semaphore, #tpu.memory_space<semaphore_mem>>
    tpu.enqueue_indirect_dma source(%dma_start3A_505 : memref<1000000x32xf32, #tpu.memory_space<hbm>>) target(%dma_start3A_500 : memref<128x32xf32, #tpu.memory_space<vmem>>) offsets(%dma_start3A_502 : memref<128xi32, #tpu.memory_space<vmem>>) semaphore(%dma_start3A_507 : memref<!tpu.dma_semaphore, #tpu.memory_space<semaphore_mem>>) {add = true}
    %dma_start3A_508 = arith.constant 0 : i32
    %dma_start3A_509 = arith.constant 0 : i32
    %dma_start3A_510 = arith.constant 128 : i32
    %dma_start3A_511 = arith.constant 0 : i32
    %dma_start3A_512 = tpu.memref_slice %arg6[%dma_start3A_508, %dma_start3A_510, %dma_start3A_511] : memref<2x512x32xf32, #tpu.memory_space<vmem>> -> memref<1x128x32xf32, #tpu.memory_space<vmem>>
    %dma_start3A_513 = tpu.memref_squeeze %dma_start3A_512 : memref<1x128x32xf32, #tpu.memory_space<vmem>> -> memref<128x32xf32, #tpu.memory_space<vmem>>
    %dma_start3A_514 = arith.constant 2688 : i32
    %dma_start3A_515 = tpu.memref_slice %arg5[%dma_start3A_514] : memref<7168xi32, #tpu.memory_space<vmem>> -> memref<128xi32, #tpu.memory_space<vmem>>
    %dma_start3A_516 = arith.constant 0 : i32
    %dma_start3A_517 = arith.constant 0 : i32
    %dma_start3A_518 = tpu.memref_slice %arg3[%dma_start3A_516, %dma_start3A_517] : memref<1000000x32xf32, #tpu.memory_space<hbm>> -> memref<1000000x32xf32, #tpu.memory_space<hbm>>
    %dma_start3A_519 = tpu.memref_slice %arg8[%dma_start3A_509] : memref<2x!tpu.dma_semaphore, #tpu.memory_space<semaphore_mem>> -> memref<1x!tpu.dma_semaphore, #tpu.memory_space<semaphore_mem>>
    %dma_start3A_520 = tpu.memref_squeeze %dma_start3A_519 : memref<1x!tpu.dma_semaphore, #tpu.memory_space<semaphore_mem>> -> memref<!tpu.dma_semaphore, #tpu.memory_space<semaphore_mem>>
    tpu.enqueue_indirect_dma source(%dma_start3A_518 : memref<1000000x32xf32, #tpu.memory_space<hbm>>) target(%dma_start3A_513 : memref<128x32xf32, #tpu.memory_space<vmem>>) offsets(%dma_start3A_515 : memref<128xi32, #tpu.memory_space<vmem>>) semaphore(%dma_start3A_520 : memref<!tpu.dma_semaphore, #tpu.memory_space<semaphore_mem>>) {add = true}
    %dma_start3A_521 = arith.constant 0 : i32
    %dma_start3A_522 = arith.constant 0 : i32
    %dma_start3A_523 = arith.constant 256 : i32
    %dma_start3A_524 = arith.constant 0 : i32
    %dma_start3A_525 = tpu.memref_slice %arg6[%dma_start3A_521, %dma_start3A_523, %dma_start3A_524] : memref<2x512x32xf32, #tpu.memory_space<vmem>> -> memref<1x128x32xf32, #tpu.memory_space<vmem>>
    %dma_start3A_526 = tpu.memref_squeeze %dma_start3A_525 : memref<1x128x32xf32, #tpu.memory_space<vmem>> -> memref<128x32xf32, #tpu.memory_space<vmem>>
    %dma_start3A_527 = arith.constant 2816 : i32
    %dma_start3A_528 = tpu.memref_slice %arg5[%dma_start3A_527] : memref<7168xi32, #tpu.memory_space<vmem>> -> memref<128xi32, #tpu.memory_space<vmem>>
    %dma_start3A_529 = arith.constant 0 : i32
    %dma_start3A_530 = arith.constant 0 : i32
    %dma_start3A_531 = tpu.memref_slice %arg3[%dma_start3A_529, %dma_start3A_530] : memref<1000000x32xf32, #tpu.memory_space<hbm>> -> memref<1000000x32xf32, #tpu.memory_space<hbm>>
    %dma_start3A_532 = tpu.memref_slice %arg8[%dma_start3A_522] : memref<2x!tpu.dma_semaphore, #tpu.memory_space<semaphore_mem>> -> memref<1x!tpu.dma_semaphore, #tpu.memory_space<semaphore_mem>>
    %dma_start3A_533 = tpu.memref_squeeze %dma_start3A_532 : memref<1x!tpu.dma_semaphore, #tpu.memory_space<semaphore_mem>> -> memref<!tpu.dma_semaphore, #tpu.memory_space<semaphore_mem>>
    tpu.enqueue_indirect_dma source(%dma_start3A_531 : memref<1000000x32xf32, #tpu.memory_space<hbm>>) target(%dma_start3A_526 : memref<128x32xf32, #tpu.memory_space<vmem>>) offsets(%dma_start3A_528 : memref<128xi32, #tpu.memory_space<vmem>>) semaphore(%dma_start3A_533 : memref<!tpu.dma_semaphore, #tpu.memory_space<semaphore_mem>>) {add = true}
    %dma_start3A_534 = arith.constant 0 : i32
    %dma_start3A_535 = arith.constant 0 : i32
    %dma_start3A_536 = arith.constant 384 : i32
    %dma_start3A_537 = arith.constant 0 : i32
    %dma_start3A_538 = tpu.memref_slice %arg6[%dma_start3A_534, %dma_start3A_536, %dma_start3A_537] : memref<2x512x32xf32, #tpu.memory_space<vmem>> -> memref<1x128x32xf32, #tpu.memory_space<vmem>>
    %dma_start3A_539 = tpu.memref_squeeze %dma_start3A_538 : memref<1x128x32xf32, #tpu.memory_space<vmem>> -> memref<128x32xf32, #tpu.memory_space<vmem>>
    %dma_start3A_540 = arith.constant 2944 : i32
    %dma_start3A_541 = tpu.memref_slice %arg5[%dma_start3A_540] : memref<7168xi32, #tpu.memory_space<vmem>> -> memref<128xi32, #tpu.memory_space<vmem>>
    %dma_start3A_542 = arith.constant 0 : i32
    %dma_start3A_543 = arith.constant 0 : i32
    %dma_start3A_544 = tpu.memref_slice %arg3[%dma_start3A_542, %dma_start3A_543] : memref<1000000x32xf32, #tpu.memory_space<hbm>> -> memref<1000000x32xf32, #tpu.memory_space<hbm>>
    %dma_start3A_545 = tpu.memref_slice %arg8[%dma_start3A_535] : memref<2x!tpu.dma_semaphore, #tpu.memory_space<semaphore_mem>> -> memref<1x!tpu.dma_semaphore, #tpu.memory_space<semaphore_mem>>
    %dma_start3A_546 = tpu.memref_squeeze %dma_start3A_545 : memref<1x!tpu.dma_semaphore, #tpu.memory_space<semaphore_mem>> -> memref<!tpu.dma_semaphore, #tpu.memory_space<semaphore_mem>>
    tpu.enqueue_indirect_dma source(%dma_start3A_544 : memref<1000000x32xf32, #tpu.memory_space<hbm>>) target(%dma_start3A_539 : memref<128x32xf32, #tpu.memory_space<vmem>>) offsets(%dma_start3A_541 : memref<128xi32, #tpu.memory_space<vmem>>) semaphore(%dma_start3A_546 : memref<!tpu.dma_semaphore, #tpu.memory_space<semaphore_mem>>) {add = true}
    %dma_start3A_547 = arith.constant 0 : i32
    %dma_start3A_548 = arith.constant 0 : i32
    %dma_start3A_549 = arith.constant 0 : i32
    %dma_start3A_550 = arith.constant 0 : i32
    %dma_start3A_551 = tpu.memref_slice %arg6[%dma_start3A_547, %dma_start3A_549, %dma_start3A_550] : memref<2x512x32xf32, #tpu.memory_space<vmem>> -> memref<1x128x32xf32, #tpu.memory_space<vmem>>
    %dma_start3A_552 = tpu.memref_squeeze %dma_start3A_551 : memref<1x128x32xf32, #tpu.memory_space<vmem>> -> memref<128x32xf32, #tpu.memory_space<vmem>>
    %dma_start3A_553 = arith.constant 3072 : i32
    %dma_start3A_554 = tpu.memref_slice %arg5[%dma_start3A_553] : memref<7168xi32, #tpu.memory_space<vmem>> -> memref<128xi32, #tpu.memory_space<vmem>>
    %dma_start3A_555 = arith.constant 0 : i32
    %dma_start3A_556 = arith.constant 0 : i32
    %dma_start3A_557 = tpu.memref_slice %arg3[%dma_start3A_555, %dma_start3A_556] : memref<1000000x32xf32, #tpu.memory_space<hbm>> -> memref<1000000x32xf32, #tpu.memory_space<hbm>>
    %dma_start3A_558 = tpu.memref_slice %arg8[%dma_start3A_548] : memref<2x!tpu.dma_semaphore, #tpu.memory_space<semaphore_mem>> -> memref<1x!tpu.dma_semaphore, #tpu.memory_space<semaphore_mem>>
    %dma_start3A_559 = tpu.memref_squeeze %dma_start3A_558 : memref<1x!tpu.dma_semaphore, #tpu.memory_space<semaphore_mem>> -> memref<!tpu.dma_semaphore, #tpu.memory_space<semaphore_mem>>
    tpu.enqueue_indirect_dma source(%dma_start3A_557 : memref<1000000x32xf32, #tpu.memory_space<hbm>>) target(%dma_start3A_552 : memref<128x32xf32, #tpu.memory_space<vmem>>) offsets(%dma_start3A_554 : memref<128xi32, #tpu.memory_space<vmem>>) semaphore(%dma_start3A_559 : memref<!tpu.dma_semaphore, #tpu.memory_space<semaphore_mem>>) {add = true}
    %dma_start3A_560 = arith.constant 0 : i32
    %dma_start3A_561 = arith.constant 0 : i32
    %dma_start3A_562 = arith.constant 128 : i32
    %dma_start3A_563 = arith.constant 0 : i32
    %dma_start3A_564 = tpu.memref_slice %arg6[%dma_start3A_560, %dma_start3A_562, %dma_start3A_563] : memref<2x512x32xf32, #tpu.memory_space<vmem>> -> memref<1x128x32xf32, #tpu.memory_space<vmem>>
    %dma_start3A_565 = tpu.memref_squeeze %dma_start3A_564 : memref<1x128x32xf32, #tpu.memory_space<vmem>> -> memref<128x32xf32, #tpu.memory_space<vmem>>
    %dma_start3A_566 = arith.constant 3200 : i32
    %dma_start3A_567 = tpu.memref_slice %arg5[%dma_start3A_566] : memref<7168xi32, #tpu.memory_space<vmem>> -> memref<128xi32, #tpu.memory_space<vmem>>
    %dma_start3A_568 = arith.constant 0 : i32
    %dma_start3A_569 = arith.constant 0 : i32
    %dma_start3A_570 = tpu.memref_slice %arg3[%dma_start3A_568, %dma_start3A_569] : memref<1000000x32xf32, #tpu.memory_space<hbm>> -> memref<1000000x32xf32, #tpu.memory_space<hbm>>
    %dma_start3A_571 = tpu.memref_slice %arg8[%dma_start3A_561] : memref<2x!tpu.dma_semaphore, #tpu.memory_space<semaphore_mem>> -> memref<1x!tpu.dma_semaphore, #tpu.memory_space<semaphore_mem>>
    %dma_start3A_572 = tpu.memref_squeeze %dma_start3A_571 : memref<1x!tpu.dma_semaphore, #tpu.memory_space<semaphore_mem>> -> memref<!tpu.dma_semaphore, #tpu.memory_space<semaphore_mem>>
    tpu.enqueue_indirect_dma source(%dma_start3A_570 : memref<1000000x32xf32, #tpu.memory_space<hbm>>) target(%dma_start3A_565 : memref<128x32xf32, #tpu.memory_space<vmem>>) offsets(%dma_start3A_567 : memref<128xi32, #tpu.memory_space<vmem>>) semaphore(%dma_start3A_572 : memref<!tpu.dma_semaphore, #tpu.memory_space<semaphore_mem>>) {add = true}
    %dma_start3A_573 = arith.constant 0 : i32
    %dma_start3A_574 = arith.constant 0 : i32
    %dma_start3A_575 = arith.constant 256 : i32
    %dma_start3A_576 = arith.constant 0 : i32
    %dma_start3A_577 = tpu.memref_slice %arg6[%dma_start3A_573, %dma_start3A_575, %dma_start3A_576] : memref<2x512x32xf32, #tpu.memory_space<vmem>> -> memref<1x128x32xf32, #tpu.memory_space<vmem>>
    %dma_start3A_578 = tpu.memref_squeeze %dma_start3A_577 : memref<1x128x32xf32, #tpu.memory_space<vmem>> -> memref<128x32xf32, #tpu.memory_space<vmem>>
    %dma_start3A_579 = arith.constant 3328 : i32
    %dma_start3A_580 = tpu.memref_slice %arg5[%dma_start3A_579] : memref<7168xi32, #tpu.memory_space<vmem>> -> memref<128xi32, #tpu.memory_space<vmem>>
    %dma_start3A_581 = arith.constant 0 : i32
    %dma_start3A_582 = arith.constant 0 : i32
    %dma_start3A_583 = tpu.memref_slice %arg3[%dma_start3A_581, %dma_start3A_582] : memref<1000000x32xf32, #tpu.memory_space<hbm>> -> memref<1000000x32xf32, #tpu.memory_space<hbm>>
    %dma_start3A_584 = tpu.memref_slice %arg8[%dma_start3A_574] : memref<2x!tpu.dma_semaphore, #tpu.memory_space<semaphore_mem>> -> memref<1x!tpu.dma_semaphore, #tpu.memory_space<semaphore_mem>>
    %dma_start3A_585 = tpu.memref_squeeze %dma_start3A_584 : memref<1x!tpu.dma_semaphore, #tpu.memory_space<semaphore_mem>> -> memref<!tpu.dma_semaphore, #tpu.memory_space<semaphore_mem>>
    tpu.enqueue_indirect_dma source(%dma_start3A_583 : memref<1000000x32xf32, #tpu.memory_space<hbm>>) target(%dma_start3A_578 : memref<128x32xf32, #tpu.memory_space<vmem>>) offsets(%dma_start3A_580 : memref<128xi32, #tpu.memory_space<vmem>>) semaphore(%dma_start3A_585 : memref<!tpu.dma_semaphore, #tpu.memory_space<semaphore_mem>>) {add = true}
    %dma_start3A_586 = arith.constant 0 : i32
    %dma_start3A_587 = arith.constant 0 : i32
    %dma_start3A_588 = arith.constant 384 : i32
    %dma_start3A_589 = arith.constant 0 : i32
    %dma_start3A_590 = tpu.memref_slice %arg6[%dma_start3A_586, %dma_start3A_588, %dma_start3A_589] : memref<2x512x32xf32, #tpu.memory_space<vmem>> -> memref<1x128x32xf32, #tpu.memory_space<vmem>>
    %dma_start3A_591 = tpu.memref_squeeze %dma_start3A_590 : memref<1x128x32xf32, #tpu.memory_space<vmem>> -> memref<128x32xf32, #tpu.memory_space<vmem>>
    %dma_start3A_592 = arith.constant 3456 : i32
    %dma_start3A_593 = tpu.memref_slice %arg5[%dma_start3A_592] : memref<7168xi32, #tpu.memory_space<vmem>> -> memref<128xi32, #tpu.memory_space<vmem>>
    %dma_start3A_594 = arith.constant 0 : i32
    %dma_start3A_595 = arith.constant 0 : i32
    %dma_start3A_596 = tpu.memref_slice %arg3[%dma_start3A_594, %dma_start3A_595] : memref<1000000x32xf32, #tpu.memory_space<hbm>> -> memref<1000000x32xf32, #tpu.memory_space<hbm>>
    %dma_start3A_597 = tpu.memref_slice %arg8[%dma_start3A_587] : memref<2x!tpu.dma_semaphore, #tpu.memory_space<semaphore_mem>> -> memref<1x!tpu.dma_semaphore, #tpu.memory_space<semaphore_mem>>
    %dma_start3A_598 = tpu.memref_squeeze %dma_start3A_597 : memref<1x!tpu.dma_semaphore, #tpu.memory_space<semaphore_mem>> -> memref<!tpu.dma_semaphore, #tpu.memory_space<semaphore_mem>>
    tpu.enqueue_indirect_dma source(%dma_start3A_596 : memref<1000000x32xf32, #tpu.memory_space<hbm>>) target(%dma_start3A_591 : memref<128x32xf32, #tpu.memory_space<vmem>>) offsets(%dma_start3A_593 : memref<128xi32, #tpu.memory_space<vmem>>) semaphore(%dma_start3A_598 : memref<!tpu.dma_semaphore, #tpu.memory_space<semaphore_mem>>) {add = true}
    %scan3A = arith.constant 0 : i32
    %scan3A_599 = arith.constant 0 : i32
    %scan3A_600 = arith.constant 50 : i32
    %scan3A_601 = arith.addi %scan3A_599, %scan3A_600 : i32
    %scan3A_602 = arith.constant 1 : i32
    %scan3A_603 = scf.for %scan3A_643 = %scan3A_599 to %scan3A_601 step %scan3A_602 iter_args(%scan3A_644 = %scan3A) -> (i32)  : i32 {
      %rem3A = arith.constant 2 : i32
      %rem3A_645 = arith.remsi %scan3A_643, %rem3A : i32
      %add3A_646 = arith.constant 1 : i32
      %add3A_647 = arith.addi %scan3A_643, %add3A_646 : i32
      %rem3A_648 = arith.constant 2 : i32
      %rem3A_649 = arith.remsi %add3A_647, %rem3A_648 : i32
      %add3A_650 = arith.constant 1 : i32
      %add3A_651 = arith.addi %scan3A_643, %add3A_650 : i32
      %lt3A = arith.constant 50 : i32
      %lt3A_652 = arith.cmpi slt, %add3A_651, %lt3A : i32
      %convert_element_type3A = arith.extui %lt3A_652 : i1 to i32
      %cond3A = arith.constant 0 : i32
      %cond3A_653 = arith.cmpi ne, %convert_element_type3A, %cond3A : i32
      scf.if %cond3A_653 {
        %add3A_1009 = arith.constant 1 : i32
        %add3A_1010 = arith.addi %scan3A_643, %add3A_1009 : i32
        %ge3A = arith.constant 2 : i32
        %ge3A_1011 = arith.cmpi sge, %add3A_1010, %ge3A : i32
        %convert_element_type3A_1012 = arith.extui %ge3A_1011 : i1 to i32
        %cond3A_1013 = arith.constant 0 : i32
        %cond3A_1014 = arith.cmpi ne, %convert_element_type3A_1012, %cond3A_1013 : i32
        scf.if %cond3A_1014 {
          %add3A_1611 = arith.constant 1 : i32
          %add3A_1612 = arith.addi %scan3A_643, %add3A_1611 : i32
          %sub3A = arith.constant 2 : i32
          %sub3A_1613 = arith.subi %add3A_1612, %sub3A : i32
          %dma_wait3A_1614 = arith.constant 0 : i32
          %dma_wait3A_1615 = arith.constant 0 : i32
          %dma_wait3A_1616 = tpu.memref_slice %arg6[%rem3A_649, %dma_wait3A_1614, %dma_wait3A_1615] : memref<2x512x32xf32, #tpu.memory_space<vmem>> -> memref<1x512x32xf32, #tpu.memory_space<vmem>>
          %dma_wait3A_1617 = tpu.memref_squeeze %dma_wait3A_1616 : memref<1x512x32xf32, #tpu.memory_space<vmem>> -> memref<512x32xf32, #tpu.memory_space<vmem>>
          %dma_wait3A_1618 = arith.constant 0 : i32
          %dma_wait3A_1619 = tpu.memref_slice %arg4[%sub3A_1613, %mul3A_2, %dma_wait3A_1618] : memref<50x16384x32xf32, #tpu.memory_space<hbm>> -> memref<1x512x32xf32, #tpu.memory_space<hbm>>
          %dma_wait3A_1620 = tpu.memref_squeeze %dma_wait3A_1619 : memref<1x512x32xf32, #tpu.memory_space<hbm>> -> memref<512x32xf32, #tpu.memory_space<hbm>>
          %dma_wait3A_1621 = tpu.memref_slice %arg9[%rem3A_649] : memref<2x!tpu.dma_semaphore, #tpu.memory_space<semaphore_mem>> -> memref<1x!tpu.dma_semaphore, #tpu.memory_space<semaphore_mem>>
          %dma_wait3A_1622 = tpu.memref_squeeze %dma_wait3A_1621 : memref<1x!tpu.dma_semaphore, #tpu.memory_space<semaphore_mem>> -> memref<!tpu.dma_semaphore, #tpu.memory_space<semaphore_mem>>
          %dma_wait3A_1623 = arith.constant 0 : i32
          %dma_wait3A_1624 = tpu.memref_slice %arg4[%sub3A_1613, %mul3A_2, %dma_wait3A_1623] : memref<50x16384x32xf32, #tpu.memory_space<hbm>> -> memref<1x512x32xf32, #tpu.memory_space<hbm>>
          %dma_wait3A_1625 = tpu.memref_squeeze %dma_wait3A_1624 : memref<1x512x32xf32, #tpu.memory_space<hbm>> -> memref<512x32xf32, #tpu.memory_space<hbm>>
          %dma_wait3A_1626 = arith.constant 0 : i32
          %dma_wait3A_1627 = arith.constant 0 : i32
          %dma_wait3A_1628 = tpu.memref_slice %arg6[%rem3A_649, %dma_wait3A_1626, %dma_wait3A_1627] : memref<2x512x32xf32, #tpu.memory_space<vmem>> -> memref<1x512x32xf32, #tpu.memory_space<vmem>>
          %dma_wait3A_1629 = tpu.memref_squeeze %dma_wait3A_1628 : memref<1x512x32xf32, #tpu.memory_space<vmem>> -> memref<512x32xf32, #tpu.memory_space<vmem>>
          tpu.wait_dma2 semaphore(%dma_wait3A_1622 : memref<!tpu.dma_semaphore, #tpu.memory_space<semaphore_mem>>) src(%dma_wait3A_1629 : memref<512x32xf32, #tpu.memory_space<vmem>>) dst(%dma_wait3A_1625 : memref<512x32xf32, #tpu.memory_space<hbm>>)
        } else {
        }
        %add3A_1015 = arith.constant 1 : i32
        %add3A_1016 = arith.addi %scan3A_643, %add3A_1015 : i32
        %mul3A_1017 = arith.constant 3584 : i32
        %mul3A_1018 = arith.muli %rem3A_649, %mul3A_1017 : i32
        %add3A_1019 = arith.constant 0 : i32
        %add3A_1020 = arith.addi %mul3A_1018, %add3A_1019 : i32
        %dma_start3A_1021 = arith.constant 0 : i32
        %dma_start3A_1022 = tpu.memref_slice %arg5[%add3A_1020] : memref<7168xi32, #tpu.memory_space<vmem>> -> memref<512xi32, #tpu.memory_space<vmem>>
        %dma_start3A_1023 = tpu.memref_slice %arg2[%dma_start3A_1021, %add3A_1016, %mul3A_2] : memref<7x50x16384xi32, #tpu.memory_space<hbm>> -> memref<1x1x512xi32, #tpu.memory_space<hbm>>
        %dma_start3A_1024 = tpu.memref_squeeze %dma_start3A_1023 : memref<1x1x512xi32, #tpu.memory_space<hbm>> -> memref<512xi32, #tpu.memory_space<hbm>>
        %dma_start3A_1025 = tpu.memref_slice %arg7[%rem3A_649] : memref<2x!tpu.dma_semaphore, #tpu.memory_space<semaphore_mem>> -> memref<1x!tpu.dma_semaphore, #tpu.memory_space<semaphore_mem>>
        %dma_start3A_1026 = tpu.memref_squeeze %dma_start3A_1025 : memref<1x!tpu.dma_semaphore, #tpu.memory_space<semaphore_mem>> -> memref<!tpu.dma_semaphore, #tpu.memory_space<semaphore_mem>>
        %dma_start3A_1027 = tpu.memref_slice %arg5[%add3A_1020] : memref<7168xi32, #tpu.memory_space<vmem>> -> memref<512xi32, #tpu.memory_space<vmem>>
        %dma_start3A_1028 = tpu.memref_slice %arg2[%dma_start3A_1021, %add3A_1016, %mul3A_2] : memref<7x50x16384xi32, #tpu.memory_space<hbm>> -> memref<1x1x512xi32, #tpu.memory_space<hbm>>
        %dma_start3A_1029 = tpu.memref_squeeze %dma_start3A_1028 : memref<1x1x512xi32, #tpu.memory_space<hbm>> -> memref<512xi32, #tpu.memory_space<hbm>>
        tpu.enqueue_dma source(%dma_start3A_1029 : memref<512xi32, #tpu.memory_space<hbm>>) target(%dma_start3A_1027 : memref<512xi32, #tpu.memory_space<vmem>>) target_semaphore(%dma_start3A_1026 : memref<!tpu.dma_semaphore, #tpu.memory_space<semaphore_mem>>)
        %add3A_1030 = arith.constant 512 : i32
        %add3A_1031 = arith.addi %mul3A_1018, %add3A_1030 : i32
        %dma_start3A_1032 = arith.constant 1 : i32
        %dma_start3A_1033 = tpu.memref_slice %arg5[%add3A_1031] : memref<7168xi32, #tpu.memory_space<vmem>> -> memref<512xi32, #tpu.memory_space<vmem>>
        %dma_start3A_1034 = tpu.memref_slice %arg2[%dma_start3A_1032, %add3A_1016, %mul3A_2] : memref<7x50x16384xi32, #tpu.memory_space<hbm>> -> memref<1x1x512xi32, #tpu.memory_space<hbm>>
        %dma_start3A_1035 = tpu.memref_squeeze %dma_start3A_1034 : memref<1x1x512xi32, #tpu.memory_space<hbm>> -> memref<512xi32, #tpu.memory_space<hbm>>
        %dma_start3A_1036 = tpu.memref_slice %arg7[%rem3A_649] : memref<2x!tpu.dma_semaphore, #tpu.memory_space<semaphore_mem>> -> memref<1x!tpu.dma_semaphore, #tpu.memory_space<semaphore_mem>>
        %dma_start3A_1037 = tpu.memref_squeeze %dma_start3A_1036 : memref<1x!tpu.dma_semaphore, #tpu.memory_space<semaphore_mem>> -> memref<!tpu.dma_semaphore, #tpu.memory_space<semaphore_mem>>
        %dma_start3A_1038 = tpu.memref_slice %arg5[%add3A_1031] : memref<7168xi32, #tpu.memory_space<vmem>> -> memref<512xi32, #tpu.memory_space<vmem>>
        %dma_start3A_1039 = tpu.memref_slice %arg2[%dma_start3A_1032, %add3A_1016, %mul3A_2] : memref<7x50x16384xi32, #tpu.memory_space<hbm>> -> memref<1x1x512xi32, #tpu.memory_space<hbm>>
        %dma_start3A_1040 = tpu.memref_squeeze %dma_start3A_1039 : memref<1x1x512xi32, #tpu.memory_space<hbm>> -> memref<512xi32, #tpu.memory_space<hbm>>
        tpu.enqueue_dma source(%dma_start3A_1040 : memref<512xi32, #tpu.memory_space<hbm>>) target(%dma_start3A_1038 : memref<512xi32, #tpu.memory_space<vmem>>) target_semaphore(%dma_start3A_1037 : memref<!tpu.dma_semaphore, #tpu.memory_space<semaphore_mem>>)
        %add3A_1041 = arith.constant 1024 : i32
        %add3A_1042 = arith.addi %mul3A_1018, %add3A_1041 : i32
        %dma_start3A_1043 = arith.constant 2 : i32
        %dma_start3A_1044 = tpu.memref_slice %arg5[%add3A_1042] : memref<7168xi32, #tpu.memory_space<vmem>> -> memref<512xi32, #tpu.memory_space<vmem>>
        %dma_start3A_1045 = tpu.memref_slice %arg2[%dma_start3A_1043, %add3A_1016, %mul3A_2] : memref<7x50x16384xi32, #tpu.memory_space<hbm>> -> memref<1x1x512xi32, #tpu.memory_space<hbm>>
        %dma_start3A_1046 = tpu.memref_squeeze %dma_start3A_1045 : memref<1x1x512xi32, #tpu.memory_space<hbm>> -> memref<512xi32, #tpu.memory_space<hbm>>
        %dma_start3A_1047 = tpu.memref_slice %arg7[%rem3A_649] : memref<2x!tpu.dma_semaphore, #tpu.memory_space<semaphore_mem>> -> memref<1x!tpu.dma_semaphore, #tpu.memory_space<semaphore_mem>>
        %dma_start3A_1048 = tpu.memref_squeeze %dma_start3A_1047 : memref<1x!tpu.dma_semaphore, #tpu.memory_space<semaphore_mem>> -> memref<!tpu.dma_semaphore, #tpu.memory_space<semaphore_mem>>
        %dma_start3A_1049 = tpu.memref_slice %arg5[%add3A_1042] : memref<7168xi32, #tpu.memory_space<vmem>> -> memref<512xi32, #tpu.memory_space<vmem>>
        %dma_start3A_1050 = tpu.memref_slice %arg2[%dma_start3A_1043, %add3A_1016, %mul3A_2] : memref<7x50x16384xi32, #tpu.memory_space<hbm>> -> memref<1x1x512xi32, #tpu.memory_space<hbm>>
        %dma_start3A_1051 = tpu.memref_squeeze %dma_start3A_1050 : memref<1x1x512xi32, #tpu.memory_space<hbm>> -> memref<512xi32, #tpu.memory_space<hbm>>
        tpu.enqueue_dma source(%dma_start3A_1051 : memref<512xi32, #tpu.memory_space<hbm>>) target(%dma_start3A_1049 : memref<512xi32, #tpu.memory_space<vmem>>) target_semaphore(%dma_start3A_1048 : memref<!tpu.dma_semaphore, #tpu.memory_space<semaphore_mem>>)
        %add3A_1052 = arith.constant 1536 : i32
        %add3A_1053 = arith.addi %mul3A_1018, %add3A_1052 : i32
        %dma_start3A_1054 = arith.constant 3 : i32
        %dma_start3A_1055 = tpu.memref_slice %arg5[%add3A_1053] : memref<7168xi32, #tpu.memory_space<vmem>> -> memref<512xi32, #tpu.memory_space<vmem>>
        %dma_start3A_1056 = tpu.memref_slice %arg2[%dma_start3A_1054, %add3A_1016, %mul3A_2] : memref<7x50x16384xi32, #tpu.memory_space<hbm>> -> memref<1x1x512xi32, #tpu.memory_space<hbm>>
        %dma_start3A_1057 = tpu.memref_squeeze %dma_start3A_1056 : memref<1x1x512xi32, #tpu.memory_space<hbm>> -> memref<512xi32, #tpu.memory_space<hbm>>
        %dma_start3A_1058 = tpu.memref_slice %arg7[%rem3A_649] : memref<2x!tpu.dma_semaphore, #tpu.memory_space<semaphore_mem>> -> memref<1x!tpu.dma_semaphore, #tpu.memory_space<semaphore_mem>>
        %dma_start3A_1059 = tpu.memref_squeeze %dma_start3A_1058 : memref<1x!tpu.dma_semaphore, #tpu.memory_space<semaphore_mem>> -> memref<!tpu.dma_semaphore, #tpu.memory_space<semaphore_mem>>
        %dma_start3A_1060 = tpu.memref_slice %arg5[%add3A_1053] : memref<7168xi32, #tpu.memory_space<vmem>> -> memref<512xi32, #tpu.memory_space<vmem>>
        %dma_start3A_1061 = tpu.memref_slice %arg2[%dma_start3A_1054, %add3A_1016, %mul3A_2] : memref<7x50x16384xi32, #tpu.memory_space<hbm>> -> memref<1x1x512xi32, #tpu.memory_space<hbm>>
        %dma_start3A_1062 = tpu.memref_squeeze %dma_start3A_1061 : memref<1x1x512xi32, #tpu.memory_space<hbm>> -> memref<512xi32, #tpu.memory_space<hbm>>
        tpu.enqueue_dma source(%dma_start3A_1062 : memref<512xi32, #tpu.memory_space<hbm>>) target(%dma_start3A_1060 : memref<512xi32, #tpu.memory_space<vmem>>) target_semaphore(%dma_start3A_1059 : memref<!tpu.dma_semaphore, #tpu.memory_space<semaphore_mem>>)
        %add3A_1063 = arith.constant 2048 : i32
        %add3A_1064 = arith.addi %mul3A_1018, %add3A_1063 : i32
        %dma_start3A_1065 = arith.constant 4 : i32
        %dma_start3A_1066 = tpu.memref_slice %arg5[%add3A_1064] : memref<7168xi32, #tpu.memory_space<vmem>> -> memref<512xi32, #tpu.memory_space<vmem>>
        %dma_start3A_1067 = tpu.memref_slice %arg2[%dma_start3A_1065, %add3A_1016, %mul3A_2] : memref<7x50x16384xi32, #tpu.memory_space<hbm>> -> memref<1x1x512xi32, #tpu.memory_space<hbm>>
        %dma_start3A_1068 = tpu.memref_squeeze %dma_start3A_1067 : memref<1x1x512xi32, #tpu.memory_space<hbm>> -> memref<512xi32, #tpu.memory_space<hbm>>
        %dma_start3A_1069 = tpu.memref_slice %arg7[%rem3A_649] : memref<2x!tpu.dma_semaphore, #tpu.memory_space<semaphore_mem>> -> memref<1x!tpu.dma_semaphore, #tpu.memory_space<semaphore_mem>>
        %dma_start3A_1070 = tpu.memref_squeeze %dma_start3A_1069 : memref<1x!tpu.dma_semaphore, #tpu.memory_space<semaphore_mem>> -> memref<!tpu.dma_semaphore, #tpu.memory_space<semaphore_mem>>
        %dma_start3A_1071 = tpu.memref_slice %arg5[%add3A_1064] : memref<7168xi32, #tpu.memory_space<vmem>> -> memref<512xi32, #tpu.memory_space<vmem>>
        %dma_start3A_1072 = tpu.memref_slice %arg2[%dma_start3A_1065, %add3A_1016, %mul3A_2] : memref<7x50x16384xi32, #tpu.memory_space<hbm>> -> memref<1x1x512xi32, #tpu.memory_space<hbm>>
        %dma_start3A_1073 = tpu.memref_squeeze %dma_start3A_1072 : memref<1x1x512xi32, #tpu.memory_space<hbm>> -> memref<512xi32, #tpu.memory_space<hbm>>
        tpu.enqueue_dma source(%dma_start3A_1073 : memref<512xi32, #tpu.memory_space<hbm>>) target(%dma_start3A_1071 : memref<512xi32, #tpu.memory_space<vmem>>) target_semaphore(%dma_start3A_1070 : memref<!tpu.dma_semaphore, #tpu.memory_space<semaphore_mem>>)
        %add3A_1074 = arith.constant 2560 : i32
        %add3A_1075 = arith.addi %mul3A_1018, %add3A_1074 : i32
        %dma_start3A_1076 = arith.constant 5 : i32
        %dma_start3A_1077 = tpu.memref_slice %arg5[%add3A_1075] : memref<7168xi32, #tpu.memory_space<vmem>> -> memref<512xi32, #tpu.memory_space<vmem>>
        %dma_start3A_1078 = tpu.memref_slice %arg2[%dma_start3A_1076, %add3A_1016, %mul3A_2] : memref<7x50x16384xi32, #tpu.memory_space<hbm>> -> memref<1x1x512xi32, #tpu.memory_space<hbm>>
        %dma_start3A_1079 = tpu.memref_squeeze %dma_start3A_1078 : memref<1x1x512xi32, #tpu.memory_space<hbm>> -> memref<512xi32, #tpu.memory_space<hbm>>
        %dma_start3A_1080 = tpu.memref_slice %arg7[%rem3A_649] : memref<2x!tpu.dma_semaphore, #tpu.memory_space<semaphore_mem>> -> memref<1x!tpu.dma_semaphore, #tpu.memory_space<semaphore_mem>>
        %dma_start3A_1081 = tpu.memref_squeeze %dma_start3A_1080 : memref<1x!tpu.dma_semaphore, #tpu.memory_space<semaphore_mem>> -> memref<!tpu.dma_semaphore, #tpu.memory_space<semaphore_mem>>
        %dma_start3A_1082 = tpu.memref_slice %arg5[%add3A_1075] : memref<7168xi32, #tpu.memory_space<vmem>> -> memref<512xi32, #tpu.memory_space<vmem>>
        %dma_start3A_1083 = tpu.memref_slice %arg2[%dma_start3A_1076, %add3A_1016, %mul3A_2] : memref<7x50x16384xi32, #tpu.memory_space<hbm>> -> memref<1x1x512xi32, #tpu.memory_space<hbm>>
        %dma_start3A_1084 = tpu.memref_squeeze %dma_start3A_1083 : memref<1x1x512xi32, #tpu.memory_space<hbm>> -> memref<512xi32, #tpu.memory_space<hbm>>
        tpu.enqueue_dma source(%dma_start3A_1084 : memref<512xi32, #tpu.memory_space<hbm>>) target(%dma_start3A_1082 : memref<512xi32, #tpu.memory_space<vmem>>) target_semaphore(%dma_start3A_1081 : memref<!tpu.dma_semaphore, #tpu.memory_space<semaphore_mem>>)
        %add3A_1085 = arith.constant 3072 : i32
        %add3A_1086 = arith.addi %mul3A_1018, %add3A_1085 : i32
        %dma_start3A_1087 = arith.constant 6 : i32
        %dma_start3A_1088 = tpu.memref_slice %arg5[%add3A_1086] : memref<7168xi32, #tpu.memory_space<vmem>> -> memref<512xi32, #tpu.memory_space<vmem>>
        %dma_start3A_1089 = tpu.memref_slice %arg2[%dma_start3A_1087, %add3A_1016, %mul3A_2] : memref<7x50x16384xi32, #tpu.memory_space<hbm>> -> memref<1x1x512xi32, #tpu.memory_space<hbm>>
        %dma_start3A_1090 = tpu.memref_squeeze %dma_start3A_1089 : memref<1x1x512xi32, #tpu.memory_space<hbm>> -> memref<512xi32, #tpu.memory_space<hbm>>
        %dma_start3A_1091 = tpu.memref_slice %arg7[%rem3A_649] : memref<2x!tpu.dma_semaphore, #tpu.memory_space<semaphore_mem>> -> memref<1x!tpu.dma_semaphore, #tpu.memory_space<semaphore_mem>>
        %dma_start3A_1092 = tpu.memref_squeeze %dma_start3A_1091 : memref<1x!tpu.dma_semaphore, #tpu.memory_space<semaphore_mem>> -> memref<!tpu.dma_semaphore, #tpu.memory_space<semaphore_mem>>
        %dma_start3A_1093 = tpu.memref_slice %arg5[%add3A_1086] : memref<7168xi32, #tpu.memory_space<vmem>> -> memref<512xi32, #tpu.memory_space<vmem>>
        %dma_start3A_1094 = tpu.memref_slice %arg2[%dma_start3A_1087, %add3A_1016, %mul3A_2] : memref<7x50x16384xi32, #tpu.memory_space<hbm>> -> memref<1x1x512xi32, #tpu.memory_space<hbm>>
        %dma_start3A_1095 = tpu.memref_squeeze %dma_start3A_1094 : memref<1x1x512xi32, #tpu.memory_space<hbm>> -> memref<512xi32, #tpu.memory_space<hbm>>
        tpu.enqueue_dma source(%dma_start3A_1095 : memref<512xi32, #tpu.memory_space<hbm>>) target(%dma_start3A_1093 : memref<512xi32, #tpu.memory_space<vmem>>) target_semaphore(%dma_start3A_1092 : memref<!tpu.dma_semaphore, #tpu.memory_space<semaphore_mem>>)
        %add3A_1096 = arith.constant 1 : i32
        %add3A_1097 = arith.addi %scan3A_643, %add3A_1096 : i32
        %mul3A_1098 = arith.constant 3584 : i32
        %mul3A_1099 = arith.muli %rem3A_649, %mul3A_1098 : i32
        %add3A_1100 = arith.constant 0 : i32
        %add3A_1101 = arith.addi %mul3A_1099, %add3A_1100 : i32
        %dma_wait3A_1102 = arith.constant 0 : i32
        %dma_wait3A_1103 = tpu.memref_slice %arg5[%add3A_1101] : memref<7168xi32, #tpu.memory_space<vmem>> -> memref<512xi32, #tpu.memory_space<vmem>>
        %dma_wait3A_1104 = tpu.memref_slice %arg2[%dma_wait3A_1102, %add3A_1097, %mul3A_2] : memref<7x50x16384xi32, #tpu.memory_space<hbm>> -> memref<1x1x512xi32, #tpu.memory_space<hbm>>
        %dma_wait3A_1105 = tpu.memref_squeeze %dma_wait3A_1104 : memref<1x1x512xi32, #tpu.memory_space<hbm>> -> memref<512xi32, #tpu.memory_space<hbm>>
        %dma_wait3A_1106 = tpu.memref_slice %arg7[%rem3A_649] : memref<2x!tpu.dma_semaphore, #tpu.memory_space<semaphore_mem>> -> memref<1x!tpu.dma_semaphore, #tpu.memory_space<semaphore_mem>>
        %dma_wait3A_1107 = tpu.memref_squeeze %dma_wait3A_1106 : memref<1x!tpu.dma_semaphore, #tpu.memory_space<semaphore_mem>> -> memref<!tpu.dma_semaphore, #tpu.memory_space<semaphore_mem>>
        %dma_wait3A_1108 = tpu.memref_slice %arg5[%add3A_1101] : memref<7168xi32, #tpu.memory_space<vmem>> -> memref<512xi32, #tpu.memory_space<vmem>>
        %dma_wait3A_1109 = tpu.memref_slice %arg2[%dma_wait3A_1102, %add3A_1097, %mul3A_2] : memref<7x50x16384xi32, #tpu.memory_space<hbm>> -> memref<1x1x512xi32, #tpu.memory_space<hbm>>
        %dma_wait3A_1110 = tpu.memref_squeeze %dma_wait3A_1109 : memref<1x1x512xi32, #tpu.memory_space<hbm>> -> memref<512xi32, #tpu.memory_space<hbm>>
        tpu.wait_dma2 semaphore(%dma_wait3A_1107 : memref<!tpu.dma_semaphore, #tpu.memory_space<semaphore_mem>>) src(%dma_wait3A_1110 : memref<512xi32, #tpu.memory_space<hbm>>) dst(%dma_wait3A_1108 : memref<512xi32, #tpu.memory_space<vmem>>)
        %add3A_1111 = arith.constant 512 : i32
        %add3A_1112 = arith.addi %mul3A_1099, %add3A_1111 : i32
        %dma_wait3A_1113 = arith.constant 1 : i32
        %dma_wait3A_1114 = tpu.memref_slice %arg5[%add3A_1112] : memref<7168xi32, #tpu.memory_space<vmem>> -> memref<512xi32, #tpu.memory_space<vmem>>
        %dma_wait3A_1115 = tpu.memref_slice %arg2[%dma_wait3A_1113, %add3A_1097, %mul3A_2] : memref<7x50x16384xi32, #tpu.memory_space<hbm>> -> memref<1x1x512xi32, #tpu.memory_space<hbm>>
        %dma_wait3A_1116 = tpu.memref_squeeze %dma_wait3A_1115 : memref<1x1x512xi32, #tpu.memory_space<hbm>> -> memref<512xi32, #tpu.memory_space<hbm>>
        %dma_wait3A_1117 = tpu.memref_slice %arg7[%rem3A_649] : memref<2x!tpu.dma_semaphore, #tpu.memory_space<semaphore_mem>> -> memref<1x!tpu.dma_semaphore, #tpu.memory_space<semaphore_mem>>
        %dma_wait3A_1118 = tpu.memref_squeeze %dma_wait3A_1117 : memref<1x!tpu.dma_semaphore, #tpu.memory_space<semaphore_mem>> -> memref<!tpu.dma_semaphore, #tpu.memory_space<semaphore_mem>>
        %dma_wait3A_1119 = tpu.memref_slice %arg5[%add3A_1112] : memref<7168xi32, #tpu.memory_space<vmem>> -> memref<512xi32, #tpu.memory_space<vmem>>
        %dma_wait3A_1120 = tpu.memref_slice %arg2[%dma_wait3A_1113, %add3A_1097, %mul3A_2] : memref<7x50x16384xi32, #tpu.memory_space<hbm>> -> memref<1x1x512xi32, #tpu.memory_space<hbm>>
        %dma_wait3A_1121 = tpu.memref_squeeze %dma_wait3A_1120 : memref<1x1x512xi32, #tpu.memory_space<hbm>> -> memref<512xi32, #tpu.memory_space<hbm>>
        tpu.wait_dma2 semaphore(%dma_wait3A_1118 : memref<!tpu.dma_semaphore, #tpu.memory_space<semaphore_mem>>) src(%dma_wait3A_1121 : memref<512xi32, #tpu.memory_space<hbm>>) dst(%dma_wait3A_1119 : memref<512xi32, #tpu.memory_space<vmem>>)
        %add3A_1122 = arith.constant 1024 : i32
        %add3A_1123 = arith.addi %mul3A_1099, %add3A_1122 : i32
        %dma_wait3A_1124 = arith.constant 2 : i32
        %dma_wait3A_1125 = tpu.memref_slice %arg5[%add3A_1123] : memref<7168xi32, #tpu.memory_space<vmem>> -> memref<512xi32, #tpu.memory_space<vmem>>
        %dma_wait3A_1126 = tpu.memref_slice %arg2[%dma_wait3A_1124, %add3A_1097, %mul3A_2] : memref<7x50x16384xi32, #tpu.memory_space<hbm>> -> memref<1x1x512xi32, #tpu.memory_space<hbm>>
        %dma_wait3A_1127 = tpu.memref_squeeze %dma_wait3A_1126 : memref<1x1x512xi32, #tpu.memory_space<hbm>> -> memref<512xi32, #tpu.memory_space<hbm>>
        %dma_wait3A_1128 = tpu.memref_slice %arg7[%rem3A_649] : memref<2x!tpu.dma_semaphore, #tpu.memory_space<semaphore_mem>> -> memref<1x!tpu.dma_semaphore, #tpu.memory_space<semaphore_mem>>
        %dma_wait3A_1129 = tpu.memref_squeeze %dma_wait3A_1128 : memref<1x!tpu.dma_semaphore, #tpu.memory_space<semaphore_mem>> -> memref<!tpu.dma_semaphore, #tpu.memory_space<semaphore_mem>>
        %dma_wait3A_1130 = tpu.memref_slice %arg5[%add3A_1123] : memref<7168xi32, #tpu.memory_space<vmem>> -> memref<512xi32, #tpu.memory_space<vmem>>
        %dma_wait3A_1131 = tpu.memref_slice %arg2[%dma_wait3A_1124, %add3A_1097, %mul3A_2] : memref<7x50x16384xi32, #tpu.memory_space<hbm>> -> memref<1x1x512xi32, #tpu.memory_space<hbm>>
        %dma_wait3A_1132 = tpu.memref_squeeze %dma_wait3A_1131 : memref<1x1x512xi32, #tpu.memory_space<hbm>> -> memref<512xi32, #tpu.memory_space<hbm>>
        tpu.wait_dma2 semaphore(%dma_wait3A_1129 : memref<!tpu.dma_semaphore, #tpu.memory_space<semaphore_mem>>) src(%dma_wait3A_1132 : memref<512xi32, #tpu.memory_space<hbm>>) dst(%dma_wait3A_1130 : memref<512xi32, #tpu.memory_space<vmem>>)
        %add3A_1133 = arith.constant 1536 : i32
        %add3A_1134 = arith.addi %mul3A_1099, %add3A_1133 : i32
        %dma_wait3A_1135 = arith.constant 3 : i32
        %dma_wait3A_1136 = tpu.memref_slice %arg5[%add3A_1134] : memref<7168xi32, #tpu.memory_space<vmem>> -> memref<512xi32, #tpu.memory_space<vmem>>
        %dma_wait3A_1137 = tpu.memref_slice %arg2[%dma_wait3A_1135, %add3A_1097, %mul3A_2] : memref<7x50x16384xi32, #tpu.memory_space<hbm>> -> memref<1x1x512xi32, #tpu.memory_space<hbm>>
        %dma_wait3A_1138 = tpu.memref_squeeze %dma_wait3A_1137 : memref<1x1x512xi32, #tpu.memory_space<hbm>> -> memref<512xi32, #tpu.memory_space<hbm>>
        %dma_wait3A_1139 = tpu.memref_slice %arg7[%rem3A_649] : memref<2x!tpu.dma_semaphore, #tpu.memory_space<semaphore_mem>> -> memref<1x!tpu.dma_semaphore, #tpu.memory_space<semaphore_mem>>
        %dma_wait3A_1140 = tpu.memref_squeeze %dma_wait3A_1139 : memref<1x!tpu.dma_semaphore, #tpu.memory_space<semaphore_mem>> -> memref<!tpu.dma_semaphore, #tpu.memory_space<semaphore_mem>>
        %dma_wait3A_1141 = tpu.memref_slice %arg5[%add3A_1134] : memref<7168xi32, #tpu.memory_space<vmem>> -> memref<512xi32, #tpu.memory_space<vmem>>
        %dma_wait3A_1142 = tpu.memref_slice %arg2[%dma_wait3A_1135, %add3A_1097, %mul3A_2] : memref<7x50x16384xi32, #tpu.memory_space<hbm>> -> memref<1x1x512xi32, #tpu.memory_space<hbm>>
        %dma_wait3A_1143 = tpu.memref_squeeze %dma_wait3A_1142 : memref<1x1x512xi32, #tpu.memory_space<hbm>> -> memref<512xi32, #tpu.memory_space<hbm>>
        tpu.wait_dma2 semaphore(%dma_wait3A_1140 : memref<!tpu.dma_semaphore, #tpu.memory_space<semaphore_mem>>) src(%dma_wait3A_1143 : memref<512xi32, #tpu.memory_space<hbm>>) dst(%dma_wait3A_1141 : memref<512xi32, #tpu.memory_space<vmem>>)
        %add3A_1144 = arith.constant 2048 : i32
        %add3A_1145 = arith.addi %mul3A_1099, %add3A_1144 : i32
        %dma_wait3A_1146 = arith.constant 4 : i32
        %dma_wait3A_1147 = tpu.memref_slice %arg5[%add3A_1145] : memref<7168xi32, #tpu.memory_space<vmem>> -> memref<512xi32, #tpu.memory_space<vmem>>
        %dma_wait3A_1148 = tpu.memref_slice %arg2[%dma_wait3A_1146, %add3A_1097, %mul3A_2] : memref<7x50x16384xi32, #tpu.memory_space<hbm>> -> memref<1x1x512xi32, #tpu.memory_space<hbm>>
        %dma_wait3A_1149 = tpu.memref_squeeze %dma_wait3A_1148 : memref<1x1x512xi32, #tpu.memory_space<hbm>> -> memref<512xi32, #tpu.memory_space<hbm>>
        %dma_wait3A_1150 = tpu.memref_slice %arg7[%rem3A_649] : memref<2x!tpu.dma_semaphore, #tpu.memory_space<semaphore_mem>> -> memref<1x!tpu.dma_semaphore, #tpu.memory_space<semaphore_mem>>
        %dma_wait3A_1151 = tpu.memref_squeeze %dma_wait3A_1150 : memref<1x!tpu.dma_semaphore, #tpu.memory_space<semaphore_mem>> -> memref<!tpu.dma_semaphore, #tpu.memory_space<semaphore_mem>>
        %dma_wait3A_1152 = tpu.memref_slice %arg5[%add3A_1145] : memref<7168xi32, #tpu.memory_space<vmem>> -> memref<512xi32, #tpu.memory_space<vmem>>
        %dma_wait3A_1153 = tpu.memref_slice %arg2[%dma_wait3A_1146, %add3A_1097, %mul3A_2] : memref<7x50x16384xi32, #tpu.memory_space<hbm>> -> memref<1x1x512xi32, #tpu.memory_space<hbm>>
        %dma_wait3A_1154 = tpu.memref_squeeze %dma_wait3A_1153 : memref<1x1x512xi32, #tpu.memory_space<hbm>> -> memref<512xi32, #tpu.memory_space<hbm>>
        tpu.wait_dma2 semaphore(%dma_wait3A_1151 : memref<!tpu.dma_semaphore, #tpu.memory_space<semaphore_mem>>) src(%dma_wait3A_1154 : memref<512xi32, #tpu.memory_space<hbm>>) dst(%dma_wait3A_1152 : memref<512xi32, #tpu.memory_space<vmem>>)
        %add3A_1155 = arith.constant 2560 : i32
        %add3A_1156 = arith.addi %mul3A_1099, %add3A_1155 : i32
        %dma_wait3A_1157 = arith.constant 5 : i32
        %dma_wait3A_1158 = tpu.memref_slice %arg5[%add3A_1156] : memref<7168xi32, #tpu.memory_space<vmem>> -> memref<512xi32, #tpu.memory_space<vmem>>
        %dma_wait3A_1159 = tpu.memref_slice %arg2[%dma_wait3A_1157, %add3A_1097, %mul3A_2] : memref<7x50x16384xi32, #tpu.memory_space<hbm>> -> memref<1x1x512xi32, #tpu.memory_space<hbm>>
        %dma_wait3A_1160 = tpu.memref_squeeze %dma_wait3A_1159 : memref<1x1x512xi32, #tpu.memory_space<hbm>> -> memref<512xi32, #tpu.memory_space<hbm>>
        %dma_wait3A_1161 = tpu.memref_slice %arg7[%rem3A_649] : memref<2x!tpu.dma_semaphore, #tpu.memory_space<semaphore_mem>> -> memref<1x!tpu.dma_semaphore, #tpu.memory_space<semaphore_mem>>
        %dma_wait3A_1162 = tpu.memref_squeeze %dma_wait3A_1161 : memref<1x!tpu.dma_semaphore, #tpu.memory_space<semaphore_mem>> -> memref<!tpu.dma_semaphore, #tpu.memory_space<semaphore_mem>>
        %dma_wait3A_1163 = tpu.memref_slice %arg5[%add3A_1156] : memref<7168xi32, #tpu.memory_space<vmem>> -> memref<512xi32, #tpu.memory_space<vmem>>
        %dma_wait3A_1164 = tpu.memref_slice %arg2[%dma_wait3A_1157, %add3A_1097, %mul3A_2] : memref<7x50x16384xi32, #tpu.memory_space<hbm>> -> memref<1x1x512xi32, #tpu.memory_space<hbm>>
        %dma_wait3A_1165 = tpu.memref_squeeze %dma_wait3A_1164 : memref<1x1x512xi32, #tpu.memory_space<hbm>> -> memref<512xi32, #tpu.memory_space<hbm>>
        tpu.wait_dma2 semaphore(%dma_wait3A_1162 : memref<!tpu.dma_semaphore, #tpu.memory_space<semaphore_mem>>) src(%dma_wait3A_1165 : memref<512xi32, #tpu.memory_space<hbm>>) dst(%dma_wait3A_1163 : memref<512xi32, #tpu.memory_space<vmem>>)
        %add3A_1166 = arith.constant 3072 : i32
        %add3A_1167 = arith.addi %mul3A_1099, %add3A_1166 : i32
        %dma_wait3A_1168 = arith.constant 6 : i32
        %dma_wait3A_1169 = tpu.memref_slice %arg5[%add3A_1167] : memref<7168xi32, #tpu.memory_space<vmem>> -> memref<512xi32, #tpu.memory_space<vmem>>
        %dma_wait3A_1170 = tpu.memref_slice %arg2[%dma_wait3A_1168, %add3A_1097, %mul3A_2] : memref<7x50x16384xi32, #tpu.memory_space<hbm>> -> memref<1x1x512xi32, #tpu.memory_space<hbm>>
        %dma_wait3A_1171 = tpu.memref_squeeze %dma_wait3A_1170 : memref<1x1x512xi32, #tpu.memory_space<hbm>> -> memref<512xi32, #tpu.memory_space<hbm>>
        %dma_wait3A_1172 = tpu.memref_slice %arg7[%rem3A_649] : memref<2x!tpu.dma_semaphore, #tpu.memory_space<semaphore_mem>> -> memref<1x!tpu.dma_semaphore, #tpu.memory_space<semaphore_mem>>
        %dma_wait3A_1173 = tpu.memref_squeeze %dma_wait3A_1172 : memref<1x!tpu.dma_semaphore, #tpu.memory_space<semaphore_mem>> -> memref<!tpu.dma_semaphore, #tpu.memory_space<semaphore_mem>>
        %dma_wait3A_1174 = tpu.memref_slice %arg5[%add3A_1167] : memref<7168xi32, #tpu.memory_space<vmem>> -> memref<512xi32, #tpu.memory_space<vmem>>
        %dma_wait3A_1175 = tpu.memref_slice %arg2[%dma_wait3A_1168, %add3A_1097, %mul3A_2] : memref<7x50x16384xi32, #tpu.memory_space<hbm>> -> memref<1x1x512xi32, #tpu.memory_space<hbm>>
        %dma_wait3A_1176 = tpu.memref_squeeze %dma_wait3A_1175 : memref<1x1x512xi32, #tpu.memory_space<hbm>> -> memref<512xi32, #tpu.memory_space<hbm>>
        tpu.wait_dma2 semaphore(%dma_wait3A_1173 : memref<!tpu.dma_semaphore, #tpu.memory_space<semaphore_mem>>) src(%dma_wait3A_1176 : memref<512xi32, #tpu.memory_space<hbm>>) dst(%dma_wait3A_1174 : memref<512xi32, #tpu.memory_space<vmem>>)
        %add3A_1177 = arith.constant 0 : i32
        %add3A_1178 = arith.addi %mul3A_1099, %add3A_1177 : i32
        %dma_start3A_1179 = arith.constant 0 : i32
        %dma_start3A_1180 = arith.constant 0 : i32
        %dma_start3A_1181 = tpu.memref_slice %arg6[%rem3A_649, %dma_start3A_1179, %dma_start3A_1180] : memref<2x512x32xf32, #tpu.memory_space<vmem>> -> memref<1x128x32xf32, #tpu.memory_space<vmem>>
        %dma_start3A_1182 = tpu.memref_squeeze %dma_start3A_1181 : memref<1x128x32xf32, #tpu.memory_space<vmem>> -> memref<128x32xf32, #tpu.memory_space<vmem>>
        %dma_start3A_1183 = tpu.memref_slice %arg5[%add3A_1178] : memref<7168xi32, #tpu.memory_space<vmem>> -> memref<128xi32, #tpu.memory_space<vmem>>
        %dma_start3A_1184 = arith.constant 0 : i32
        %dma_start3A_1185 = arith.constant 0 : i32
        %dma_start3A_1186 = tpu.memref_slice %arg3[%dma_start3A_1184, %dma_start3A_1185] : memref<1000000x32xf32, #tpu.memory_space<hbm>> -> memref<1000000x32xf32, #tpu.memory_space<hbm>>
        %dma_start3A_1187 = tpu.memref_slice %arg8[%rem3A_649] : memref<2x!tpu.dma_semaphore, #tpu.memory_space<semaphore_mem>> -> memref<1x!tpu.dma_semaphore, #tpu.memory_space<semaphore_mem>>
        %dma_start3A_1188 = tpu.memref_squeeze %dma_start3A_1187 : memref<1x!tpu.dma_semaphore, #tpu.memory_space<semaphore_mem>> -> memref<!tpu.dma_semaphore, #tpu.memory_space<semaphore_mem>>
        tpu.enqueue_indirect_dma source(%dma_start3A_1186 : memref<1000000x32xf32, #tpu.memory_space<hbm>>) target(%dma_start3A_1182 : memref<128x32xf32, #tpu.memory_space<vmem>>) offsets(%dma_start3A_1183 : memref<128xi32, #tpu.memory_space<vmem>>) semaphore(%dma_start3A_1188 : memref<!tpu.dma_semaphore, #tpu.memory_space<semaphore_mem>>)
        %add3A_1189 = arith.constant 128 : i32
        %add3A_1190 = arith.addi %mul3A_1099, %add3A_1189 : i32
        %dma_start3A_1191 = arith.constant 128 : i32
        %dma_start3A_1192 = arith.constant 0 : i32
        %dma_start3A_1193 = tpu.memref_slice %arg6[%rem3A_649, %dma_start3A_1191, %dma_start3A_1192] : memref<2x512x32xf32, #tpu.memory_space<vmem>> -> memref<1x128x32xf32, #tpu.memory_space<vmem>>
        %dma_start3A_1194 = tpu.memref_squeeze %dma_start3A_1193 : memref<1x128x32xf32, #tpu.memory_space<vmem>> -> memref<128x32xf32, #tpu.memory_space<vmem>>
        %dma_start3A_1195 = tpu.memref_slice %arg5[%add3A_1190] : memref<7168xi32, #tpu.memory_space<vmem>> -> memref<128xi32, #tpu.memory_space<vmem>>
        %dma_start3A_1196 = arith.constant 0 : i32
        %dma_start3A_1197 = arith.constant 0 : i32
        %dma_start3A_1198 = tpu.memref_slice %arg3[%dma_start3A_1196, %dma_start3A_1197] : memref<1000000x32xf32, #tpu.memory_space<hbm>> -> memref<1000000x32xf32, #tpu.memory_space<hbm>>
        %dma_start3A_1199 = tpu.memref_slice %arg8[%rem3A_649] : memref<2x!tpu.dma_semaphore, #tpu.memory_space<semaphore_mem>> -> memref<1x!tpu.dma_semaphore, #tpu.memory_space<semaphore_mem>>
        %dma_start3A_1200 = tpu.memref_squeeze %dma_start3A_1199 : memref<1x!tpu.dma_semaphore, #tpu.memory_space<semaphore_mem>> -> memref<!tpu.dma_semaphore, #tpu.memory_space<semaphore_mem>>
        tpu.enqueue_indirect_dma source(%dma_start3A_1198 : memref<1000000x32xf32, #tpu.memory_space<hbm>>) target(%dma_start3A_1194 : memref<128x32xf32, #tpu.memory_space<vmem>>) offsets(%dma_start3A_1195 : memref<128xi32, #tpu.memory_space<vmem>>) semaphore(%dma_start3A_1200 : memref<!tpu.dma_semaphore, #tpu.memory_space<semaphore_mem>>)
        %add3A_1201 = arith.constant 256 : i32
        %add3A_1202 = arith.addi %mul3A_1099, %add3A_1201 : i32
        %dma_start3A_1203 = arith.constant 256 : i32
        %dma_start3A_1204 = arith.constant 0 : i32
        %dma_start3A_1205 = tpu.memref_slice %arg6[%rem3A_649, %dma_start3A_1203, %dma_start3A_1204] : memref<2x512x32xf32, #tpu.memory_space<vmem>> -> memref<1x128x32xf32, #tpu.memory_space<vmem>>
        %dma_start3A_1206 = tpu.memref_squeeze %dma_start3A_1205 : memref<1x128x32xf32, #tpu.memory_space<vmem>> -> memref<128x32xf32, #tpu.memory_space<vmem>>
        %dma_start3A_1207 = tpu.memref_slice %arg5[%add3A_1202] : memref<7168xi32, #tpu.memory_space<vmem>> -> memref<128xi32, #tpu.memory_space<vmem>>
        %dma_start3A_1208 = arith.constant 0 : i32
        %dma_start3A_1209 = arith.constant 0 : i32
        %dma_start3A_1210 = tpu.memref_slice %arg3[%dma_start3A_1208, %dma_start3A_1209] : memref<1000000x32xf32, #tpu.memory_space<hbm>> -> memref<1000000x32xf32, #tpu.memory_space<hbm>>
        %dma_start3A_1211 = tpu.memref_slice %arg8[%rem3A_649] : memref<2x!tpu.dma_semaphore, #tpu.memory_space<semaphore_mem>> -> memref<1x!tpu.dma_semaphore, #tpu.memory_space<semaphore_mem>>
        %dma_start3A_1212 = tpu.memref_squeeze %dma_start3A_1211 : memref<1x!tpu.dma_semaphore, #tpu.memory_space<semaphore_mem>> -> memref<!tpu.dma_semaphore, #tpu.memory_space<semaphore_mem>>
        tpu.enqueue_indirect_dma source(%dma_start3A_1210 : memref<1000000x32xf32, #tpu.memory_space<hbm>>) target(%dma_start3A_1206 : memref<128x32xf32, #tpu.memory_space<vmem>>) offsets(%dma_start3A_1207 : memref<128xi32, #tpu.memory_space<vmem>>) semaphore(%dma_start3A_1212 : memref<!tpu.dma_semaphore, #tpu.memory_space<semaphore_mem>>)
        %add3A_1213 = arith.constant 384 : i32
        %add3A_1214 = arith.addi %mul3A_1099, %add3A_1213 : i32
        %dma_start3A_1215 = arith.constant 384 : i32
        %dma_start3A_1216 = arith.constant 0 : i32
        %dma_start3A_1217 = tpu.memref_slice %arg6[%rem3A_649, %dma_start3A_1215, %dma_start3A_1216] : memref<2x512x32xf32, #tpu.memory_space<vmem>> -> memref<1x128x32xf32, #tpu.memory_space<vmem>>
        %dma_start3A_1218 = tpu.memref_squeeze %dma_start3A_1217 : memref<1x128x32xf32, #tpu.memory_space<vmem>> -> memref<128x32xf32, #tpu.memory_space<vmem>>
        %dma_start3A_1219 = tpu.memref_slice %arg5[%add3A_1214] : memref<7168xi32, #tpu.memory_space<vmem>> -> memref<128xi32, #tpu.memory_space<vmem>>
        %dma_start3A_1220 = arith.constant 0 : i32
        %dma_start3A_1221 = arith.constant 0 : i32
        %dma_start3A_1222 = tpu.memref_slice %arg3[%dma_start3A_1220, %dma_start3A_1221] : memref<1000000x32xf32, #tpu.memory_space<hbm>> -> memref<1000000x32xf32, #tpu.memory_space<hbm>>
        %dma_start3A_1223 = tpu.memref_slice %arg8[%rem3A_649] : memref<2x!tpu.dma_semaphore, #tpu.memory_space<semaphore_mem>> -> memref<1x!tpu.dma_semaphore, #tpu.memory_space<semaphore_mem>>
        %dma_start3A_1224 = tpu.memref_squeeze %dma_start3A_1223 : memref<1x!tpu.dma_semaphore, #tpu.memory_space<semaphore_mem>> -> memref<!tpu.dma_semaphore, #tpu.memory_space<semaphore_mem>>
        tpu.enqueue_indirect_dma source(%dma_start3A_1222 : memref<1000000x32xf32, #tpu.memory_space<hbm>>) target(%dma_start3A_1218 : memref<128x32xf32, #tpu.memory_space<vmem>>) offsets(%dma_start3A_1219 : memref<128xi32, #tpu.memory_space<vmem>>) semaphore(%dma_start3A_1224 : memref<!tpu.dma_semaphore, #tpu.memory_space<semaphore_mem>>)
        %mul3A_1225 = arith.constant 3584 : i32
        %mul3A_1226 = arith.muli %rem3A_649, %mul3A_1225 : i32
        %add3A_1227 = arith.constant 0 : i32
        %add3A_1228 = arith.addi %mul3A_1226, %add3A_1227 : i32
        %dma_wait3A_1229 = arith.constant 0 : i32
        %dma_wait3A_1230 = arith.constant 0 : i32
        %dma_wait3A_1231 = tpu.memref_slice %arg6[%rem3A_649, %dma_wait3A_1229, %dma_wait3A_1230] : memref<2x512x32xf32, #tpu.memory_space<vmem>> -> memref<1x128x32xf32, #tpu.memory_space<vmem>>
        %dma_wait3A_1232 = tpu.memref_squeeze %dma_wait3A_1231 : memref<1x128x32xf32, #tpu.memory_space<vmem>> -> memref<128x32xf32, #tpu.memory_space<vmem>>
        %dma_wait3A_1233 = tpu.memref_slice %arg5[%add3A_1228] : memref<7168xi32, #tpu.memory_space<vmem>> -> memref<128xi32, #tpu.memory_space<vmem>>
        %dma_wait3A_1234 = arith.constant 0 : i32
        %dma_wait3A_1235 = arith.constant 0 : i32
        %dma_wait3A_1236 = tpu.memref_slice %arg3[%dma_wait3A_1234, %dma_wait3A_1235] : memref<1000000x32xf32, #tpu.memory_space<hbm>> -> memref<1000000x32xf32, #tpu.memory_space<hbm>>
        %dma_wait3A_1237 = tpu.memref_slice %arg8[%rem3A_649] : memref<2x!tpu.dma_semaphore, #tpu.memory_space<semaphore_mem>> -> memref<1x!tpu.dma_semaphore, #tpu.memory_space<semaphore_mem>>
        %dma_wait3A_1238 = tpu.memref_squeeze %dma_wait3A_1237 : memref<1x!tpu.dma_semaphore, #tpu.memory_space<semaphore_mem>> -> memref<!tpu.dma_semaphore, #tpu.memory_space<semaphore_mem>>
        tpu.wait_indirect_dma semaphore(%dma_wait3A_1238 : memref<!tpu.dma_semaphore, #tpu.memory_space<semaphore_mem>>) src(%dma_wait3A_1236 : memref<1000000x32xf32, #tpu.memory_space<hbm>>) dst(%dma_wait3A_1232 : memref<128x32xf32, #tpu.memory_space<vmem>>)
        %add3A_1239 = arith.constant 128 : i32
        %add3A_1240 = arith.addi %mul3A_1226, %add3A_1239 : i32
        %dma_wait3A_1241 = arith.constant 128 : i32
        %dma_wait3A_1242 = arith.constant 0 : i32
        %dma_wait3A_1243 = tpu.memref_slice %arg6[%rem3A_649, %dma_wait3A_1241, %dma_wait3A_1242] : memref<2x512x32xf32, #tpu.memory_space<vmem>> -> memref<1x128x32xf32, #tpu.memory_space<vmem>>
        %dma_wait3A_1244 = tpu.memref_squeeze %dma_wait3A_1243 : memref<1x128x32xf32, #tpu.memory_space<vmem>> -> memref<128x32xf32, #tpu.memory_space<vmem>>
        %dma_wait3A_1245 = tpu.memref_slice %arg5[%add3A_1240] : memref<7168xi32, #tpu.memory_space<vmem>> -> memref<128xi32, #tpu.memory_space<vmem>>
        %dma_wait3A_1246 = arith.constant 0 : i32
        %dma_wait3A_1247 = arith.constant 0 : i32
        %dma_wait3A_1248 = tpu.memref_slice %arg3[%dma_wait3A_1246, %dma_wait3A_1247] : memref<1000000x32xf32, #tpu.memory_space<hbm>> -> memref<1000000x32xf32, #tpu.memory_space<hbm>>
        %dma_wait3A_1249 = tpu.memref_slice %arg8[%rem3A_649] : memref<2x!tpu.dma_semaphore, #tpu.memory_space<semaphore_mem>> -> memref<1x!tpu.dma_semaphore, #tpu.memory_space<semaphore_mem>>
        %dma_wait3A_1250 = tpu.memref_squeeze %dma_wait3A_1249 : memref<1x!tpu.dma_semaphore, #tpu.memory_space<semaphore_mem>> -> memref<!tpu.dma_semaphore, #tpu.memory_space<semaphore_mem>>
        tpu.wait_indirect_dma semaphore(%dma_wait3A_1250 : memref<!tpu.dma_semaphore, #tpu.memory_space<semaphore_mem>>) src(%dma_wait3A_1248 : memref<1000000x32xf32, #tpu.memory_space<hbm>>) dst(%dma_wait3A_1244 : memref<128x32xf32, #tpu.memory_space<vmem>>)
        %add3A_1251 = arith.constant 256 : i32
        %add3A_1252 = arith.addi %mul3A_1226, %add3A_1251 : i32
        %dma_wait3A_1253 = arith.constant 256 : i32
        %dma_wait3A_1254 = arith.constant 0 : i32
        %dma_wait3A_1255 = tpu.memref_slice %arg6[%rem3A_649, %dma_wait3A_1253, %dma_wait3A_1254] : memref<2x512x32xf32, #tpu.memory_space<vmem>> -> memref<1x128x32xf32, #tpu.memory_space<vmem>>
        %dma_wait3A_1256 = tpu.memref_squeeze %dma_wait3A_1255 : memref<1x128x32xf32, #tpu.memory_space<vmem>> -> memref<128x32xf32, #tpu.memory_space<vmem>>
        %dma_wait3A_1257 = tpu.memref_slice %arg5[%add3A_1252] : memref<7168xi32, #tpu.memory_space<vmem>> -> memref<128xi32, #tpu.memory_space<vmem>>
        %dma_wait3A_1258 = arith.constant 0 : i32
        %dma_wait3A_1259 = arith.constant 0 : i32
        %dma_wait3A_1260 = tpu.memref_slice %arg3[%dma_wait3A_1258, %dma_wait3A_1259] : memref<1000000x32xf32, #tpu.memory_space<hbm>> -> memref<1000000x32xf32, #tpu.memory_space<hbm>>
        %dma_wait3A_1261 = tpu.memref_slice %arg8[%rem3A_649] : memref<2x!tpu.dma_semaphore, #tpu.memory_space<semaphore_mem>> -> memref<1x!tpu.dma_semaphore, #tpu.memory_space<semaphore_mem>>
        %dma_wait3A_1262 = tpu.memref_squeeze %dma_wait3A_1261 : memref<1x!tpu.dma_semaphore, #tpu.memory_space<semaphore_mem>> -> memref<!tpu.dma_semaphore, #tpu.memory_space<semaphore_mem>>
        tpu.wait_indirect_dma semaphore(%dma_wait3A_1262 : memref<!tpu.dma_semaphore, #tpu.memory_space<semaphore_mem>>) src(%dma_wait3A_1260 : memref<1000000x32xf32, #tpu.memory_space<hbm>>) dst(%dma_wait3A_1256 : memref<128x32xf32, #tpu.memory_space<vmem>>)
        %add3A_1263 = arith.constant 384 : i32
        %add3A_1264 = arith.addi %mul3A_1226, %add3A_1263 : i32
        %dma_wait3A_1265 = arith.constant 384 : i32
        %dma_wait3A_1266 = arith.constant 0 : i32
        %dma_wait3A_1267 = tpu.memref_slice %arg6[%rem3A_649, %dma_wait3A_1265, %dma_wait3A_1266] : memref<2x512x32xf32, #tpu.memory_space<vmem>> -> memref<1x128x32xf32, #tpu.memory_space<vmem>>
        %dma_wait3A_1268 = tpu.memref_squeeze %dma_wait3A_1267 : memref<1x128x32xf32, #tpu.memory_space<vmem>> -> memref<128x32xf32, #tpu.memory_space<vmem>>
        %dma_wait3A_1269 = tpu.memref_slice %arg5[%add3A_1264] : memref<7168xi32, #tpu.memory_space<vmem>> -> memref<128xi32, #tpu.memory_space<vmem>>
        %dma_wait3A_1270 = arith.constant 0 : i32
        %dma_wait3A_1271 = arith.constant 0 : i32
        %dma_wait3A_1272 = tpu.memref_slice %arg3[%dma_wait3A_1270, %dma_wait3A_1271] : memref<1000000x32xf32, #tpu.memory_space<hbm>> -> memref<1000000x32xf32, #tpu.memory_space<hbm>>
        %dma_wait3A_1273 = tpu.memref_slice %arg8[%rem3A_649] : memref<2x!tpu.dma_semaphore, #tpu.memory_space<semaphore_mem>> -> memref<1x!tpu.dma_semaphore, #tpu.memory_space<semaphore_mem>>
        %dma_wait3A_1274 = tpu.memref_squeeze %dma_wait3A_1273 : memref<1x!tpu.dma_semaphore, #tpu.memory_space<semaphore_mem>> -> memref<!tpu.dma_semaphore, #tpu.memory_space<semaphore_mem>>
        tpu.wait_indirect_dma semaphore(%dma_wait3A_1274 : memref<!tpu.dma_semaphore, #tpu.memory_space<semaphore_mem>>) src(%dma_wait3A_1272 : memref<1000000x32xf32, #tpu.memory_space<hbm>>) dst(%dma_wait3A_1268 : memref<128x32xf32, #tpu.memory_space<vmem>>)
        %add3A_1275 = arith.constant 512 : i32
        %add3A_1276 = arith.addi %mul3A_1226, %add3A_1275 : i32
        %add3A_1277 = arith.constant 0 : i32
        %add3A_1278 = arith.addi %add3A_1276, %add3A_1277 : i32
        %dma_start3A_1279 = arith.constant 0 : i32
        %dma_start3A_1280 = arith.constant 0 : i32
        %dma_start3A_1281 = tpu.memref_slice %arg6[%rem3A_649, %dma_start3A_1279, %dma_start3A_1280] : memref<2x512x32xf32, #tpu.memory_space<vmem>> -> memref<1x128x32xf32, #tpu.memory_space<vmem>>
        %dma_start3A_1282 = tpu.memref_squeeze %dma_start3A_1281 : memref<1x128x32xf32, #tpu.memory_space<vmem>> -> memref<128x32xf32, #tpu.memory_space<vmem>>
        %dma_start3A_1283 = tpu.memref_slice %arg5[%add3A_1278] : memref<7168xi32, #tpu.memory_space<vmem>> -> memref<128xi32, #tpu.memory_space<vmem>>
        %dma_start3A_1284 = arith.constant 0 : i32
        %dma_start3A_1285 = arith.constant 0 : i32
        %dma_start3A_1286 = tpu.memref_slice %arg3[%dma_start3A_1284, %dma_start3A_1285] : memref<1000000x32xf32, #tpu.memory_space<hbm>> -> memref<1000000x32xf32, #tpu.memory_space<hbm>>
        %dma_start3A_1287 = tpu.memref_slice %arg8[%rem3A_649] : memref<2x!tpu.dma_semaphore, #tpu.memory_space<semaphore_mem>> -> memref<1x!tpu.dma_semaphore, #tpu.memory_space<semaphore_mem>>
        %dma_start3A_1288 = tpu.memref_squeeze %dma_start3A_1287 : memref<1x!tpu.dma_semaphore, #tpu.memory_space<semaphore_mem>> -> memref<!tpu.dma_semaphore, #tpu.memory_space<semaphore_mem>>
        tpu.enqueue_indirect_dma source(%dma_start3A_1286 : memref<1000000x32xf32, #tpu.memory_space<hbm>>) target(%dma_start3A_1282 : memref<128x32xf32, #tpu.memory_space<vmem>>) offsets(%dma_start3A_1283 : memref<128xi32, #tpu.memory_space<vmem>>) semaphore(%dma_start3A_1288 : memref<!tpu.dma_semaphore, #tpu.memory_space<semaphore_mem>>) {add = true}
        %add3A_1289 = arith.constant 512 : i32
        %add3A_1290 = arith.addi %mul3A_1226, %add3A_1289 : i32
        %add3A_1291 = arith.constant 128 : i32
        %add3A_1292 = arith.addi %add3A_1290, %add3A_1291 : i32
        %dma_start3A_1293 = arith.constant 128 : i32
        %dma_start3A_1294 = arith.constant 0 : i32
        %dma_start3A_1295 = tpu.memref_slice %arg6[%rem3A_649, %dma_start3A_1293, %dma_start3A_1294] : memref<2x512x32xf32, #tpu.memory_space<vmem>> -> memref<1x128x32xf32, #tpu.memory_space<vmem>>
        %dma_start3A_1296 = tpu.memref_squeeze %dma_start3A_1295 : memref<1x128x32xf32, #tpu.memory_space<vmem>> -> memref<128x32xf32, #tpu.memory_space<vmem>>
        %dma_start3A_1297 = tpu.memref_slice %arg5[%add3A_1292] : memref<7168xi32, #tpu.memory_space<vmem>> -> memref<128xi32, #tpu.memory_space<vmem>>
        %dma_start3A_1298 = arith.constant 0 : i32
        %dma_start3A_1299 = arith.constant 0 : i32
        %dma_start3A_1300 = tpu.memref_slice %arg3[%dma_start3A_1298, %dma_start3A_1299] : memref<1000000x32xf32, #tpu.memory_space<hbm>> -> memref<1000000x32xf32, #tpu.memory_space<hbm>>
        %dma_start3A_1301 = tpu.memref_slice %arg8[%rem3A_649] : memref<2x!tpu.dma_semaphore, #tpu.memory_space<semaphore_mem>> -> memref<1x!tpu.dma_semaphore, #tpu.memory_space<semaphore_mem>>
        %dma_start3A_1302 = tpu.memref_squeeze %dma_start3A_1301 : memref<1x!tpu.dma_semaphore, #tpu.memory_space<semaphore_mem>> -> memref<!tpu.dma_semaphore, #tpu.memory_space<semaphore_mem>>
        tpu.enqueue_indirect_dma source(%dma_start3A_1300 : memref<1000000x32xf32, #tpu.memory_space<hbm>>) target(%dma_start3A_1296 : memref<128x32xf32, #tpu.memory_space<vmem>>) offsets(%dma_start3A_1297 : memref<128xi32, #tpu.memory_space<vmem>>) semaphore(%dma_start3A_1302 : memref<!tpu.dma_semaphore, #tpu.memory_space<semaphore_mem>>) {add = true}
        %add3A_1303 = arith.constant 512 : i32
        %add3A_1304 = arith.addi %mul3A_1226, %add3A_1303 : i32
        %add3A_1305 = arith.constant 256 : i32
        %add3A_1306 = arith.addi %add3A_1304, %add3A_1305 : i32
        %dma_start3A_1307 = arith.constant 256 : i32
        %dma_start3A_1308 = arith.constant 0 : i32
        %dma_start3A_1309 = tpu.memref_slice %arg6[%rem3A_649, %dma_start3A_1307, %dma_start3A_1308] : memref<2x512x32xf32, #tpu.memory_space<vmem>> -> memref<1x128x32xf32, #tpu.memory_space<vmem>>
        %dma_start3A_1310 = tpu.memref_squeeze %dma_start3A_1309 : memref<1x128x32xf32, #tpu.memory_space<vmem>> -> memref<128x32xf32, #tpu.memory_space<vmem>>
        %dma_start3A_1311 = tpu.memref_slice %arg5[%add3A_1306] : memref<7168xi32, #tpu.memory_space<vmem>> -> memref<128xi32, #tpu.memory_space<vmem>>
        %dma_start3A_1312 = arith.constant 0 : i32
        %dma_start3A_1313 = arith.constant 0 : i32
        %dma_start3A_1314 = tpu.memref_slice %arg3[%dma_start3A_1312, %dma_start3A_1313] : memref<1000000x32xf32, #tpu.memory_space<hbm>> -> memref<1000000x32xf32, #tpu.memory_space<hbm>>
        %dma_start3A_1315 = tpu.memref_slice %arg8[%rem3A_649] : memref<2x!tpu.dma_semaphore, #tpu.memory_space<semaphore_mem>> -> memref<1x!tpu.dma_semaphore, #tpu.memory_space<semaphore_mem>>
        %dma_start3A_1316 = tpu.memref_squeeze %dma_start3A_1315 : memref<1x!tpu.dma_semaphore, #tpu.memory_space<semaphore_mem>> -> memref<!tpu.dma_semaphore, #tpu.memory_space<semaphore_mem>>
        tpu.enqueue_indirect_dma source(%dma_start3A_1314 : memref<1000000x32xf32, #tpu.memory_space<hbm>>) target(%dma_start3A_1310 : memref<128x32xf32, #tpu.memory_space<vmem>>) offsets(%dma_start3A_1311 : memref<128xi32, #tpu.memory_space<vmem>>) semaphore(%dma_start3A_1316 : memref<!tpu.dma_semaphore, #tpu.memory_space<semaphore_mem>>) {add = true}
        %add3A_1317 = arith.constant 512 : i32
        %add3A_1318 = arith.addi %mul3A_1226, %add3A_1317 : i32
        %add3A_1319 = arith.constant 384 : i32
        %add3A_1320 = arith.addi %add3A_1318, %add3A_1319 : i32
        %dma_start3A_1321 = arith.constant 384 : i32
        %dma_start3A_1322 = arith.constant 0 : i32
        %dma_start3A_1323 = tpu.memref_slice %arg6[%rem3A_649, %dma_start3A_1321, %dma_start3A_1322] : memref<2x512x32xf32, #tpu.memory_space<vmem>> -> memref<1x128x32xf32, #tpu.memory_space<vmem>>
        %dma_start3A_1324 = tpu.memref_squeeze %dma_start3A_1323 : memref<1x128x32xf32, #tpu.memory_space<vmem>> -> memref<128x32xf32, #tpu.memory_space<vmem>>
        %dma_start3A_1325 = tpu.memref_slice %arg5[%add3A_1320] : memref<7168xi32, #tpu.memory_space<vmem>> -> memref<128xi32, #tpu.memory_space<vmem>>
        %dma_start3A_1326 = arith.constant 0 : i32
        %dma_start3A_1327 = arith.constant 0 : i32
        %dma_start3A_1328 = tpu.memref_slice %arg3[%dma_start3A_1326, %dma_start3A_1327] : memref<1000000x32xf32, #tpu.memory_space<hbm>> -> memref<1000000x32xf32, #tpu.memory_space<hbm>>
        %dma_start3A_1329 = tpu.memref_slice %arg8[%rem3A_649] : memref<2x!tpu.dma_semaphore, #tpu.memory_space<semaphore_mem>> -> memref<1x!tpu.dma_semaphore, #tpu.memory_space<semaphore_mem>>
        %dma_start3A_1330 = tpu.memref_squeeze %dma_start3A_1329 : memref<1x!tpu.dma_semaphore, #tpu.memory_space<semaphore_mem>> -> memref<!tpu.dma_semaphore, #tpu.memory_space<semaphore_mem>>
        tpu.enqueue_indirect_dma source(%dma_start3A_1328 : memref<1000000x32xf32, #tpu.memory_space<hbm>>) target(%dma_start3A_1324 : memref<128x32xf32, #tpu.memory_space<vmem>>) offsets(%dma_start3A_1325 : memref<128xi32, #tpu.memory_space<vmem>>) semaphore(%dma_start3A_1330 : memref<!tpu.dma_semaphore, #tpu.memory_space<semaphore_mem>>) {add = true}
        %add3A_1331 = arith.constant 1024 : i32
        %add3A_1332 = arith.addi %mul3A_1226, %add3A_1331 : i32
        %add3A_1333 = arith.constant 0 : i32
        %add3A_1334 = arith.addi %add3A_1332, %add3A_1333 : i32
        %dma_start3A_1335 = arith.constant 0 : i32
        %dma_start3A_1336 = arith.constant 0 : i32
        %dma_start3A_1337 = tpu.memref_slice %arg6[%rem3A_649, %dma_start3A_1335, %dma_start3A_1336] : memref<2x512x32xf32, #tpu.memory_space<vmem>> -> memref<1x128x32xf32, #tpu.memory_space<vmem>>
        %dma_start3A_1338 = tpu.memref_squeeze %dma_start3A_1337 : memref<1x128x32xf32, #tpu.memory_space<vmem>> -> memref<128x32xf32, #tpu.memory_space<vmem>>
        %dma_start3A_1339 = tpu.memref_slice %arg5[%add3A_1334] : memref<7168xi32, #tpu.memory_space<vmem>> -> memref<128xi32, #tpu.memory_space<vmem>>
        %dma_start3A_1340 = arith.constant 0 : i32
        %dma_start3A_1341 = arith.constant 0 : i32
        %dma_start3A_1342 = tpu.memref_slice %arg3[%dma_start3A_1340, %dma_start3A_1341] : memref<1000000x32xf32, #tpu.memory_space<hbm>> -> memref<1000000x32xf32, #tpu.memory_space<hbm>>
        %dma_start3A_1343 = tpu.memref_slice %arg8[%rem3A_649] : memref<2x!tpu.dma_semaphore, #tpu.memory_space<semaphore_mem>> -> memref<1x!tpu.dma_semaphore, #tpu.memory_space<semaphore_mem>>
        %dma_start3A_1344 = tpu.memref_squeeze %dma_start3A_1343 : memref<1x!tpu.dma_semaphore, #tpu.memory_space<semaphore_mem>> -> memref<!tpu.dma_semaphore, #tpu.memory_space<semaphore_mem>>
        tpu.enqueue_indirect_dma source(%dma_start3A_1342 : memref<1000000x32xf32, #tpu.memory_space<hbm>>) target(%dma_start3A_1338 : memref<128x32xf32, #tpu.memory_space<vmem>>) offsets(%dma_start3A_1339 : memref<128xi32, #tpu.memory_space<vmem>>) semaphore(%dma_start3A_1344 : memref<!tpu.dma_semaphore, #tpu.memory_space<semaphore_mem>>) {add = true}
        %add3A_1345 = arith.constant 1024 : i32
        %add3A_1346 = arith.addi %mul3A_1226, %add3A_1345 : i32
        %add3A_1347 = arith.constant 128 : i32
        %add3A_1348 = arith.addi %add3A_1346, %add3A_1347 : i32
        %dma_start3A_1349 = arith.constant 128 : i32
        %dma_start3A_1350 = arith.constant 0 : i32
        %dma_start3A_1351 = tpu.memref_slice %arg6[%rem3A_649, %dma_start3A_1349, %dma_start3A_1350] : memref<2x512x32xf32, #tpu.memory_space<vmem>> -> memref<1x128x32xf32, #tpu.memory_space<vmem>>
        %dma_start3A_1352 = tpu.memref_squeeze %dma_start3A_1351 : memref<1x128x32xf32, #tpu.memory_space<vmem>> -> memref<128x32xf32, #tpu.memory_space<vmem>>
        %dma_start3A_1353 = tpu.memref_slice %arg5[%add3A_1348] : memref<7168xi32, #tpu.memory_space<vmem>> -> memref<128xi32, #tpu.memory_space<vmem>>
        %dma_start3A_1354 = arith.constant 0 : i32
        %dma_start3A_1355 = arith.constant 0 : i32
        %dma_start3A_1356 = tpu.memref_slice %arg3[%dma_start3A_1354, %dma_start3A_1355] : memref<1000000x32xf32, #tpu.memory_space<hbm>> -> memref<1000000x32xf32, #tpu.memory_space<hbm>>
        %dma_start3A_1357 = tpu.memref_slice %arg8[%rem3A_649] : memref<2x!tpu.dma_semaphore, #tpu.memory_space<semaphore_mem>> -> memref<1x!tpu.dma_semaphore, #tpu.memory_space<semaphore_mem>>
        %dma_start3A_1358 = tpu.memref_squeeze %dma_start3A_1357 : memref<1x!tpu.dma_semaphore, #tpu.memory_space<semaphore_mem>> -> memref<!tpu.dma_semaphore, #tpu.memory_space<semaphore_mem>>
        tpu.enqueue_indirect_dma source(%dma_start3A_1356 : memref<1000000x32xf32, #tpu.memory_space<hbm>>) target(%dma_start3A_1352 : memref<128x32xf32, #tpu.memory_space<vmem>>) offsets(%dma_start3A_1353 : memref<128xi32, #tpu.memory_space<vmem>>) semaphore(%dma_start3A_1358 : memref<!tpu.dma_semaphore, #tpu.memory_space<semaphore_mem>>) {add = true}
        %add3A_1359 = arith.constant 1024 : i32
        %add3A_1360 = arith.addi %mul3A_1226, %add3A_1359 : i32
        %add3A_1361 = arith.constant 256 : i32
        %add3A_1362 = arith.addi %add3A_1360, %add3A_1361 : i32
        %dma_start3A_1363 = arith.constant 256 : i32
        %dma_start3A_1364 = arith.constant 0 : i32
        %dma_start3A_1365 = tpu.memref_slice %arg6[%rem3A_649, %dma_start3A_1363, %dma_start3A_1364] : memref<2x512x32xf32, #tpu.memory_space<vmem>> -> memref<1x128x32xf32, #tpu.memory_space<vmem>>
        %dma_start3A_1366 = tpu.memref_squeeze %dma_start3A_1365 : memref<1x128x32xf32, #tpu.memory_space<vmem>> -> memref<128x32xf32, #tpu.memory_space<vmem>>
        %dma_start3A_1367 = tpu.memref_slice %arg5[%add3A_1362] : memref<7168xi32, #tpu.memory_space<vmem>> -> memref<128xi32, #tpu.memory_space<vmem>>
        %dma_start3A_1368 = arith.constant 0 : i32
        %dma_start3A_1369 = arith.constant 0 : i32
        %dma_start3A_1370 = tpu.memref_slice %arg3[%dma_start3A_1368, %dma_start3A_1369] : memref<1000000x32xf32, #tpu.memory_space<hbm>> -> memref<1000000x32xf32, #tpu.memory_space<hbm>>
        %dma_start3A_1371 = tpu.memref_slice %arg8[%rem3A_649] : memref<2x!tpu.dma_semaphore, #tpu.memory_space<semaphore_mem>> -> memref<1x!tpu.dma_semaphore, #tpu.memory_space<semaphore_mem>>
        %dma_start3A_1372 = tpu.memref_squeeze %dma_start3A_1371 : memref<1x!tpu.dma_semaphore, #tpu.memory_space<semaphore_mem>> -> memref<!tpu.dma_semaphore, #tpu.memory_space<semaphore_mem>>
        tpu.enqueue_indirect_dma source(%dma_start3A_1370 : memref<1000000x32xf32, #tpu.memory_space<hbm>>) target(%dma_start3A_1366 : memref<128x32xf32, #tpu.memory_space<vmem>>) offsets(%dma_start3A_1367 : memref<128xi32, #tpu.memory_space<vmem>>) semaphore(%dma_start3A_1372 : memref<!tpu.dma_semaphore, #tpu.memory_space<semaphore_mem>>) {add = true}
        %add3A_1373 = arith.constant 1024 : i32
        %add3A_1374 = arith.addi %mul3A_1226, %add3A_1373 : i32
        %add3A_1375 = arith.constant 384 : i32
        %add3A_1376 = arith.addi %add3A_1374, %add3A_1375 : i32
        %dma_start3A_1377 = arith.constant 384 : i32
        %dma_start3A_1378 = arith.constant 0 : i32
        %dma_start3A_1379 = tpu.memref_slice %arg6[%rem3A_649, %dma_start3A_1377, %dma_start3A_1378] : memref<2x512x32xf32, #tpu.memory_space<vmem>> -> memref<1x128x32xf32, #tpu.memory_space<vmem>>
        %dma_start3A_1380 = tpu.memref_squeeze %dma_start3A_1379 : memref<1x128x32xf32, #tpu.memory_space<vmem>> -> memref<128x32xf32, #tpu.memory_space<vmem>>
        %dma_start3A_1381 = tpu.memref_slice %arg5[%add3A_1376] : memref<7168xi32, #tpu.memory_space<vmem>> -> memref<128xi32, #tpu.memory_space<vmem>>
        %dma_start3A_1382 = arith.constant 0 : i32
        %dma_start3A_1383 = arith.constant 0 : i32
        %dma_start3A_1384 = tpu.memref_slice %arg3[%dma_start3A_1382, %dma_start3A_1383] : memref<1000000x32xf32, #tpu.memory_space<hbm>> -> memref<1000000x32xf32, #tpu.memory_space<hbm>>
        %dma_start3A_1385 = tpu.memref_slice %arg8[%rem3A_649] : memref<2x!tpu.dma_semaphore, #tpu.memory_space<semaphore_mem>> -> memref<1x!tpu.dma_semaphore, #tpu.memory_space<semaphore_mem>>
        %dma_start3A_1386 = tpu.memref_squeeze %dma_start3A_1385 : memref<1x!tpu.dma_semaphore, #tpu.memory_space<semaphore_mem>> -> memref<!tpu.dma_semaphore, #tpu.memory_space<semaphore_mem>>
        tpu.enqueue_indirect_dma source(%dma_start3A_1384 : memref<1000000x32xf32, #tpu.memory_space<hbm>>) target(%dma_start3A_1380 : memref<128x32xf32, #tpu.memory_space<vmem>>) offsets(%dma_start3A_1381 : memref<128xi32, #tpu.memory_space<vmem>>) semaphore(%dma_start3A_1386 : memref<!tpu.dma_semaphore, #tpu.memory_space<semaphore_mem>>) {add = true}
        %add3A_1387 = arith.constant 1536 : i32
        %add3A_1388 = arith.addi %mul3A_1226, %add3A_1387 : i32
        %add3A_1389 = arith.constant 0 : i32
        %add3A_1390 = arith.addi %add3A_1388, %add3A_1389 : i32
        %dma_start3A_1391 = arith.constant 0 : i32
        %dma_start3A_1392 = arith.constant 0 : i32
        %dma_start3A_1393 = tpu.memref_slice %arg6[%rem3A_649, %dma_start3A_1391, %dma_start3A_1392] : memref<2x512x32xf32, #tpu.memory_space<vmem>> -> memref<1x128x32xf32, #tpu.memory_space<vmem>>
        %dma_start3A_1394 = tpu.memref_squeeze %dma_start3A_1393 : memref<1x128x32xf32, #tpu.memory_space<vmem>> -> memref<128x32xf32, #tpu.memory_space<vmem>>
        %dma_start3A_1395 = tpu.memref_slice %arg5[%add3A_1390] : memref<7168xi32, #tpu.memory_space<vmem>> -> memref<128xi32, #tpu.memory_space<vmem>>
        %dma_start3A_1396 = arith.constant 0 : i32
        %dma_start3A_1397 = arith.constant 0 : i32
        %dma_start3A_1398 = tpu.memref_slice %arg3[%dma_start3A_1396, %dma_start3A_1397] : memref<1000000x32xf32, #tpu.memory_space<hbm>> -> memref<1000000x32xf32, #tpu.memory_space<hbm>>
        %dma_start3A_1399 = tpu.memref_slice %arg8[%rem3A_649] : memref<2x!tpu.dma_semaphore, #tpu.memory_space<semaphore_mem>> -> memref<1x!tpu.dma_semaphore, #tpu.memory_space<semaphore_mem>>
        %dma_start3A_1400 = tpu.memref_squeeze %dma_start3A_1399 : memref<1x!tpu.dma_semaphore, #tpu.memory_space<semaphore_mem>> -> memref<!tpu.dma_semaphore, #tpu.memory_space<semaphore_mem>>
        tpu.enqueue_indirect_dma source(%dma_start3A_1398 : memref<1000000x32xf32, #tpu.memory_space<hbm>>) target(%dma_start3A_1394 : memref<128x32xf32, #tpu.memory_space<vmem>>) offsets(%dma_start3A_1395 : memref<128xi32, #tpu.memory_space<vmem>>) semaphore(%dma_start3A_1400 : memref<!tpu.dma_semaphore, #tpu.memory_space<semaphore_mem>>) {add = true}
        %add3A_1401 = arith.constant 1536 : i32
        %add3A_1402 = arith.addi %mul3A_1226, %add3A_1401 : i32
        %add3A_1403 = arith.constant 128 : i32
        %add3A_1404 = arith.addi %add3A_1402, %add3A_1403 : i32
        %dma_start3A_1405 = arith.constant 128 : i32
        %dma_start3A_1406 = arith.constant 0 : i32
        %dma_start3A_1407 = tpu.memref_slice %arg6[%rem3A_649, %dma_start3A_1405, %dma_start3A_1406] : memref<2x512x32xf32, #tpu.memory_space<vmem>> -> memref<1x128x32xf32, #tpu.memory_space<vmem>>
        %dma_start3A_1408 = tpu.memref_squeeze %dma_start3A_1407 : memref<1x128x32xf32, #tpu.memory_space<vmem>> -> memref<128x32xf32, #tpu.memory_space<vmem>>
        %dma_start3A_1409 = tpu.memref_slice %arg5[%add3A_1404] : memref<7168xi32, #tpu.memory_space<vmem>> -> memref<128xi32, #tpu.memory_space<vmem>>
        %dma_start3A_1410 = arith.constant 0 : i32
        %dma_start3A_1411 = arith.constant 0 : i32
        %dma_start3A_1412 = tpu.memref_slice %arg3[%dma_start3A_1410, %dma_start3A_1411] : memref<1000000x32xf32, #tpu.memory_space<hbm>> -> memref<1000000x32xf32, #tpu.memory_space<hbm>>
        %dma_start3A_1413 = tpu.memref_slice %arg8[%rem3A_649] : memref<2x!tpu.dma_semaphore, #tpu.memory_space<semaphore_mem>> -> memref<1x!tpu.dma_semaphore, #tpu.memory_space<semaphore_mem>>
        %dma_start3A_1414 = tpu.memref_squeeze %dma_start3A_1413 : memref<1x!tpu.dma_semaphore, #tpu.memory_space<semaphore_mem>> -> memref<!tpu.dma_semaphore, #tpu.memory_space<semaphore_mem>>
        tpu.enqueue_indirect_dma source(%dma_start3A_1412 : memref<1000000x32xf32, #tpu.memory_space<hbm>>) target(%dma_start3A_1408 : memref<128x32xf32, #tpu.memory_space<vmem>>) offsets(%dma_start3A_1409 : memref<128xi32, #tpu.memory_space<vmem>>) semaphore(%dma_start3A_1414 : memref<!tpu.dma_semaphore, #tpu.memory_space<semaphore_mem>>) {add = true}
        %add3A_1415 = arith.constant 1536 : i32
        %add3A_1416 = arith.addi %mul3A_1226, %add3A_1415 : i32
        %add3A_1417 = arith.constant 256 : i32
        %add3A_1418 = arith.addi %add3A_1416, %add3A_1417 : i32
        %dma_start3A_1419 = arith.constant 256 : i32
        %dma_start3A_1420 = arith.constant 0 : i32
        %dma_start3A_1421 = tpu.memref_slice %arg6[%rem3A_649, %dma_start3A_1419, %dma_start3A_1420] : memref<2x512x32xf32, #tpu.memory_space<vmem>> -> memref<1x128x32xf32, #tpu.memory_space<vmem>>
        %dma_start3A_1422 = tpu.memref_squeeze %dma_start3A_1421 : memref<1x128x32xf32, #tpu.memory_space<vmem>> -> memref<128x32xf32, #tpu.memory_space<vmem>>
        %dma_start3A_1423 = tpu.memref_slice %arg5[%add3A_1418] : memref<7168xi32, #tpu.memory_space<vmem>> -> memref<128xi32, #tpu.memory_space<vmem>>
        %dma_start3A_1424 = arith.constant 0 : i32
        %dma_start3A_1425 = arith.constant 0 : i32
        %dma_start3A_1426 = tpu.memref_slice %arg3[%dma_start3A_1424, %dma_start3A_1425] : memref<1000000x32xf32, #tpu.memory_space<hbm>> -> memref<1000000x32xf32, #tpu.memory_space<hbm>>
        %dma_start3A_1427 = tpu.memref_slice %arg8[%rem3A_649] : memref<2x!tpu.dma_semaphore, #tpu.memory_space<semaphore_mem>> -> memref<1x!tpu.dma_semaphore, #tpu.memory_space<semaphore_mem>>
        %dma_start3A_1428 = tpu.memref_squeeze %dma_start3A_1427 : memref<1x!tpu.dma_semaphore, #tpu.memory_space<semaphore_mem>> -> memref<!tpu.dma_semaphore, #tpu.memory_space<semaphore_mem>>
        tpu.enqueue_indirect_dma source(%dma_start3A_1426 : memref<1000000x32xf32, #tpu.memory_space<hbm>>) target(%dma_start3A_1422 : memref<128x32xf32, #tpu.memory_space<vmem>>) offsets(%dma_start3A_1423 : memref<128xi32, #tpu.memory_space<vmem>>) semaphore(%dma_start3A_1428 : memref<!tpu.dma_semaphore, #tpu.memory_space<semaphore_mem>>) {add = true}
        %add3A_1429 = arith.constant 1536 : i32
        %add3A_1430 = arith.addi %mul3A_1226, %add3A_1429 : i32
        %add3A_1431 = arith.constant 384 : i32
        %add3A_1432 = arith.addi %add3A_1430, %add3A_1431 : i32
        %dma_start3A_1433 = arith.constant 384 : i32
        %dma_start3A_1434 = arith.constant 0 : i32
        %dma_start3A_1435 = tpu.memref_slice %arg6[%rem3A_649, %dma_start3A_1433, %dma_start3A_1434] : memref<2x512x32xf32, #tpu.memory_space<vmem>> -> memref<1x128x32xf32, #tpu.memory_space<vmem>>
        %dma_start3A_1436 = tpu.memref_squeeze %dma_start3A_1435 : memref<1x128x32xf32, #tpu.memory_space<vmem>> -> memref<128x32xf32, #tpu.memory_space<vmem>>
        %dma_start3A_1437 = tpu.memref_slice %arg5[%add3A_1432] : memref<7168xi32, #tpu.memory_space<vmem>> -> memref<128xi32, #tpu.memory_space<vmem>>
        %dma_start3A_1438 = arith.constant 0 : i32
        %dma_start3A_1439 = arith.constant 0 : i32
        %dma_start3A_1440 = tpu.memref_slice %arg3[%dma_start3A_1438, %dma_start3A_1439] : memref<1000000x32xf32, #tpu.memory_space<hbm>> -> memref<1000000x32xf32, #tpu.memory_space<hbm>>
        %dma_start3A_1441 = tpu.memref_slice %arg8[%rem3A_649] : memref<2x!tpu.dma_semaphore, #tpu.memory_space<semaphore_mem>> -> memref<1x!tpu.dma_semaphore, #tpu.memory_space<semaphore_mem>>
        %dma_start3A_1442 = tpu.memref_squeeze %dma_start3A_1441 : memref<1x!tpu.dma_semaphore, #tpu.memory_space<semaphore_mem>> -> memref<!tpu.dma_semaphore, #tpu.memory_space<semaphore_mem>>
        tpu.enqueue_indirect_dma source(%dma_start3A_1440 : memref<1000000x32xf32, #tpu.memory_space<hbm>>) target(%dma_start3A_1436 : memref<128x32xf32, #tpu.memory_space<vmem>>) offsets(%dma_start3A_1437 : memref<128xi32, #tpu.memory_space<vmem>>) semaphore(%dma_start3A_1442 : memref<!tpu.dma_semaphore, #tpu.memory_space<semaphore_mem>>) {add = true}
        %add3A_1443 = arith.constant 2048 : i32
        %add3A_1444 = arith.addi %mul3A_1226, %add3A_1443 : i32
        %add3A_1445 = arith.constant 0 : i32
        %add3A_1446 = arith.addi %add3A_1444, %add3A_1445 : i32
        %dma_start3A_1447 = arith.constant 0 : i32
        %dma_start3A_1448 = arith.constant 0 : i32
        %dma_start3A_1449 = tpu.memref_slice %arg6[%rem3A_649, %dma_start3A_1447, %dma_start3A_1448] : memref<2x512x32xf32, #tpu.memory_space<vmem>> -> memref<1x128x32xf32, #tpu.memory_space<vmem>>
        %dma_start3A_1450 = tpu.memref_squeeze %dma_start3A_1449 : memref<1x128x32xf32, #tpu.memory_space<vmem>> -> memref<128x32xf32, #tpu.memory_space<vmem>>
        %dma_start3A_1451 = tpu.memref_slice %arg5[%add3A_1446] : memref<7168xi32, #tpu.memory_space<vmem>> -> memref<128xi32, #tpu.memory_space<vmem>>
        %dma_start3A_1452 = arith.constant 0 : i32
        %dma_start3A_1453 = arith.constant 0 : i32
        %dma_start3A_1454 = tpu.memref_slice %arg3[%dma_start3A_1452, %dma_start3A_1453] : memref<1000000x32xf32, #tpu.memory_space<hbm>> -> memref<1000000x32xf32, #tpu.memory_space<hbm>>
        %dma_start3A_1455 = tpu.memref_slice %arg8[%rem3A_649] : memref<2x!tpu.dma_semaphore, #tpu.memory_space<semaphore_mem>> -> memref<1x!tpu.dma_semaphore, #tpu.memory_space<semaphore_mem>>
        %dma_start3A_1456 = tpu.memref_squeeze %dma_start3A_1455 : memref<1x!tpu.dma_semaphore, #tpu.memory_space<semaphore_mem>> -> memref<!tpu.dma_semaphore, #tpu.memory_space<semaphore_mem>>
        tpu.enqueue_indirect_dma source(%dma_start3A_1454 : memref<1000000x32xf32, #tpu.memory_space<hbm>>) target(%dma_start3A_1450 : memref<128x32xf32, #tpu.memory_space<vmem>>) offsets(%dma_start3A_1451 : memref<128xi32, #tpu.memory_space<vmem>>) semaphore(%dma_start3A_1456 : memref<!tpu.dma_semaphore, #tpu.memory_space<semaphore_mem>>) {add = true}
        %add3A_1457 = arith.constant 2048 : i32
        %add3A_1458 = arith.addi %mul3A_1226, %add3A_1457 : i32
        %add3A_1459 = arith.constant 128 : i32
        %add3A_1460 = arith.addi %add3A_1458, %add3A_1459 : i32
        %dma_start3A_1461 = arith.constant 128 : i32
        %dma_start3A_1462 = arith.constant 0 : i32
        %dma_start3A_1463 = tpu.memref_slice %arg6[%rem3A_649, %dma_start3A_1461, %dma_start3A_1462] : memref<2x512x32xf32, #tpu.memory_space<vmem>> -> memref<1x128x32xf32, #tpu.memory_space<vmem>>
        %dma_start3A_1464 = tpu.memref_squeeze %dma_start3A_1463 : memref<1x128x32xf32, #tpu.memory_space<vmem>> -> memref<128x32xf32, #tpu.memory_space<vmem>>
        %dma_start3A_1465 = tpu.memref_slice %arg5[%add3A_1460] : memref<7168xi32, #tpu.memory_space<vmem>> -> memref<128xi32, #tpu.memory_space<vmem>>
        %dma_start3A_1466 = arith.constant 0 : i32
        %dma_start3A_1467 = arith.constant 0 : i32
        %dma_start3A_1468 = tpu.memref_slice %arg3[%dma_start3A_1466, %dma_start3A_1467] : memref<1000000x32xf32, #tpu.memory_space<hbm>> -> memref<1000000x32xf32, #tpu.memory_space<hbm>>
        %dma_start3A_1469 = tpu.memref_slice %arg8[%rem3A_649] : memref<2x!tpu.dma_semaphore, #tpu.memory_space<semaphore_mem>> -> memref<1x!tpu.dma_semaphore, #tpu.memory_space<semaphore_mem>>
        %dma_start3A_1470 = tpu.memref_squeeze %dma_start3A_1469 : memref<1x!tpu.dma_semaphore, #tpu.memory_space<semaphore_mem>> -> memref<!tpu.dma_semaphore, #tpu.memory_space<semaphore_mem>>
        tpu.enqueue_indirect_dma source(%dma_start3A_1468 : memref<1000000x32xf32, #tpu.memory_space<hbm>>) target(%dma_start3A_1464 : memref<128x32xf32, #tpu.memory_space<vmem>>) offsets(%dma_start3A_1465 : memref<128xi32, #tpu.memory_space<vmem>>) semaphore(%dma_start3A_1470 : memref<!tpu.dma_semaphore, #tpu.memory_space<semaphore_mem>>) {add = true}
        %add3A_1471 = arith.constant 2048 : i32
        %add3A_1472 = arith.addi %mul3A_1226, %add3A_1471 : i32
        %add3A_1473 = arith.constant 256 : i32
        %add3A_1474 = arith.addi %add3A_1472, %add3A_1473 : i32
        %dma_start3A_1475 = arith.constant 256 : i32
        %dma_start3A_1476 = arith.constant 0 : i32
        %dma_start3A_1477 = tpu.memref_slice %arg6[%rem3A_649, %dma_start3A_1475, %dma_start3A_1476] : memref<2x512x32xf32, #tpu.memory_space<vmem>> -> memref<1x128x32xf32, #tpu.memory_space<vmem>>
        %dma_start3A_1478 = tpu.memref_squeeze %dma_start3A_1477 : memref<1x128x32xf32, #tpu.memory_space<vmem>> -> memref<128x32xf32, #tpu.memory_space<vmem>>
        %dma_start3A_1479 = tpu.memref_slice %arg5[%add3A_1474] : memref<7168xi32, #tpu.memory_space<vmem>> -> memref<128xi32, #tpu.memory_space<vmem>>
        %dma_start3A_1480 = arith.constant 0 : i32
        %dma_start3A_1481 = arith.constant 0 : i32
        %dma_start3A_1482 = tpu.memref_slice %arg3[%dma_start3A_1480, %dma_start3A_1481] : memref<1000000x32xf32, #tpu.memory_space<hbm>> -> memref<1000000x32xf32, #tpu.memory_space<hbm>>
        %dma_start3A_1483 = tpu.memref_slice %arg8[%rem3A_649] : memref<2x!tpu.dma_semaphore, #tpu.memory_space<semaphore_mem>> -> memref<1x!tpu.dma_semaphore, #tpu.memory_space<semaphore_mem>>
        %dma_start3A_1484 = tpu.memref_squeeze %dma_start3A_1483 : memref<1x!tpu.dma_semaphore, #tpu.memory_space<semaphore_mem>> -> memref<!tpu.dma_semaphore, #tpu.memory_space<semaphore_mem>>
        tpu.enqueue_indirect_dma source(%dma_start3A_1482 : memref<1000000x32xf32, #tpu.memory_space<hbm>>) target(%dma_start3A_1478 : memref<128x32xf32, #tpu.memory_space<vmem>>) offsets(%dma_start3A_1479 : memref<128xi32, #tpu.memory_space<vmem>>) semaphore(%dma_start3A_1484 : memref<!tpu.dma_semaphore, #tpu.memory_space<semaphore_mem>>) {add = true}
        %add3A_1485 = arith.constant 2048 : i32
        %add3A_1486 = arith.addi %mul3A_1226, %add3A_1485 : i32
        %add3A_1487 = arith.constant 384 : i32
        %add3A_1488 = arith.addi %add3A_1486, %add3A_1487 : i32
        %dma_start3A_1489 = arith.constant 384 : i32
        %dma_start3A_1490 = arith.constant 0 : i32
        %dma_start3A_1491 = tpu.memref_slice %arg6[%rem3A_649, %dma_start3A_1489, %dma_start3A_1490] : memref<2x512x32xf32, #tpu.memory_space<vmem>> -> memref<1x128x32xf32, #tpu.memory_space<vmem>>
        %dma_start3A_1492 = tpu.memref_squeeze %dma_start3A_1491 : memref<1x128x32xf32, #tpu.memory_space<vmem>> -> memref<128x32xf32, #tpu.memory_space<vmem>>
        %dma_start3A_1493 = tpu.memref_slice %arg5[%add3A_1488] : memref<7168xi32, #tpu.memory_space<vmem>> -> memref<128xi32, #tpu.memory_space<vmem>>
        %dma_start3A_1494 = arith.constant 0 : i32
        %dma_start3A_1495 = arith.constant 0 : i32
        %dma_start3A_1496 = tpu.memref_slice %arg3[%dma_start3A_1494, %dma_start3A_1495] : memref<1000000x32xf32, #tpu.memory_space<hbm>> -> memref<1000000x32xf32, #tpu.memory_space<hbm>>
        %dma_start3A_1497 = tpu.memref_slice %arg8[%rem3A_649] : memref<2x!tpu.dma_semaphore, #tpu.memory_space<semaphore_mem>> -> memref<1x!tpu.dma_semaphore, #tpu.memory_space<semaphore_mem>>
        %dma_start3A_1498 = tpu.memref_squeeze %dma_start3A_1497 : memref<1x!tpu.dma_semaphore, #tpu.memory_space<semaphore_mem>> -> memref<!tpu.dma_semaphore, #tpu.memory_space<semaphore_mem>>
        tpu.enqueue_indirect_dma source(%dma_start3A_1496 : memref<1000000x32xf32, #tpu.memory_space<hbm>>) target(%dma_start3A_1492 : memref<128x32xf32, #tpu.memory_space<vmem>>) offsets(%dma_start3A_1493 : memref<128xi32, #tpu.memory_space<vmem>>) semaphore(%dma_start3A_1498 : memref<!tpu.dma_semaphore, #tpu.memory_space<semaphore_mem>>) {add = true}
        %add3A_1499 = arith.constant 2560 : i32
        %add3A_1500 = arith.addi %mul3A_1226, %add3A_1499 : i32
        %add3A_1501 = arith.constant 0 : i32
        %add3A_1502 = arith.addi %add3A_1500, %add3A_1501 : i32
        %dma_start3A_1503 = arith.constant 0 : i32
        %dma_start3A_1504 = arith.constant 0 : i32
        %dma_start3A_1505 = tpu.memref_slice %arg6[%rem3A_649, %dma_start3A_1503, %dma_start3A_1504] : memref<2x512x32xf32, #tpu.memory_space<vmem>> -> memref<1x128x32xf32, #tpu.memory_space<vmem>>
        %dma_start3A_1506 = tpu.memref_squeeze %dma_start3A_1505 : memref<1x128x32xf32, #tpu.memory_space<vmem>> -> memref<128x32xf32, #tpu.memory_space<vmem>>
        %dma_start3A_1507 = tpu.memref_slice %arg5[%add3A_1502] : memref<7168xi32, #tpu.memory_space<vmem>> -> memref<128xi32, #tpu.memory_space<vmem>>
        %dma_start3A_1508 = arith.constant 0 : i32
        %dma_start3A_1509 = arith.constant 0 : i32
        %dma_start3A_1510 = tpu.memref_slice %arg3[%dma_start3A_1508, %dma_start3A_1509] : memref<1000000x32xf32, #tpu.memory_space<hbm>> -> memref<1000000x32xf32, #tpu.memory_space<hbm>>
        %dma_start3A_1511 = tpu.memref_slice %arg8[%rem3A_649] : memref<2x!tpu.dma_semaphore, #tpu.memory_space<semaphore_mem>> -> memref<1x!tpu.dma_semaphore, #tpu.memory_space<semaphore_mem>>
        %dma_start3A_1512 = tpu.memref_squeeze %dma_start3A_1511 : memref<1x!tpu.dma_semaphore, #tpu.memory_space<semaphore_mem>> -> memref<!tpu.dma_semaphore, #tpu.memory_space<semaphore_mem>>
        tpu.enqueue_indirect_dma source(%dma_start3A_1510 : memref<1000000x32xf32, #tpu.memory_space<hbm>>) target(%dma_start3A_1506 : memref<128x32xf32, #tpu.memory_space<vmem>>) offsets(%dma_start3A_1507 : memref<128xi32, #tpu.memory_space<vmem>>) semaphore(%dma_start3A_1512 : memref<!tpu.dma_semaphore, #tpu.memory_space<semaphore_mem>>) {add = true}
        %add3A_1513 = arith.constant 2560 : i32
        %add3A_1514 = arith.addi %mul3A_1226, %add3A_1513 : i32
        %add3A_1515 = arith.constant 128 : i32
        %add3A_1516 = arith.addi %add3A_1514, %add3A_1515 : i32
        %dma_start3A_1517 = arith.constant 128 : i32
        %dma_start3A_1518 = arith.constant 0 : i32
        %dma_start3A_1519 = tpu.memref_slice %arg6[%rem3A_649, %dma_start3A_1517, %dma_start3A_1518] : memref<2x512x32xf32, #tpu.memory_space<vmem>> -> memref<1x128x32xf32, #tpu.memory_space<vmem>>
        %dma_start3A_1520 = tpu.memref_squeeze %dma_start3A_1519 : memref<1x128x32xf32, #tpu.memory_space<vmem>> -> memref<128x32xf32, #tpu.memory_space<vmem>>
        %dma_start3A_1521 = tpu.memref_slice %arg5[%add3A_1516] : memref<7168xi32, #tpu.memory_space<vmem>> -> memref<128xi32, #tpu.memory_space<vmem>>
        %dma_start3A_1522 = arith.constant 0 : i32
        %dma_start3A_1523 = arith.constant 0 : i32
        %dma_start3A_1524 = tpu.memref_slice %arg3[%dma_start3A_1522, %dma_start3A_1523] : memref<1000000x32xf32, #tpu.memory_space<hbm>> -> memref<1000000x32xf32, #tpu.memory_space<hbm>>
        %dma_start3A_1525 = tpu.memref_slice %arg8[%rem3A_649] : memref<2x!tpu.dma_semaphore, #tpu.memory_space<semaphore_mem>> -> memref<1x!tpu.dma_semaphore, #tpu.memory_space<semaphore_mem>>
        %dma_start3A_1526 = tpu.memref_squeeze %dma_start3A_1525 : memref<1x!tpu.dma_semaphore, #tpu.memory_space<semaphore_mem>> -> memref<!tpu.dma_semaphore, #tpu.memory_space<semaphore_mem>>
        tpu.enqueue_indirect_dma source(%dma_start3A_1524 : memref<1000000x32xf32, #tpu.memory_space<hbm>>) target(%dma_start3A_1520 : memref<128x32xf32, #tpu.memory_space<vmem>>) offsets(%dma_start3A_1521 : memref<128xi32, #tpu.memory_space<vmem>>) semaphore(%dma_start3A_1526 : memref<!tpu.dma_semaphore, #tpu.memory_space<semaphore_mem>>) {add = true}
        %add3A_1527 = arith.constant 2560 : i32
        %add3A_1528 = arith.addi %mul3A_1226, %add3A_1527 : i32
        %add3A_1529 = arith.constant 256 : i32
        %add3A_1530 = arith.addi %add3A_1528, %add3A_1529 : i32
        %dma_start3A_1531 = arith.constant 256 : i32
        %dma_start3A_1532 = arith.constant 0 : i32
        %dma_start3A_1533 = tpu.memref_slice %arg6[%rem3A_649, %dma_start3A_1531, %dma_start3A_1532] : memref<2x512x32xf32, #tpu.memory_space<vmem>> -> memref<1x128x32xf32, #tpu.memory_space<vmem>>
        %dma_start3A_1534 = tpu.memref_squeeze %dma_start3A_1533 : memref<1x128x32xf32, #tpu.memory_space<vmem>> -> memref<128x32xf32, #tpu.memory_space<vmem>>
        %dma_start3A_1535 = tpu.memref_slice %arg5[%add3A_1530] : memref<7168xi32, #tpu.memory_space<vmem>> -> memref<128xi32, #tpu.memory_space<vmem>>
        %dma_start3A_1536 = arith.constant 0 : i32
        %dma_start3A_1537 = arith.constant 0 : i32
        %dma_start3A_1538 = tpu.memref_slice %arg3[%dma_start3A_1536, %dma_start3A_1537] : memref<1000000x32xf32, #tpu.memory_space<hbm>> -> memref<1000000x32xf32, #tpu.memory_space<hbm>>
        %dma_start3A_1539 = tpu.memref_slice %arg8[%rem3A_649] : memref<2x!tpu.dma_semaphore, #tpu.memory_space<semaphore_mem>> -> memref<1x!tpu.dma_semaphore, #tpu.memory_space<semaphore_mem>>
        %dma_start3A_1540 = tpu.memref_squeeze %dma_start3A_1539 : memref<1x!tpu.dma_semaphore, #tpu.memory_space<semaphore_mem>> -> memref<!tpu.dma_semaphore, #tpu.memory_space<semaphore_mem>>
        tpu.enqueue_indirect_dma source(%dma_start3A_1538 : memref<1000000x32xf32, #tpu.memory_space<hbm>>) target(%dma_start3A_1534 : memref<128x32xf32, #tpu.memory_space<vmem>>) offsets(%dma_start3A_1535 : memref<128xi32, #tpu.memory_space<vmem>>) semaphore(%dma_start3A_1540 : memref<!tpu.dma_semaphore, #tpu.memory_space<semaphore_mem>>) {add = true}
        %add3A_1541 = arith.constant 2560 : i32
        %add3A_1542 = arith.addi %mul3A_1226, %add3A_1541 : i32
        %add3A_1543 = arith.constant 384 : i32
        %add3A_1544 = arith.addi %add3A_1542, %add3A_1543 : i32
        %dma_start3A_1545 = arith.constant 384 : i32
        %dma_start3A_1546 = arith.constant 0 : i32
        %dma_start3A_1547 = tpu.memref_slice %arg6[%rem3A_649, %dma_start3A_1545, %dma_start3A_1546] : memref<2x512x32xf32, #tpu.memory_space<vmem>> -> memref<1x128x32xf32, #tpu.memory_space<vmem>>
        %dma_start3A_1548 = tpu.memref_squeeze %dma_start3A_1547 : memref<1x128x32xf32, #tpu.memory_space<vmem>> -> memref<128x32xf32, #tpu.memory_space<vmem>>
        %dma_start3A_1549 = tpu.memref_slice %arg5[%add3A_1544] : memref<7168xi32, #tpu.memory_space<vmem>> -> memref<128xi32, #tpu.memory_space<vmem>>
        %dma_start3A_1550 = arith.constant 0 : i32
        %dma_start3A_1551 = arith.constant 0 : i32
        %dma_start3A_1552 = tpu.memref_slice %arg3[%dma_start3A_1550, %dma_start3A_1551] : memref<1000000x32xf32, #tpu.memory_space<hbm>> -> memref<1000000x32xf32, #tpu.memory_space<hbm>>
        %dma_start3A_1553 = tpu.memref_slice %arg8[%rem3A_649] : memref<2x!tpu.dma_semaphore, #tpu.memory_space<semaphore_mem>> -> memref<1x!tpu.dma_semaphore, #tpu.memory_space<semaphore_mem>>
        %dma_start3A_1554 = tpu.memref_squeeze %dma_start3A_1553 : memref<1x!tpu.dma_semaphore, #tpu.memory_space<semaphore_mem>> -> memref<!tpu.dma_semaphore, #tpu.memory_space<semaphore_mem>>
        tpu.enqueue_indirect_dma source(%dma_start3A_1552 : memref<1000000x32xf32, #tpu.memory_space<hbm>>) target(%dma_start3A_1548 : memref<128x32xf32, #tpu.memory_space<vmem>>) offsets(%dma_start3A_1549 : memref<128xi32, #tpu.memory_space<vmem>>) semaphore(%dma_start3A_1554 : memref<!tpu.dma_semaphore, #tpu.memory_space<semaphore_mem>>) {add = true}
        %add3A_1555 = arith.constant 3072 : i32
        %add3A_1556 = arith.addi %mul3A_1226, %add3A_1555 : i32
        %add3A_1557 = arith.constant 0 : i32
        %add3A_1558 = arith.addi %add3A_1556, %add3A_1557 : i32
        %dma_start3A_1559 = arith.constant 0 : i32
        %dma_start3A_1560 = arith.constant 0 : i32
        %dma_start3A_1561 = tpu.memref_slice %arg6[%rem3A_649, %dma_start3A_1559, %dma_start3A_1560] : memref<2x512x32xf32, #tpu.memory_space<vmem>> -> memref<1x128x32xf32, #tpu.memory_space<vmem>>
        %dma_start3A_1562 = tpu.memref_squeeze %dma_start3A_1561 : memref<1x128x32xf32, #tpu.memory_space<vmem>> -> memref<128x32xf32, #tpu.memory_space<vmem>>
        %dma_start3A_1563 = tpu.memref_slice %arg5[%add3A_1558] : memref<7168xi32, #tpu.memory_space<vmem>> -> memref<128xi32, #tpu.memory_space<vmem>>
        %dma_start3A_1564 = arith.constant 0 : i32
        %dma_start3A_1565 = arith.constant 0 : i32
        %dma_start3A_1566 = tpu.memref_slice %arg3[%dma_start3A_1564, %dma_start3A_1565] : memref<1000000x32xf32, #tpu.memory_space<hbm>> -> memref<1000000x32xf32, #tpu.memory_space<hbm>>
        %dma_start3A_1567 = tpu.memref_slice %arg8[%rem3A_649] : memref<2x!tpu.dma_semaphore, #tpu.memory_space<semaphore_mem>> -> memref<1x!tpu.dma_semaphore, #tpu.memory_space<semaphore_mem>>
        %dma_start3A_1568 = tpu.memref_squeeze %dma_start3A_1567 : memref<1x!tpu.dma_semaphore, #tpu.memory_space<semaphore_mem>> -> memref<!tpu.dma_semaphore, #tpu.memory_space<semaphore_mem>>
        tpu.enqueue_indirect_dma source(%dma_start3A_1566 : memref<1000000x32xf32, #tpu.memory_space<hbm>>) target(%dma_start3A_1562 : memref<128x32xf32, #tpu.memory_space<vmem>>) offsets(%dma_start3A_1563 : memref<128xi32, #tpu.memory_space<vmem>>) semaphore(%dma_start3A_1568 : memref<!tpu.dma_semaphore, #tpu.memory_space<semaphore_mem>>) {add = true}
        %add3A_1569 = arith.constant 3072 : i32
        %add3A_1570 = arith.addi %mul3A_1226, %add3A_1569 : i32
        %add3A_1571 = arith.constant 128 : i32
        %add3A_1572 = arith.addi %add3A_1570, %add3A_1571 : i32
        %dma_start3A_1573 = arith.constant 128 : i32
        %dma_start3A_1574 = arith.constant 0 : i32
        %dma_start3A_1575 = tpu.memref_slice %arg6[%rem3A_649, %dma_start3A_1573, %dma_start3A_1574] : memref<2x512x32xf32, #tpu.memory_space<vmem>> -> memref<1x128x32xf32, #tpu.memory_space<vmem>>
        %dma_start3A_1576 = tpu.memref_squeeze %dma_start3A_1575 : memref<1x128x32xf32, #tpu.memory_space<vmem>> -> memref<128x32xf32, #tpu.memory_space<vmem>>
        %dma_start3A_1577 = tpu.memref_slice %arg5[%add3A_1572] : memref<7168xi32, #tpu.memory_space<vmem>> -> memref<128xi32, #tpu.memory_space<vmem>>
        %dma_start3A_1578 = arith.constant 0 : i32
        %dma_start3A_1579 = arith.constant 0 : i32
        %dma_start3A_1580 = tpu.memref_slice %arg3[%dma_start3A_1578, %dma_start3A_1579] : memref<1000000x32xf32, #tpu.memory_space<hbm>> -> memref<1000000x32xf32, #tpu.memory_space<hbm>>
        %dma_start3A_1581 = tpu.memref_slice %arg8[%rem3A_649] : memref<2x!tpu.dma_semaphore, #tpu.memory_space<semaphore_mem>> -> memref<1x!tpu.dma_semaphore, #tpu.memory_space<semaphore_mem>>
        %dma_start3A_1582 = tpu.memref_squeeze %dma_start3A_1581 : memref<1x!tpu.dma_semaphore, #tpu.memory_space<semaphore_mem>> -> memref<!tpu.dma_semaphore, #tpu.memory_space<semaphore_mem>>
        tpu.enqueue_indirect_dma source(%dma_start3A_1580 : memref<1000000x32xf32, #tpu.memory_space<hbm>>) target(%dma_start3A_1576 : memref<128x32xf32, #tpu.memory_space<vmem>>) offsets(%dma_start3A_1577 : memref<128xi32, #tpu.memory_space<vmem>>) semaphore(%dma_start3A_1582 : memref<!tpu.dma_semaphore, #tpu.memory_space<semaphore_mem>>) {add = true}
        %add3A_1583 = arith.constant 3072 : i32
        %add3A_1584 = arith.addi %mul3A_1226, %add3A_1583 : i32
        %add3A_1585 = arith.constant 256 : i32
        %add3A_1586 = arith.addi %add3A_1584, %add3A_1585 : i32
        %dma_start3A_1587 = arith.constant 256 : i32
        %dma_start3A_1588 = arith.constant 0 : i32
        %dma_start3A_1589 = tpu.memref_slice %arg6[%rem3A_649, %dma_start3A_1587, %dma_start3A_1588] : memref<2x512x32xf32, #tpu.memory_space<vmem>> -> memref<1x128x32xf32, #tpu.memory_space<vmem>>
        %dma_start3A_1590 = tpu.memref_squeeze %dma_start3A_1589 : memref<1x128x32xf32, #tpu.memory_space<vmem>> -> memref<128x32xf32, #tpu.memory_space<vmem>>
        %dma_start3A_1591 = tpu.memref_slice %arg5[%add3A_1586] : memref<7168xi32, #tpu.memory_space<vmem>> -> memref<128xi32, #tpu.memory_space<vmem>>
        %dma_start3A_1592 = arith.constant 0 : i32
        %dma_start3A_1593 = arith.constant 0 : i32
        %dma_start3A_1594 = tpu.memref_slice %arg3[%dma_start3A_1592, %dma_start3A_1593] : memref<1000000x32xf32, #tpu.memory_space<hbm>> -> memref<1000000x32xf32, #tpu.memory_space<hbm>>
        %dma_start3A_1595 = tpu.memref_slice %arg8[%rem3A_649] : memref<2x!tpu.dma_semaphore, #tpu.memory_space<semaphore_mem>> -> memref<1x!tpu.dma_semaphore, #tpu.memory_space<semaphore_mem>>
        %dma_start3A_1596 = tpu.memref_squeeze %dma_start3A_1595 : memref<1x!tpu.dma_semaphore, #tpu.memory_space<semaphore_mem>> -> memref<!tpu.dma_semaphore, #tpu.memory_space<semaphore_mem>>
        tpu.enqueue_indirect_dma source(%dma_start3A_1594 : memref<1000000x32xf32, #tpu.memory_space<hbm>>) target(%dma_start3A_1590 : memref<128x32xf32, #tpu.memory_space<vmem>>) offsets(%dma_start3A_1591 : memref<128xi32, #tpu.memory_space<vmem>>) semaphore(%dma_start3A_1596 : memref<!tpu.dma_semaphore, #tpu.memory_space<semaphore_mem>>) {add = true}
        %add3A_1597 = arith.constant 3072 : i32
        %add3A_1598 = arith.addi %mul3A_1226, %add3A_1597 : i32
        %add3A_1599 = arith.constant 384 : i32
        %add3A_1600 = arith.addi %add3A_1598, %add3A_1599 : i32
        %dma_start3A_1601 = arith.constant 384 : i32
        %dma_start3A_1602 = arith.constant 0 : i32
        %dma_start3A_1603 = tpu.memref_slice %arg6[%rem3A_649, %dma_start3A_1601, %dma_start3A_1602] : memref<2x512x32xf32, #tpu.memory_space<vmem>> -> memref<1x128x32xf32, #tpu.memory_space<vmem>>
        %dma_start3A_1604 = tpu.memref_squeeze %dma_start3A_1603 : memref<1x128x32xf32, #tpu.memory_space<vmem>> -> memref<128x32xf32, #tpu.memory_space<vmem>>
        %dma_start3A_1605 = tpu.memref_slice %arg5[%add3A_1600] : memref<7168xi32, #tpu.memory_space<vmem>> -> memref<128xi32, #tpu.memory_space<vmem>>
        %dma_start3A_1606 = arith.constant 0 : i32
        %dma_start3A_1607 = arith.constant 0 : i32
        %dma_start3A_1608 = tpu.memref_slice %arg3[%dma_start3A_1606, %dma_start3A_1607] : memref<1000000x32xf32, #tpu.memory_space<hbm>> -> memref<1000000x32xf32, #tpu.memory_space<hbm>>
        %dma_start3A_1609 = tpu.memref_slice %arg8[%rem3A_649] : memref<2x!tpu.dma_semaphore, #tpu.memory_space<semaphore_mem>> -> memref<1x!tpu.dma_semaphore, #tpu.memory_space<semaphore_mem>>
        %dma_start3A_1610 = tpu.memref_squeeze %dma_start3A_1609 : memref<1x!tpu.dma_semaphore, #tpu.memory_space<semaphore_mem>> -> memref<!tpu.dma_semaphore, #tpu.memory_space<semaphore_mem>>
        tpu.enqueue_indirect_dma source(%dma_start3A_1608 : memref<1000000x32xf32, #tpu.memory_space<hbm>>) target(%dma_start3A_1604 : memref<128x32xf32, #tpu.memory_space<vmem>>) offsets(%dma_start3A_1605 : memref<128xi32, #tpu.memory_space<vmem>>) semaphore(%dma_start3A_1610 : memref<!tpu.dma_semaphore, #tpu.memory_space<semaphore_mem>>) {add = true}
      } else {
      }
      %mul3A_654 = arith.constant 3584 : i32
      %mul3A_655 = arith.muli %rem3A_645, %mul3A_654 : i32
      %add3A_656 = arith.constant 512 : i32
      %add3A_657 = arith.addi %mul3A_655, %add3A_656 : i32
      %add3A_658 = arith.constant 0 : i32
      %add3A_659 = arith.addi %add3A_657, %add3A_658 : i32
      %dma_wait3A_660 = arith.constant 0 : i32
      %dma_wait3A_661 = arith.constant 0 : i32
      %dma_wait3A_662 = tpu.memref_slice %arg6[%rem3A_645, %dma_wait3A_660, %dma_wait3A_661] : memref<2x512x32xf32, #tpu.memory_space<vmem>> -> memref<1x128x32xf32, #tpu.memory_space<vmem>>
      %dma_wait3A_663 = tpu.memref_squeeze %dma_wait3A_662 : memref<1x128x32xf32, #tpu.memory_space<vmem>> -> memref<128x32xf32, #tpu.memory_space<vmem>>
      %dma_wait3A_664 = tpu.memref_slice %arg5[%add3A_659] : memref<7168xi32, #tpu.memory_space<vmem>> -> memref<128xi32, #tpu.memory_space<vmem>>
      %dma_wait3A_665 = arith.constant 0 : i32
      %dma_wait3A_666 = arith.constant 0 : i32
      %dma_wait3A_667 = tpu.memref_slice %arg3[%dma_wait3A_665, %dma_wait3A_666] : memref<1000000x32xf32, #tpu.memory_space<hbm>> -> memref<1000000x32xf32, #tpu.memory_space<hbm>>
      %dma_wait3A_668 = tpu.memref_slice %arg8[%rem3A_645] : memref<2x!tpu.dma_semaphore, #tpu.memory_space<semaphore_mem>> -> memref<1x!tpu.dma_semaphore, #tpu.memory_space<semaphore_mem>>
      %dma_wait3A_669 = tpu.memref_squeeze %dma_wait3A_668 : memref<1x!tpu.dma_semaphore, #tpu.memory_space<semaphore_mem>> -> memref<!tpu.dma_semaphore, #tpu.memory_space<semaphore_mem>>
      tpu.wait_indirect_dma semaphore(%dma_wait3A_669 : memref<!tpu.dma_semaphore, #tpu.memory_space<semaphore_mem>>) src(%dma_wait3A_667 : memref<1000000x32xf32, #tpu.memory_space<hbm>>) dst(%dma_wait3A_663 : memref<128x32xf32, #tpu.memory_space<vmem>>)
      %add3A_670 = arith.constant 512 : i32
      %add3A_671 = arith.addi %mul3A_655, %add3A_670 : i32
      %add3A_672 = arith.constant 128 : i32
      %add3A_673 = arith.addi %add3A_671, %add3A_672 : i32
      %dma_wait3A_674 = arith.constant 128 : i32
      %dma_wait3A_675 = arith.constant 0 : i32
      %dma_wait3A_676 = tpu.memref_slice %arg6[%rem3A_645, %dma_wait3A_674, %dma_wait3A_675] : memref<2x512x32xf32, #tpu.memory_space<vmem>> -> memref<1x128x32xf32, #tpu.memory_space<vmem>>
      %dma_wait3A_677 = tpu.memref_squeeze %dma_wait3A_676 : memref<1x128x32xf32, #tpu.memory_space<vmem>> -> memref<128x32xf32, #tpu.memory_space<vmem>>
      %dma_wait3A_678 = tpu.memref_slice %arg5[%add3A_673] : memref<7168xi32, #tpu.memory_space<vmem>> -> memref<128xi32, #tpu.memory_space<vmem>>
      %dma_wait3A_679 = arith.constant 0 : i32
      %dma_wait3A_680 = arith.constant 0 : i32
      %dma_wait3A_681 = tpu.memref_slice %arg3[%dma_wait3A_679, %dma_wait3A_680] : memref<1000000x32xf32, #tpu.memory_space<hbm>> -> memref<1000000x32xf32, #tpu.memory_space<hbm>>
      %dma_wait3A_682 = tpu.memref_slice %arg8[%rem3A_645] : memref<2x!tpu.dma_semaphore, #tpu.memory_space<semaphore_mem>> -> memref<1x!tpu.dma_semaphore, #tpu.memory_space<semaphore_mem>>
      %dma_wait3A_683 = tpu.memref_squeeze %dma_wait3A_682 : memref<1x!tpu.dma_semaphore, #tpu.memory_space<semaphore_mem>> -> memref<!tpu.dma_semaphore, #tpu.memory_space<semaphore_mem>>
      tpu.wait_indirect_dma semaphore(%dma_wait3A_683 : memref<!tpu.dma_semaphore, #tpu.memory_space<semaphore_mem>>) src(%dma_wait3A_681 : memref<1000000x32xf32, #tpu.memory_space<hbm>>) dst(%dma_wait3A_677 : memref<128x32xf32, #tpu.memory_space<vmem>>)
      %add3A_684 = arith.constant 512 : i32
      %add3A_685 = arith.addi %mul3A_655, %add3A_684 : i32
      %add3A_686 = arith.constant 256 : i32
      %add3A_687 = arith.addi %add3A_685, %add3A_686 : i32
      %dma_wait3A_688 = arith.constant 256 : i32
      %dma_wait3A_689 = arith.constant 0 : i32
      %dma_wait3A_690 = tpu.memref_slice %arg6[%rem3A_645, %dma_wait3A_688, %dma_wait3A_689] : memref<2x512x32xf32, #tpu.memory_space<vmem>> -> memref<1x128x32xf32, #tpu.memory_space<vmem>>
      %dma_wait3A_691 = tpu.memref_squeeze %dma_wait3A_690 : memref<1x128x32xf32, #tpu.memory_space<vmem>> -> memref<128x32xf32, #tpu.memory_space<vmem>>
      %dma_wait3A_692 = tpu.memref_slice %arg5[%add3A_687] : memref<7168xi32, #tpu.memory_space<vmem>> -> memref<128xi32, #tpu.memory_space<vmem>>
      %dma_wait3A_693 = arith.constant 0 : i32
      %dma_wait3A_694 = arith.constant 0 : i32
      %dma_wait3A_695 = tpu.memref_slice %arg3[%dma_wait3A_693, %dma_wait3A_694] : memref<1000000x32xf32, #tpu.memory_space<hbm>> -> memref<1000000x32xf32, #tpu.memory_space<hbm>>
      %dma_wait3A_696 = tpu.memref_slice %arg8[%rem3A_645] : memref<2x!tpu.dma_semaphore, #tpu.memory_space<semaphore_mem>> -> memref<1x!tpu.dma_semaphore, #tpu.memory_space<semaphore_mem>>
      %dma_wait3A_697 = tpu.memref_squeeze %dma_wait3A_696 : memref<1x!tpu.dma_semaphore, #tpu.memory_space<semaphore_mem>> -> memref<!tpu.dma_semaphore, #tpu.memory_space<semaphore_mem>>
      tpu.wait_indirect_dma semaphore(%dma_wait3A_697 : memref<!tpu.dma_semaphore, #tpu.memory_space<semaphore_mem>>) src(%dma_wait3A_695 : memref<1000000x32xf32, #tpu.memory_space<hbm>>) dst(%dma_wait3A_691 : memref<128x32xf32, #tpu.memory_space<vmem>>)
      %add3A_698 = arith.constant 512 : i32
      %add3A_699 = arith.addi %mul3A_655, %add3A_698 : i32
      %add3A_700 = arith.constant 384 : i32
      %add3A_701 = arith.addi %add3A_699, %add3A_700 : i32
      %dma_wait3A_702 = arith.constant 384 : i32
      %dma_wait3A_703 = arith.constant 0 : i32
      %dma_wait3A_704 = tpu.memref_slice %arg6[%rem3A_645, %dma_wait3A_702, %dma_wait3A_703] : memref<2x512x32xf32, #tpu.memory_space<vmem>> -> memref<1x128x32xf32, #tpu.memory_space<vmem>>
      %dma_wait3A_705 = tpu.memref_squeeze %dma_wait3A_704 : memref<1x128x32xf32, #tpu.memory_space<vmem>> -> memref<128x32xf32, #tpu.memory_space<vmem>>
      %dma_wait3A_706 = tpu.memref_slice %arg5[%add3A_701] : memref<7168xi32, #tpu.memory_space<vmem>> -> memref<128xi32, #tpu.memory_space<vmem>>
      %dma_wait3A_707 = arith.constant 0 : i32
      %dma_wait3A_708 = arith.constant 0 : i32
      %dma_wait3A_709 = tpu.memref_slice %arg3[%dma_wait3A_707, %dma_wait3A_708] : memref<1000000x32xf32, #tpu.memory_space<hbm>> -> memref<1000000x32xf32, #tpu.memory_space<hbm>>
      %dma_wait3A_710 = tpu.memref_slice %arg8[%rem3A_645] : memref<2x!tpu.dma_semaphore, #tpu.memory_space<semaphore_mem>> -> memref<1x!tpu.dma_semaphore, #tpu.memory_space<semaphore_mem>>
      %dma_wait3A_711 = tpu.memref_squeeze %dma_wait3A_710 : memref<1x!tpu.dma_semaphore, #tpu.memory_space<semaphore_mem>> -> memref<!tpu.dma_semaphore, #tpu.memory_space<semaphore_mem>>
      tpu.wait_indirect_dma semaphore(%dma_wait3A_711 : memref<!tpu.dma_semaphore, #tpu.memory_space<semaphore_mem>>) src(%dma_wait3A_709 : memref<1000000x32xf32, #tpu.memory_space<hbm>>) dst(%dma_wait3A_705 : memref<128x32xf32, #tpu.memory_space<vmem>>)
      %add3A_712 = arith.constant 1024 : i32
      %add3A_713 = arith.addi %mul3A_655, %add3A_712 : i32
      %add3A_714 = arith.constant 0 : i32
      %add3A_715 = arith.addi %add3A_713, %add3A_714 : i32
      %dma_wait3A_716 = arith.constant 0 : i32
      %dma_wait3A_717 = arith.constant 0 : i32
      %dma_wait3A_718 = tpu.memref_slice %arg6[%rem3A_645, %dma_wait3A_716, %dma_wait3A_717] : memref<2x512x32xf32, #tpu.memory_space<vmem>> -> memref<1x128x32xf32, #tpu.memory_space<vmem>>
      %dma_wait3A_719 = tpu.memref_squeeze %dma_wait3A_718 : memref<1x128x32xf32, #tpu.memory_space<vmem>> -> memref<128x32xf32, #tpu.memory_space<vmem>>
      %dma_wait3A_720 = tpu.memref_slice %arg5[%add3A_715] : memref<7168xi32, #tpu.memory_space<vmem>> -> memref<128xi32, #tpu.memory_space<vmem>>
      %dma_wait3A_721 = arith.constant 0 : i32
      %dma_wait3A_722 = arith.constant 0 : i32
      %dma_wait3A_723 = tpu.memref_slice %arg3[%dma_wait3A_721, %dma_wait3A_722] : memref<1000000x32xf32, #tpu.memory_space<hbm>> -> memref<1000000x32xf32, #tpu.memory_space<hbm>>
      %dma_wait3A_724 = tpu.memref_slice %arg8[%rem3A_645] : memref<2x!tpu.dma_semaphore, #tpu.memory_space<semaphore_mem>> -> memref<1x!tpu.dma_semaphore, #tpu.memory_space<semaphore_mem>>
      %dma_wait3A_725 = tpu.memref_squeeze %dma_wait3A_724 : memref<1x!tpu.dma_semaphore, #tpu.memory_space<semaphore_mem>> -> memref<!tpu.dma_semaphore, #tpu.memory_space<semaphore_mem>>
      tpu.wait_indirect_dma semaphore(%dma_wait3A_725 : memref<!tpu.dma_semaphore, #tpu.memory_space<semaphore_mem>>) src(%dma_wait3A_723 : memref<1000000x32xf32, #tpu.memory_space<hbm>>) dst(%dma_wait3A_719 : memref<128x32xf32, #tpu.memory_space<vmem>>)
      %add3A_726 = arith.constant 1024 : i32
      %add3A_727 = arith.addi %mul3A_655, %add3A_726 : i32
      %add3A_728 = arith.constant 128 : i32
      %add3A_729 = arith.addi %add3A_727, %add3A_728 : i32
      %dma_wait3A_730 = arith.constant 128 : i32
      %dma_wait3A_731 = arith.constant 0 : i32
      %dma_wait3A_732 = tpu.memref_slice %arg6[%rem3A_645, %dma_wait3A_730, %dma_wait3A_731] : memref<2x512x32xf32, #tpu.memory_space<vmem>> -> memref<1x128x32xf32, #tpu.memory_space<vmem>>
      %dma_wait3A_733 = tpu.memref_squeeze %dma_wait3A_732 : memref<1x128x32xf32, #tpu.memory_space<vmem>> -> memref<128x32xf32, #tpu.memory_space<vmem>>
      %dma_wait3A_734 = tpu.memref_slice %arg5[%add3A_729] : memref<7168xi32, #tpu.memory_space<vmem>> -> memref<128xi32, #tpu.memory_space<vmem>>
      %dma_wait3A_735 = arith.constant 0 : i32
      %dma_wait3A_736 = arith.constant 0 : i32
      %dma_wait3A_737 = tpu.memref_slice %arg3[%dma_wait3A_735, %dma_wait3A_736] : memref<1000000x32xf32, #tpu.memory_space<hbm>> -> memref<1000000x32xf32, #tpu.memory_space<hbm>>
      %dma_wait3A_738 = tpu.memref_slice %arg8[%rem3A_645] : memref<2x!tpu.dma_semaphore, #tpu.memory_space<semaphore_mem>> -> memref<1x!tpu.dma_semaphore, #tpu.memory_space<semaphore_mem>>
      %dma_wait3A_739 = tpu.memref_squeeze %dma_wait3A_738 : memref<1x!tpu.dma_semaphore, #tpu.memory_space<semaphore_mem>> -> memref<!tpu.dma_semaphore, #tpu.memory_space<semaphore_mem>>
      tpu.wait_indirect_dma semaphore(%dma_wait3A_739 : memref<!tpu.dma_semaphore, #tpu.memory_space<semaphore_mem>>) src(%dma_wait3A_737 : memref<1000000x32xf32, #tpu.memory_space<hbm>>) dst(%dma_wait3A_733 : memref<128x32xf32, #tpu.memory_space<vmem>>)
      %add3A_740 = arith.constant 1024 : i32
      %add3A_741 = arith.addi %mul3A_655, %add3A_740 : i32
      %add3A_742 = arith.constant 256 : i32
      %add3A_743 = arith.addi %add3A_741, %add3A_742 : i32
      %dma_wait3A_744 = arith.constant 256 : i32
      %dma_wait3A_745 = arith.constant 0 : i32
      %dma_wait3A_746 = tpu.memref_slice %arg6[%rem3A_645, %dma_wait3A_744, %dma_wait3A_745] : memref<2x512x32xf32, #tpu.memory_space<vmem>> -> memref<1x128x32xf32, #tpu.memory_space<vmem>>
      %dma_wait3A_747 = tpu.memref_squeeze %dma_wait3A_746 : memref<1x128x32xf32, #tpu.memory_space<vmem>> -> memref<128x32xf32, #tpu.memory_space<vmem>>
      %dma_wait3A_748 = tpu.memref_slice %arg5[%add3A_743] : memref<7168xi32, #tpu.memory_space<vmem>> -> memref<128xi32, #tpu.memory_space<vmem>>
      %dma_wait3A_749 = arith.constant 0 : i32
      %dma_wait3A_750 = arith.constant 0 : i32
      %dma_wait3A_751 = tpu.memref_slice %arg3[%dma_wait3A_749, %dma_wait3A_750] : memref<1000000x32xf32, #tpu.memory_space<hbm>> -> memref<1000000x32xf32, #tpu.memory_space<hbm>>
      %dma_wait3A_752 = tpu.memref_slice %arg8[%rem3A_645] : memref<2x!tpu.dma_semaphore, #tpu.memory_space<semaphore_mem>> -> memref<1x!tpu.dma_semaphore, #tpu.memory_space<semaphore_mem>>
      %dma_wait3A_753 = tpu.memref_squeeze %dma_wait3A_752 : memref<1x!tpu.dma_semaphore, #tpu.memory_space<semaphore_mem>> -> memref<!tpu.dma_semaphore, #tpu.memory_space<semaphore_mem>>
      tpu.wait_indirect_dma semaphore(%dma_wait3A_753 : memref<!tpu.dma_semaphore, #tpu.memory_space<semaphore_mem>>) src(%dma_wait3A_751 : memref<1000000x32xf32, #tpu.memory_space<hbm>>) dst(%dma_wait3A_747 : memref<128x32xf32, #tpu.memory_space<vmem>>)
      %add3A_754 = arith.constant 1024 : i32
      %add3A_755 = arith.addi %mul3A_655, %add3A_754 : i32
      %add3A_756 = arith.constant 384 : i32
      %add3A_757 = arith.addi %add3A_755, %add3A_756 : i32
      %dma_wait3A_758 = arith.constant 384 : i32
      %dma_wait3A_759 = arith.constant 0 : i32
      %dma_wait3A_760 = tpu.memref_slice %arg6[%rem3A_645, %dma_wait3A_758, %dma_wait3A_759] : memref<2x512x32xf32, #tpu.memory_space<vmem>> -> memref<1x128x32xf32, #tpu.memory_space<vmem>>
      %dma_wait3A_761 = tpu.memref_squeeze %dma_wait3A_760 : memref<1x128x32xf32, #tpu.memory_space<vmem>> -> memref<128x32xf32, #tpu.memory_space<vmem>>
      %dma_wait3A_762 = tpu.memref_slice %arg5[%add3A_757] : memref<7168xi32, #tpu.memory_space<vmem>> -> memref<128xi32, #tpu.memory_space<vmem>>
      %dma_wait3A_763 = arith.constant 0 : i32
      %dma_wait3A_764 = arith.constant 0 : i32
      %dma_wait3A_765 = tpu.memref_slice %arg3[%dma_wait3A_763, %dma_wait3A_764] : memref<1000000x32xf32, #tpu.memory_space<hbm>> -> memref<1000000x32xf32, #tpu.memory_space<hbm>>
      %dma_wait3A_766 = tpu.memref_slice %arg8[%rem3A_645] : memref<2x!tpu.dma_semaphore, #tpu.memory_space<semaphore_mem>> -> memref<1x!tpu.dma_semaphore, #tpu.memory_space<semaphore_mem>>
      %dma_wait3A_767 = tpu.memref_squeeze %dma_wait3A_766 : memref<1x!tpu.dma_semaphore, #tpu.memory_space<semaphore_mem>> -> memref<!tpu.dma_semaphore, #tpu.memory_space<semaphore_mem>>
      tpu.wait_indirect_dma semaphore(%dma_wait3A_767 : memref<!tpu.dma_semaphore, #tpu.memory_space<semaphore_mem>>) src(%dma_wait3A_765 : memref<1000000x32xf32, #tpu.memory_space<hbm>>) dst(%dma_wait3A_761 : memref<128x32xf32, #tpu.memory_space<vmem>>)
      %add3A_768 = arith.constant 1536 : i32
      %add3A_769 = arith.addi %mul3A_655, %add3A_768 : i32
      %add3A_770 = arith.constant 0 : i32
      %add3A_771 = arith.addi %add3A_769, %add3A_770 : i32
      %dma_wait3A_772 = arith.constant 0 : i32
      %dma_wait3A_773 = arith.constant 0 : i32
      %dma_wait3A_774 = tpu.memref_slice %arg6[%rem3A_645, %dma_wait3A_772, %dma_wait3A_773] : memref<2x512x32xf32, #tpu.memory_space<vmem>> -> memref<1x128x32xf32, #tpu.memory_space<vmem>>
      %dma_wait3A_775 = tpu.memref_squeeze %dma_wait3A_774 : memref<1x128x32xf32, #tpu.memory_space<vmem>> -> memref<128x32xf32, #tpu.memory_space<vmem>>
      %dma_wait3A_776 = tpu.memref_slice %arg5[%add3A_771] : memref<7168xi32, #tpu.memory_space<vmem>> -> memref<128xi32, #tpu.memory_space<vmem>>
      %dma_wait3A_777 = arith.constant 0 : i32
      %dma_wait3A_778 = arith.constant 0 : i32
      %dma_wait3A_779 = tpu.memref_slice %arg3[%dma_wait3A_777, %dma_wait3A_778] : memref<1000000x32xf32, #tpu.memory_space<hbm>> -> memref<1000000x32xf32, #tpu.memory_space<hbm>>
      %dma_wait3A_780 = tpu.memref_slice %arg8[%rem3A_645] : memref<2x!tpu.dma_semaphore, #tpu.memory_space<semaphore_mem>> -> memref<1x!tpu.dma_semaphore, #tpu.memory_space<semaphore_mem>>
      %dma_wait3A_781 = tpu.memref_squeeze %dma_wait3A_780 : memref<1x!tpu.dma_semaphore, #tpu.memory_space<semaphore_mem>> -> memref<!tpu.dma_semaphore, #tpu.memory_space<semaphore_mem>>
      tpu.wait_indirect_dma semaphore(%dma_wait3A_781 : memref<!tpu.dma_semaphore, #tpu.memory_space<semaphore_mem>>) src(%dma_wait3A_779 : memref<1000000x32xf32, #tpu.memory_space<hbm>>) dst(%dma_wait3A_775 : memref<128x32xf32, #tpu.memory_space<vmem>>)
      %add3A_782 = arith.constant 1536 : i32
      %add3A_783 = arith.addi %mul3A_655, %add3A_782 : i32
      %add3A_784 = arith.constant 128 : i32
      %add3A_785 = arith.addi %add3A_783, %add3A_784 : i32
      %dma_wait3A_786 = arith.constant 128 : i32
      %dma_wait3A_787 = arith.constant 0 : i32
      %dma_wait3A_788 = tpu.memref_slice %arg6[%rem3A_645, %dma_wait3A_786, %dma_wait3A_787] : memref<2x512x32xf32, #tpu.memory_space<vmem>> -> memref<1x128x32xf32, #tpu.memory_space<vmem>>
      %dma_wait3A_789 = tpu.memref_squeeze %dma_wait3A_788 : memref<1x128x32xf32, #tpu.memory_space<vmem>> -> memref<128x32xf32, #tpu.memory_space<vmem>>
      %dma_wait3A_790 = tpu.memref_slice %arg5[%add3A_785] : memref<7168xi32, #tpu.memory_space<vmem>> -> memref<128xi32, #tpu.memory_space<vmem>>
      %dma_wait3A_791 = arith.constant 0 : i32
      %dma_wait3A_792 = arith.constant 0 : i32
      %dma_wait3A_793 = tpu.memref_slice %arg3[%dma_wait3A_791, %dma_wait3A_792] : memref<1000000x32xf32, #tpu.memory_space<hbm>> -> memref<1000000x32xf32, #tpu.memory_space<hbm>>
      %dma_wait3A_794 = tpu.memref_slice %arg8[%rem3A_645] : memref<2x!tpu.dma_semaphore, #tpu.memory_space<semaphore_mem>> -> memref<1x!tpu.dma_semaphore, #tpu.memory_space<semaphore_mem>>
      %dma_wait3A_795 = tpu.memref_squeeze %dma_wait3A_794 : memref<1x!tpu.dma_semaphore, #tpu.memory_space<semaphore_mem>> -> memref<!tpu.dma_semaphore, #tpu.memory_space<semaphore_mem>>
      tpu.wait_indirect_dma semaphore(%dma_wait3A_795 : memref<!tpu.dma_semaphore, #tpu.memory_space<semaphore_mem>>) src(%dma_wait3A_793 : memref<1000000x32xf32, #tpu.memory_space<hbm>>) dst(%dma_wait3A_789 : memref<128x32xf32, #tpu.memory_space<vmem>>)
      %add3A_796 = arith.constant 1536 : i32
      %add3A_797 = arith.addi %mul3A_655, %add3A_796 : i32
      %add3A_798 = arith.constant 256 : i32
      %add3A_799 = arith.addi %add3A_797, %add3A_798 : i32
      %dma_wait3A_800 = arith.constant 256 : i32
      %dma_wait3A_801 = arith.constant 0 : i32
      %dma_wait3A_802 = tpu.memref_slice %arg6[%rem3A_645, %dma_wait3A_800, %dma_wait3A_801] : memref<2x512x32xf32, #tpu.memory_space<vmem>> -> memref<1x128x32xf32, #tpu.memory_space<vmem>>
      %dma_wait3A_803 = tpu.memref_squeeze %dma_wait3A_802 : memref<1x128x32xf32, #tpu.memory_space<vmem>> -> memref<128x32xf32, #tpu.memory_space<vmem>>
      %dma_wait3A_804 = tpu.memref_slice %arg5[%add3A_799] : memref<7168xi32, #tpu.memory_space<vmem>> -> memref<128xi32, #tpu.memory_space<vmem>>
      %dma_wait3A_805 = arith.constant 0 : i32
      %dma_wait3A_806 = arith.constant 0 : i32
      %dma_wait3A_807 = tpu.memref_slice %arg3[%dma_wait3A_805, %dma_wait3A_806] : memref<1000000x32xf32, #tpu.memory_space<hbm>> -> memref<1000000x32xf32, #tpu.memory_space<hbm>>
      %dma_wait3A_808 = tpu.memref_slice %arg8[%rem3A_645] : memref<2x!tpu.dma_semaphore, #tpu.memory_space<semaphore_mem>> -> memref<1x!tpu.dma_semaphore, #tpu.memory_space<semaphore_mem>>
      %dma_wait3A_809 = tpu.memref_squeeze %dma_wait3A_808 : memref<1x!tpu.dma_semaphore, #tpu.memory_space<semaphore_mem>> -> memref<!tpu.dma_semaphore, #tpu.memory_space<semaphore_mem>>
      tpu.wait_indirect_dma semaphore(%dma_wait3A_809 : memref<!tpu.dma_semaphore, #tpu.memory_space<semaphore_mem>>) src(%dma_wait3A_807 : memref<1000000x32xf32, #tpu.memory_space<hbm>>) dst(%dma_wait3A_803 : memref<128x32xf32, #tpu.memory_space<vmem>>)
      %add3A_810 = arith.constant 1536 : i32
      %add3A_811 = arith.addi %mul3A_655, %add3A_810 : i32
      %add3A_812 = arith.constant 384 : i32
      %add3A_813 = arith.addi %add3A_811, %add3A_812 : i32
      %dma_wait3A_814 = arith.constant 384 : i32
      %dma_wait3A_815 = arith.constant 0 : i32
      %dma_wait3A_816 = tpu.memref_slice %arg6[%rem3A_645, %dma_wait3A_814, %dma_wait3A_815] : memref<2x512x32xf32, #tpu.memory_space<vmem>> -> memref<1x128x32xf32, #tpu.memory_space<vmem>>
      %dma_wait3A_817 = tpu.memref_squeeze %dma_wait3A_816 : memref<1x128x32xf32, #tpu.memory_space<vmem>> -> memref<128x32xf32, #tpu.memory_space<vmem>>
      %dma_wait3A_818 = tpu.memref_slice %arg5[%add3A_813] : memref<7168xi32, #tpu.memory_space<vmem>> -> memref<128xi32, #tpu.memory_space<vmem>>
      %dma_wait3A_819 = arith.constant 0 : i32
      %dma_wait3A_820 = arith.constant 0 : i32
      %dma_wait3A_821 = tpu.memref_slice %arg3[%dma_wait3A_819, %dma_wait3A_820] : memref<1000000x32xf32, #tpu.memory_space<hbm>> -> memref<1000000x32xf32, #tpu.memory_space<hbm>>
      %dma_wait3A_822 = tpu.memref_slice %arg8[%rem3A_645] : memref<2x!tpu.dma_semaphore, #tpu.memory_space<semaphore_mem>> -> memref<1x!tpu.dma_semaphore, #tpu.memory_space<semaphore_mem>>
      %dma_wait3A_823 = tpu.memref_squeeze %dma_wait3A_822 : memref<1x!tpu.dma_semaphore, #tpu.memory_space<semaphore_mem>> -> memref<!tpu.dma_semaphore, #tpu.memory_space<semaphore_mem>>
      tpu.wait_indirect_dma semaphore(%dma_wait3A_823 : memref<!tpu.dma_semaphore, #tpu.memory_space<semaphore_mem>>) src(%dma_wait3A_821 : memref<1000000x32xf32, #tpu.memory_space<hbm>>) dst(%dma_wait3A_817 : memref<128x32xf32, #tpu.memory_space<vmem>>)
      %add3A_824 = arith.constant 2048 : i32
      %add3A_825 = arith.addi %mul3A_655, %add3A_824 : i32
      %add3A_826 = arith.constant 0 : i32
      %add3A_827 = arith.addi %add3A_825, %add3A_826 : i32
      %dma_wait3A_828 = arith.constant 0 : i32
      %dma_wait3A_829 = arith.constant 0 : i32
      %dma_wait3A_830 = tpu.memref_slice %arg6[%rem3A_645, %dma_wait3A_828, %dma_wait3A_829] : memref<2x512x32xf32, #tpu.memory_space<vmem>> -> memref<1x128x32xf32, #tpu.memory_space<vmem>>
      %dma_wait3A_831 = tpu.memref_squeeze %dma_wait3A_830 : memref<1x128x32xf32, #tpu.memory_space<vmem>> -> memref<128x32xf32, #tpu.memory_space<vmem>>
      %dma_wait3A_832 = tpu.memref_slice %arg5[%add3A_827] : memref<7168xi32, #tpu.memory_space<vmem>> -> memref<128xi32, #tpu.memory_space<vmem>>
      %dma_wait3A_833 = arith.constant 0 : i32
      %dma_wait3A_834 = arith.constant 0 : i32
      %dma_wait3A_835 = tpu.memref_slice %arg3[%dma_wait3A_833, %dma_wait3A_834] : memref<1000000x32xf32, #tpu.memory_space<hbm>> -> memref<1000000x32xf32, #tpu.memory_space<hbm>>
      %dma_wait3A_836 = tpu.memref_slice %arg8[%rem3A_645] : memref<2x!tpu.dma_semaphore, #tpu.memory_space<semaphore_mem>> -> memref<1x!tpu.dma_semaphore, #tpu.memory_space<semaphore_mem>>
      %dma_wait3A_837 = tpu.memref_squeeze %dma_wait3A_836 : memref<1x!tpu.dma_semaphore, #tpu.memory_space<semaphore_mem>> -> memref<!tpu.dma_semaphore, #tpu.memory_space<semaphore_mem>>
      tpu.wait_indirect_dma semaphore(%dma_wait3A_837 : memref<!tpu.dma_semaphore, #tpu.memory_space<semaphore_mem>>) src(%dma_wait3A_835 : memref<1000000x32xf32, #tpu.memory_space<hbm>>) dst(%dma_wait3A_831 : memref<128x32xf32, #tpu.memory_space<vmem>>)
      %add3A_838 = arith.constant 2048 : i32
      %add3A_839 = arith.addi %mul3A_655, %add3A_838 : i32
      %add3A_840 = arith.constant 128 : i32
      %add3A_841 = arith.addi %add3A_839, %add3A_840 : i32
      %dma_wait3A_842 = arith.constant 128 : i32
      %dma_wait3A_843 = arith.constant 0 : i32
      %dma_wait3A_844 = tpu.memref_slice %arg6[%rem3A_645, %dma_wait3A_842, %dma_wait3A_843] : memref<2x512x32xf32, #tpu.memory_space<vmem>> -> memref<1x128x32xf32, #tpu.memory_space<vmem>>
      %dma_wait3A_845 = tpu.memref_squeeze %dma_wait3A_844 : memref<1x128x32xf32, #tpu.memory_space<vmem>> -> memref<128x32xf32, #tpu.memory_space<vmem>>
      %dma_wait3A_846 = tpu.memref_slice %arg5[%add3A_841] : memref<7168xi32, #tpu.memory_space<vmem>> -> memref<128xi32, #tpu.memory_space<vmem>>
      %dma_wait3A_847 = arith.constant 0 : i32
      %dma_wait3A_848 = arith.constant 0 : i32
      %dma_wait3A_849 = tpu.memref_slice %arg3[%dma_wait3A_847, %dma_wait3A_848] : memref<1000000x32xf32, #tpu.memory_space<hbm>> -> memref<1000000x32xf32, #tpu.memory_space<hbm>>
      %dma_wait3A_850 = tpu.memref_slice %arg8[%rem3A_645] : memref<2x!tpu.dma_semaphore, #tpu.memory_space<semaphore_mem>> -> memref<1x!tpu.dma_semaphore, #tpu.memory_space<semaphore_mem>>
      %dma_wait3A_851 = tpu.memref_squeeze %dma_wait3A_850 : memref<1x!tpu.dma_semaphore, #tpu.memory_space<semaphore_mem>> -> memref<!tpu.dma_semaphore, #tpu.memory_space<semaphore_mem>>
      tpu.wait_indirect_dma semaphore(%dma_wait3A_851 : memref<!tpu.dma_semaphore, #tpu.memory_space<semaphore_mem>>) src(%dma_wait3A_849 : memref<1000000x32xf32, #tpu.memory_space<hbm>>) dst(%dma_wait3A_845 : memref<128x32xf32, #tpu.memory_space<vmem>>)
      %add3A_852 = arith.constant 2048 : i32
      %add3A_853 = arith.addi %mul3A_655, %add3A_852 : i32
      %add3A_854 = arith.constant 256 : i32
      %add3A_855 = arith.addi %add3A_853, %add3A_854 : i32
      %dma_wait3A_856 = arith.constant 256 : i32
      %dma_wait3A_857 = arith.constant 0 : i32
      %dma_wait3A_858 = tpu.memref_slice %arg6[%rem3A_645, %dma_wait3A_856, %dma_wait3A_857] : memref<2x512x32xf32, #tpu.memory_space<vmem>> -> memref<1x128x32xf32, #tpu.memory_space<vmem>>
      %dma_wait3A_859 = tpu.memref_squeeze %dma_wait3A_858 : memref<1x128x32xf32, #tpu.memory_space<vmem>> -> memref<128x32xf32, #tpu.memory_space<vmem>>
      %dma_wait3A_860 = tpu.memref_slice %arg5[%add3A_855] : memref<7168xi32, #tpu.memory_space<vmem>> -> memref<128xi32, #tpu.memory_space<vmem>>
      %dma_wait3A_861 = arith.constant 0 : i32
      %dma_wait3A_862 = arith.constant 0 : i32
      %dma_wait3A_863 = tpu.memref_slice %arg3[%dma_wait3A_861, %dma_wait3A_862] : memref<1000000x32xf32, #tpu.memory_space<hbm>> -> memref<1000000x32xf32, #tpu.memory_space<hbm>>
      %dma_wait3A_864 = tpu.memref_slice %arg8[%rem3A_645] : memref<2x!tpu.dma_semaphore, #tpu.memory_space<semaphore_mem>> -> memref<1x!tpu.dma_semaphore, #tpu.memory_space<semaphore_mem>>
      %dma_wait3A_865 = tpu.memref_squeeze %dma_wait3A_864 : memref<1x!tpu.dma_semaphore, #tpu.memory_space<semaphore_mem>> -> memref<!tpu.dma_semaphore, #tpu.memory_space<semaphore_mem>>
      tpu.wait_indirect_dma semaphore(%dma_wait3A_865 : memref<!tpu.dma_semaphore, #tpu.memory_space<semaphore_mem>>) src(%dma_wait3A_863 : memref<1000000x32xf32, #tpu.memory_space<hbm>>) dst(%dma_wait3A_859 : memref<128x32xf32, #tpu.memory_space<vmem>>)
      %add3A_866 = arith.constant 2048 : i32
      %add3A_867 = arith.addi %mul3A_655, %add3A_866 : i32
      %add3A_868 = arith.constant 384 : i32
      %add3A_869 = arith.addi %add3A_867, %add3A_868 : i32
      %dma_wait3A_870 = arith.constant 384 : i32
      %dma_wait3A_871 = arith.constant 0 : i32
      %dma_wait3A_872 = tpu.memref_slice %arg6[%rem3A_645, %dma_wait3A_870, %dma_wait3A_871] : memref<2x512x32xf32, #tpu.memory_space<vmem>> -> memref<1x128x32xf32, #tpu.memory_space<vmem>>
      %dma_wait3A_873 = tpu.memref_squeeze %dma_wait3A_872 : memref<1x128x32xf32, #tpu.memory_space<vmem>> -> memref<128x32xf32, #tpu.memory_space<vmem>>
      %dma_wait3A_874 = tpu.memref_slice %arg5[%add3A_869] : memref<7168xi32, #tpu.memory_space<vmem>> -> memref<128xi32, #tpu.memory_space<vmem>>
      %dma_wait3A_875 = arith.constant 0 : i32
      %dma_wait3A_876 = arith.constant 0 : i32
      %dma_wait3A_877 = tpu.memref_slice %arg3[%dma_wait3A_875, %dma_wait3A_876] : memref<1000000x32xf32, #tpu.memory_space<hbm>> -> memref<1000000x32xf32, #tpu.memory_space<hbm>>
      %dma_wait3A_878 = tpu.memref_slice %arg8[%rem3A_645] : memref<2x!tpu.dma_semaphore, #tpu.memory_space<semaphore_mem>> -> memref<1x!tpu.dma_semaphore, #tpu.memory_space<semaphore_mem>>
      %dma_wait3A_879 = tpu.memref_squeeze %dma_wait3A_878 : memref<1x!tpu.dma_semaphore, #tpu.memory_space<semaphore_mem>> -> memref<!tpu.dma_semaphore, #tpu.memory_space<semaphore_mem>>
      tpu.wait_indirect_dma semaphore(%dma_wait3A_879 : memref<!tpu.dma_semaphore, #tpu.memory_space<semaphore_mem>>) src(%dma_wait3A_877 : memref<1000000x32xf32, #tpu.memory_space<hbm>>) dst(%dma_wait3A_873 : memref<128x32xf32, #tpu.memory_space<vmem>>)
      %add3A_880 = arith.constant 2560 : i32
      %add3A_881 = arith.addi %mul3A_655, %add3A_880 : i32
      %add3A_882 = arith.constant 0 : i32
      %add3A_883 = arith.addi %add3A_881, %add3A_882 : i32
      %dma_wait3A_884 = arith.constant 0 : i32
      %dma_wait3A_885 = arith.constant 0 : i32
      %dma_wait3A_886 = tpu.memref_slice %arg6[%rem3A_645, %dma_wait3A_884, %dma_wait3A_885] : memref<2x512x32xf32, #tpu.memory_space<vmem>> -> memref<1x128x32xf32, #tpu.memory_space<vmem>>
      %dma_wait3A_887 = tpu.memref_squeeze %dma_wait3A_886 : memref<1x128x32xf32, #tpu.memory_space<vmem>> -> memref<128x32xf32, #tpu.memory_space<vmem>>
      %dma_wait3A_888 = tpu.memref_slice %arg5[%add3A_883] : memref<7168xi32, #tpu.memory_space<vmem>> -> memref<128xi32, #tpu.memory_space<vmem>>
      %dma_wait3A_889 = arith.constant 0 : i32
      %dma_wait3A_890 = arith.constant 0 : i32
      %dma_wait3A_891 = tpu.memref_slice %arg3[%dma_wait3A_889, %dma_wait3A_890] : memref<1000000x32xf32, #tpu.memory_space<hbm>> -> memref<1000000x32xf32, #tpu.memory_space<hbm>>
      %dma_wait3A_892 = tpu.memref_slice %arg8[%rem3A_645] : memref<2x!tpu.dma_semaphore, #tpu.memory_space<semaphore_mem>> -> memref<1x!tpu.dma_semaphore, #tpu.memory_space<semaphore_mem>>
      %dma_wait3A_893 = tpu.memref_squeeze %dma_wait3A_892 : memref<1x!tpu.dma_semaphore, #tpu.memory_space<semaphore_mem>> -> memref<!tpu.dma_semaphore, #tpu.memory_space<semaphore_mem>>
      tpu.wait_indirect_dma semaphore(%dma_wait3A_893 : memref<!tpu.dma_semaphore, #tpu.memory_space<semaphore_mem>>) src(%dma_wait3A_891 : memref<1000000x32xf32, #tpu.memory_space<hbm>>) dst(%dma_wait3A_887 : memref<128x32xf32, #tpu.memory_space<vmem>>)
      %add3A_894 = arith.constant 2560 : i32
      %add3A_895 = arith.addi %mul3A_655, %add3A_894 : i32
      %add3A_896 = arith.constant 128 : i32
      %add3A_897 = arith.addi %add3A_895, %add3A_896 : i32
      %dma_wait3A_898 = arith.constant 128 : i32
      %dma_wait3A_899 = arith.constant 0 : i32
      %dma_wait3A_900 = tpu.memref_slice %arg6[%rem3A_645, %dma_wait3A_898, %dma_wait3A_899] : memref<2x512x32xf32, #tpu.memory_space<vmem>> -> memref<1x128x32xf32, #tpu.memory_space<vmem>>
      %dma_wait3A_901 = tpu.memref_squeeze %dma_wait3A_900 : memref<1x128x32xf32, #tpu.memory_space<vmem>> -> memref<128x32xf32, #tpu.memory_space<vmem>>
      %dma_wait3A_902 = tpu.memref_slice %arg5[%add3A_897] : memref<7168xi32, #tpu.memory_space<vmem>> -> memref<128xi32, #tpu.memory_space<vmem>>
      %dma_wait3A_903 = arith.constant 0 : i32
      %dma_wait3A_904 = arith.constant 0 : i32
      %dma_wait3A_905 = tpu.memref_slice %arg3[%dma_wait3A_903, %dma_wait3A_904] : memref<1000000x32xf32, #tpu.memory_space<hbm>> -> memref<1000000x32xf32, #tpu.memory_space<hbm>>
      %dma_wait3A_906 = tpu.memref_slice %arg8[%rem3A_645] : memref<2x!tpu.dma_semaphore, #tpu.memory_space<semaphore_mem>> -> memref<1x!tpu.dma_semaphore, #tpu.memory_space<semaphore_mem>>
      %dma_wait3A_907 = tpu.memref_squeeze %dma_wait3A_906 : memref<1x!tpu.dma_semaphore, #tpu.memory_space<semaphore_mem>> -> memref<!tpu.dma_semaphore, #tpu.memory_space<semaphore_mem>>
      tpu.wait_indirect_dma semaphore(%dma_wait3A_907 : memref<!tpu.dma_semaphore, #tpu.memory_space<semaphore_mem>>) src(%dma_wait3A_905 : memref<1000000x32xf32, #tpu.memory_space<hbm>>) dst(%dma_wait3A_901 : memref<128x32xf32, #tpu.memory_space<vmem>>)
      %add3A_908 = arith.constant 2560 : i32
      %add3A_909 = arith.addi %mul3A_655, %add3A_908 : i32
      %add3A_910 = arith.constant 256 : i32
      %add3A_911 = arith.addi %add3A_909, %add3A_910 : i32
      %dma_wait3A_912 = arith.constant 256 : i32
      %dma_wait3A_913 = arith.constant 0 : i32
      %dma_wait3A_914 = tpu.memref_slice %arg6[%rem3A_645, %dma_wait3A_912, %dma_wait3A_913] : memref<2x512x32xf32, #tpu.memory_space<vmem>> -> memref<1x128x32xf32, #tpu.memory_space<vmem>>
      %dma_wait3A_915 = tpu.memref_squeeze %dma_wait3A_914 : memref<1x128x32xf32, #tpu.memory_space<vmem>> -> memref<128x32xf32, #tpu.memory_space<vmem>>
      %dma_wait3A_916 = tpu.memref_slice %arg5[%add3A_911] : memref<7168xi32, #tpu.memory_space<vmem>> -> memref<128xi32, #tpu.memory_space<vmem>>
      %dma_wait3A_917 = arith.constant 0 : i32
      %dma_wait3A_918 = arith.constant 0 : i32
      %dma_wait3A_919 = tpu.memref_slice %arg3[%dma_wait3A_917, %dma_wait3A_918] : memref<1000000x32xf32, #tpu.memory_space<hbm>> -> memref<1000000x32xf32, #tpu.memory_space<hbm>>
      %dma_wait3A_920 = tpu.memref_slice %arg8[%rem3A_645] : memref<2x!tpu.dma_semaphore, #tpu.memory_space<semaphore_mem>> -> memref<1x!tpu.dma_semaphore, #tpu.memory_space<semaphore_mem>>
      %dma_wait3A_921 = tpu.memref_squeeze %dma_wait3A_920 : memref<1x!tpu.dma_semaphore, #tpu.memory_space<semaphore_mem>> -> memref<!tpu.dma_semaphore, #tpu.memory_space<semaphore_mem>>
      tpu.wait_indirect_dma semaphore(%dma_wait3A_921 : memref<!tpu.dma_semaphore, #tpu.memory_space<semaphore_mem>>) src(%dma_wait3A_919 : memref<1000000x32xf32, #tpu.memory_space<hbm>>) dst(%dma_wait3A_915 : memref<128x32xf32, #tpu.memory_space<vmem>>)
      %add3A_922 = arith.constant 2560 : i32
      %add3A_923 = arith.addi %mul3A_655, %add3A_922 : i32
      %add3A_924 = arith.constant 384 : i32
      %add3A_925 = arith.addi %add3A_923, %add3A_924 : i32
      %dma_wait3A_926 = arith.constant 384 : i32
      %dma_wait3A_927 = arith.constant 0 : i32
      %dma_wait3A_928 = tpu.memref_slice %arg6[%rem3A_645, %dma_wait3A_926, %dma_wait3A_927] : memref<2x512x32xf32, #tpu.memory_space<vmem>> -> memref<1x128x32xf32, #tpu.memory_space<vmem>>
      %dma_wait3A_929 = tpu.memref_squeeze %dma_wait3A_928 : memref<1x128x32xf32, #tpu.memory_space<vmem>> -> memref<128x32xf32, #tpu.memory_space<vmem>>
      %dma_wait3A_930 = tpu.memref_slice %arg5[%add3A_925] : memref<7168xi32, #tpu.memory_space<vmem>> -> memref<128xi32, #tpu.memory_space<vmem>>
      %dma_wait3A_931 = arith.constant 0 : i32
      %dma_wait3A_932 = arith.constant 0 : i32
      %dma_wait3A_933 = tpu.memref_slice %arg3[%dma_wait3A_931, %dma_wait3A_932] : memref<1000000x32xf32, #tpu.memory_space<hbm>> -> memref<1000000x32xf32, #tpu.memory_space<hbm>>
      %dma_wait3A_934 = tpu.memref_slice %arg8[%rem3A_645] : memref<2x!tpu.dma_semaphore, #tpu.memory_space<semaphore_mem>> -> memref<1x!tpu.dma_semaphore, #tpu.memory_space<semaphore_mem>>
      %dma_wait3A_935 = tpu.memref_squeeze %dma_wait3A_934 : memref<1x!tpu.dma_semaphore, #tpu.memory_space<semaphore_mem>> -> memref<!tpu.dma_semaphore, #tpu.memory_space<semaphore_mem>>
      tpu.wait_indirect_dma semaphore(%dma_wait3A_935 : memref<!tpu.dma_semaphore, #tpu.memory_space<semaphore_mem>>) src(%dma_wait3A_933 : memref<1000000x32xf32, #tpu.memory_space<hbm>>) dst(%dma_wait3A_929 : memref<128x32xf32, #tpu.memory_space<vmem>>)
      %add3A_936 = arith.constant 3072 : i32
      %add3A_937 = arith.addi %mul3A_655, %add3A_936 : i32
      %add3A_938 = arith.constant 0 : i32
      %add3A_939 = arith.addi %add3A_937, %add3A_938 : i32
      %dma_wait3A_940 = arith.constant 0 : i32
      %dma_wait3A_941 = arith.constant 0 : i32
      %dma_wait3A_942 = tpu.memref_slice %arg6[%rem3A_645, %dma_wait3A_940, %dma_wait3A_941] : memref<2x512x32xf32, #tpu.memory_space<vmem>> -> memref<1x128x32xf32, #tpu.memory_space<vmem>>
      %dma_wait3A_943 = tpu.memref_squeeze %dma_wait3A_942 : memref<1x128x32xf32, #tpu.memory_space<vmem>> -> memref<128x32xf32, #tpu.memory_space<vmem>>
      %dma_wait3A_944 = tpu.memref_slice %arg5[%add3A_939] : memref<7168xi32, #tpu.memory_space<vmem>> -> memref<128xi32, #tpu.memory_space<vmem>>
      %dma_wait3A_945 = arith.constant 0 : i32
      %dma_wait3A_946 = arith.constant 0 : i32
      %dma_wait3A_947 = tpu.memref_slice %arg3[%dma_wait3A_945, %dma_wait3A_946] : memref<1000000x32xf32, #tpu.memory_space<hbm>> -> memref<1000000x32xf32, #tpu.memory_space<hbm>>
      %dma_wait3A_948 = tpu.memref_slice %arg8[%rem3A_645] : memref<2x!tpu.dma_semaphore, #tpu.memory_space<semaphore_mem>> -> memref<1x!tpu.dma_semaphore, #tpu.memory_space<semaphore_mem>>
      %dma_wait3A_949 = tpu.memref_squeeze %dma_wait3A_948 : memref<1x!tpu.dma_semaphore, #tpu.memory_space<semaphore_mem>> -> memref<!tpu.dma_semaphore, #tpu.memory_space<semaphore_mem>>
      tpu.wait_indirect_dma semaphore(%dma_wait3A_949 : memref<!tpu.dma_semaphore, #tpu.memory_space<semaphore_mem>>) src(%dma_wait3A_947 : memref<1000000x32xf32, #tpu.memory_space<hbm>>) dst(%dma_wait3A_943 : memref<128x32xf32, #tpu.memory_space<vmem>>)
      %add3A_950 = arith.constant 3072 : i32
      %add3A_951 = arith.addi %mul3A_655, %add3A_950 : i32
      %add3A_952 = arith.constant 128 : i32
      %add3A_953 = arith.addi %add3A_951, %add3A_952 : i32
      %dma_wait3A_954 = arith.constant 128 : i32
      %dma_wait3A_955 = arith.constant 0 : i32
      %dma_wait3A_956 = tpu.memref_slice %arg6[%rem3A_645, %dma_wait3A_954, %dma_wait3A_955] : memref<2x512x32xf32, #tpu.memory_space<vmem>> -> memref<1x128x32xf32, #tpu.memory_space<vmem>>
      %dma_wait3A_957 = tpu.memref_squeeze %dma_wait3A_956 : memref<1x128x32xf32, #tpu.memory_space<vmem>> -> memref<128x32xf32, #tpu.memory_space<vmem>>
      %dma_wait3A_958 = tpu.memref_slice %arg5[%add3A_953] : memref<7168xi32, #tpu.memory_space<vmem>> -> memref<128xi32, #tpu.memory_space<vmem>>
      %dma_wait3A_959 = arith.constant 0 : i32
      %dma_wait3A_960 = arith.constant 0 : i32
      %dma_wait3A_961 = tpu.memref_slice %arg3[%dma_wait3A_959, %dma_wait3A_960] : memref<1000000x32xf32, #tpu.memory_space<hbm>> -> memref<1000000x32xf32, #tpu.memory_space<hbm>>
      %dma_wait3A_962 = tpu.memref_slice %arg8[%rem3A_645] : memref<2x!tpu.dma_semaphore, #tpu.memory_space<semaphore_mem>> -> memref<1x!tpu.dma_semaphore, #tpu.memory_space<semaphore_mem>>
      %dma_wait3A_963 = tpu.memref_squeeze %dma_wait3A_962 : memref<1x!tpu.dma_semaphore, #tpu.memory_space<semaphore_mem>> -> memref<!tpu.dma_semaphore, #tpu.memory_space<semaphore_mem>>
      tpu.wait_indirect_dma semaphore(%dma_wait3A_963 : memref<!tpu.dma_semaphore, #tpu.memory_space<semaphore_mem>>) src(%dma_wait3A_961 : memref<1000000x32xf32, #tpu.memory_space<hbm>>) dst(%dma_wait3A_957 : memref<128x32xf32, #tpu.memory_space<vmem>>)
      %add3A_964 = arith.constant 3072 : i32
      %add3A_965 = arith.addi %mul3A_655, %add3A_964 : i32
      %add3A_966 = arith.constant 256 : i32
      %add3A_967 = arith.addi %add3A_965, %add3A_966 : i32
      %dma_wait3A_968 = arith.constant 256 : i32
      %dma_wait3A_969 = arith.constant 0 : i32
      %dma_wait3A_970 = tpu.memref_slice %arg6[%rem3A_645, %dma_wait3A_968, %dma_wait3A_969] : memref<2x512x32xf32, #tpu.memory_space<vmem>> -> memref<1x128x32xf32, #tpu.memory_space<vmem>>
      %dma_wait3A_971 = tpu.memref_squeeze %dma_wait3A_970 : memref<1x128x32xf32, #tpu.memory_space<vmem>> -> memref<128x32xf32, #tpu.memory_space<vmem>>
      %dma_wait3A_972 = tpu.memref_slice %arg5[%add3A_967] : memref<7168xi32, #tpu.memory_space<vmem>> -> memref<128xi32, #tpu.memory_space<vmem>>
      %dma_wait3A_973 = arith.constant 0 : i32
      %dma_wait3A_974 = arith.constant 0 : i32
      %dma_wait3A_975 = tpu.memref_slice %arg3[%dma_wait3A_973, %dma_wait3A_974] : memref<1000000x32xf32, #tpu.memory_space<hbm>> -> memref<1000000x32xf32, #tpu.memory_space<hbm>>
      %dma_wait3A_976 = tpu.memref_slice %arg8[%rem3A_645] : memref<2x!tpu.dma_semaphore, #tpu.memory_space<semaphore_mem>> -> memref<1x!tpu.dma_semaphore, #tpu.memory_space<semaphore_mem>>
      %dma_wait3A_977 = tpu.memref_squeeze %dma_wait3A_976 : memref<1x!tpu.dma_semaphore, #tpu.memory_space<semaphore_mem>> -> memref<!tpu.dma_semaphore, #tpu.memory_space<semaphore_mem>>
      tpu.wait_indirect_dma semaphore(%dma_wait3A_977 : memref<!tpu.dma_semaphore, #tpu.memory_space<semaphore_mem>>) src(%dma_wait3A_975 : memref<1000000x32xf32, #tpu.memory_space<hbm>>) dst(%dma_wait3A_971 : memref<128x32xf32, #tpu.memory_space<vmem>>)
      %add3A_978 = arith.constant 3072 : i32
      %add3A_979 = arith.addi %mul3A_655, %add3A_978 : i32
      %add3A_980 = arith.constant 384 : i32
      %add3A_981 = arith.addi %add3A_979, %add3A_980 : i32
      %dma_wait3A_982 = arith.constant 384 : i32
      %dma_wait3A_983 = arith.constant 0 : i32
      %dma_wait3A_984 = tpu.memref_slice %arg6[%rem3A_645, %dma_wait3A_982, %dma_wait3A_983] : memref<2x512x32xf32, #tpu.memory_space<vmem>> -> memref<1x128x32xf32, #tpu.memory_space<vmem>>
      %dma_wait3A_985 = tpu.memref_squeeze %dma_wait3A_984 : memref<1x128x32xf32, #tpu.memory_space<vmem>> -> memref<128x32xf32, #tpu.memory_space<vmem>>
      %dma_wait3A_986 = tpu.memref_slice %arg5[%add3A_981] : memref<7168xi32, #tpu.memory_space<vmem>> -> memref<128xi32, #tpu.memory_space<vmem>>
      %dma_wait3A_987 = arith.constant 0 : i32
      %dma_wait3A_988 = arith.constant 0 : i32
      %dma_wait3A_989 = tpu.memref_slice %arg3[%dma_wait3A_987, %dma_wait3A_988] : memref<1000000x32xf32, #tpu.memory_space<hbm>> -> memref<1000000x32xf32, #tpu.memory_space<hbm>>
      %dma_wait3A_990 = tpu.memref_slice %arg8[%rem3A_645] : memref<2x!tpu.dma_semaphore, #tpu.memory_space<semaphore_mem>> -> memref<1x!tpu.dma_semaphore, #tpu.memory_space<semaphore_mem>>
      %dma_wait3A_991 = tpu.memref_squeeze %dma_wait3A_990 : memref<1x!tpu.dma_semaphore, #tpu.memory_space<semaphore_mem>> -> memref<!tpu.dma_semaphore, #tpu.memory_space<semaphore_mem>>
      tpu.wait_indirect_dma semaphore(%dma_wait3A_991 : memref<!tpu.dma_semaphore, #tpu.memory_space<semaphore_mem>>) src(%dma_wait3A_989 : memref<1000000x32xf32, #tpu.memory_space<hbm>>) dst(%dma_wait3A_985 : memref<128x32xf32, #tpu.memory_space<vmem>>)
      %dma_start3A_992 = arith.constant 0 : i32
      %dma_start3A_993 = arith.constant 0 : i32
      %dma_start3A_994 = tpu.memref_slice %arg6[%rem3A_645, %dma_start3A_992, %dma_start3A_993] : memref<2x512x32xf32, #tpu.memory_space<vmem>> -> memref<1x512x32xf32, #tpu.memory_space<vmem>>
      %dma_start3A_995 = tpu.memref_squeeze %dma_start3A_994 : memref<1x512x32xf32, #tpu.memory_space<vmem>> -> memref<512x32xf32, #tpu.memory_space<vmem>>
      %dma_start3A_996 = arith.constant 0 : i32
      %dma_start3A_997 = tpu.memref_slice %arg4[%scan3A_643, %mul3A_2, %dma_start3A_996] : memref<50x16384x32xf32, #tpu.memory_space<hbm>> -> memref<1x512x32xf32, #tpu.memory_space<hbm>>
      %dma_start3A_998 = tpu.memref_squeeze %dma_start3A_997 : memref<1x512x32xf32, #tpu.memory_space<hbm>> -> memref<512x32xf32, #tpu.memory_space<hbm>>
      %dma_start3A_999 = tpu.memref_slice %arg9[%rem3A_645] : memref<2x!tpu.dma_semaphore, #tpu.memory_space<semaphore_mem>> -> memref<1x!tpu.dma_semaphore, #tpu.memory_space<semaphore_mem>>
      %dma_start3A_1000 = tpu.memref_squeeze %dma_start3A_999 : memref<1x!tpu.dma_semaphore, #tpu.memory_space<semaphore_mem>> -> memref<!tpu.dma_semaphore, #tpu.memory_space<semaphore_mem>>
      %dma_start3A_1001 = arith.constant 0 : i32
      %dma_start3A_1002 = tpu.memref_slice %arg4[%scan3A_643, %mul3A_2, %dma_start3A_1001] : memref<50x16384x32xf32, #tpu.memory_space<hbm>> -> memref<1x512x32xf32, #tpu.memory_space<hbm>>
      %dma_start3A_1003 = tpu.memref_squeeze %dma_start3A_1002 : memref<1x512x32xf32, #tpu.memory_space<hbm>> -> memref<512x32xf32, #tpu.memory_space<hbm>>
      %dma_start3A_1004 = arith.constant 0 : i32
      %dma_start3A_1005 = arith.constant 0 : i32
      %dma_start3A_1006 = tpu.memref_slice %arg6[%rem3A_645, %dma_start3A_1004, %dma_start3A_1005] : memref<2x512x32xf32, #tpu.memory_space<vmem>> -> memref<1x512x32xf32, #tpu.memory_space<vmem>>
      %dma_start3A_1007 = tpu.memref_squeeze %dma_start3A_1006 : memref<1x512x32xf32, #tpu.memory_space<vmem>> -> memref<512x32xf32, #tpu.memory_space<vmem>>
      tpu.enqueue_dma source(%dma_start3A_1007 : memref<512x32xf32, #tpu.memory_space<vmem>>) target(%dma_start3A_1003 : memref<512x32xf32, #tpu.memory_space<hbm>>) target_semaphore(%dma_start3A_1000 : memref<!tpu.dma_semaphore, #tpu.memory_space<semaphore_mem>>)
      %scan3A_1008 = arith.constant 0 : i32
      scf.yield %scan3A_1008 : i32
    }
    %scan3A_604 = arith.constant 50 : i32
    %dma_wait3A_605 = arith.constant 0 : i32
    %dma_wait3A_606 = arith.constant 48 : i32
    %dma_wait3A_607 = arith.constant 0 : i32
    %dma_wait3A_608 = arith.constant 0 : i32
    %dma_wait3A_609 = arith.constant 0 : i32
    %dma_wait3A_610 = tpu.memref_slice %arg6[%dma_wait3A_605, %dma_wait3A_608, %dma_wait3A_609] : memref<2x512x32xf32, #tpu.memory_space<vmem>> -> memref<1x512x32xf32, #tpu.memory_space<vmem>>
    %dma_wait3A_611 = tpu.memref_squeeze %dma_wait3A_610 : memref<1x512x32xf32, #tpu.memory_space<vmem>> -> memref<512x32xf32, #tpu.memory_space<vmem>>
    %dma_wait3A_612 = arith.constant 0 : i32
    %dma_wait3A_613 = tpu.memref_slice %arg4[%dma_wait3A_606, %mul3A_2, %dma_wait3A_612] : memref<50x16384x32xf32, #tpu.memory_space<hbm>> -> memref<1x512x32xf32, #tpu.memory_space<hbm>>
    %dma_wait3A_614 = tpu.memref_squeeze %dma_wait3A_613 : memref<1x512x32xf32, #tpu.memory_space<hbm>> -> memref<512x32xf32, #tpu.memory_space<hbm>>
    %dma_wait3A_615 = tpu.memref_slice %arg9[%dma_wait3A_607] : memref<2x!tpu.dma_semaphore, #tpu.memory_space<semaphore_mem>> -> memref<1x!tpu.dma_semaphore, #tpu.memory_space<semaphore_mem>>
    %dma_wait3A_616 = tpu.memref_squeeze %dma_wait3A_615 : memref<1x!tpu.dma_semaphore, #tpu.memory_space<semaphore_mem>> -> memref<!tpu.dma_semaphore, #tpu.memory_space<semaphore_mem>>
    %dma_wait3A_617 = arith.constant 0 : i32
    %dma_wait3A_618 = tpu.memref_slice %arg4[%dma_wait3A_606, %mul3A_2, %dma_wait3A_617] : memref<50x16384x32xf32, #tpu.memory_space<hbm>> -> memref<1x512x32xf32, #tpu.memory_space<hbm>>
    %dma_wait3A_619 = tpu.memref_squeeze %dma_wait3A_618 : memref<1x512x32xf32, #tpu.memory_space<hbm>> -> memref<512x32xf32, #tpu.memory_space<hbm>>
    %dma_wait3A_620 = arith.constant 0 : i32
    %dma_wait3A_621 = arith.constant 0 : i32
    %dma_wait3A_622 = tpu.memref_slice %arg6[%dma_wait3A_605, %dma_wait3A_620, %dma_wait3A_621] : memref<2x512x32xf32, #tpu.memory_space<vmem>> -> memref<1x512x32xf32, #tpu.memory_space<vmem>>
    %dma_wait3A_623 = tpu.memref_squeeze %dma_wait3A_622 : memref<1x512x32xf32, #tpu.memory_space<vmem>> -> memref<512x32xf32, #tpu.memory_space<vmem>>
    tpu.wait_dma2 semaphore(%dma_wait3A_616 : memref<!tpu.dma_semaphore, #tpu.memory_space<semaphore_mem>>) src(%dma_wait3A_623 : memref<512x32xf32, #tpu.memory_space<vmem>>) dst(%dma_wait3A_619 : memref<512x32xf32, #tpu.memory_space<hbm>>)
    %dma_wait3A_624 = arith.constant 1 : i32
    %dma_wait3A_625 = arith.constant 49 : i32
    %dma_wait3A_626 = arith.constant 1 : i32
    %dma_wait3A_627 = arith.constant 0 : i32
    %dma_wait3A_628 = arith.constant 0 : i32
    %dma_wait3A_629 = tpu.memref_slice %arg6[%dma_wait3A_624, %dma_wait3A_627, %dma_wait3A_628] : memref<2x512x32xf32, #tpu.memory_space<vmem>> -> memref<1x512x32xf32, #tpu.memory_space<vmem>>
    %dma_wait3A_630 = tpu.memref_squeeze %dma_wait3A_629 : memref<1x512x32xf32, #tpu.memory_space<vmem>> -> memref<512x32xf32, #tpu.memory_space<vmem>>
    %dma_wait3A_631 = arith.constant 0 : i32
    %dma_wait3A_632 = tpu.memref_slice %arg4[%dma_wait3A_625, %mul3A_2, %dma_wait3A_631] : memref<50x16384x32xf32, #tpu.memory_space<hbm>> -> memref<1x512x32xf32, #tpu.memory_space<hbm>>
    %dma_wait3A_633 = tpu.memref_squeeze %dma_wait3A_632 : memref<1x512x32xf32, #tpu.memory_space<hbm>> -> memref<512x32xf32, #tpu.memory_space<hbm>>
    %dma_wait3A_634 = tpu.memref_slice %arg9[%dma_wait3A_626] : memref<2x!tpu.dma_semaphore, #tpu.memory_space<semaphore_mem>> -> memref<1x!tpu.dma_semaphore, #tpu.memory_space<semaphore_mem>>
    %dma_wait3A_635 = tpu.memref_squeeze %dma_wait3A_634 : memref<1x!tpu.dma_semaphore, #tpu.memory_space<semaphore_mem>> -> memref<!tpu.dma_semaphore, #tpu.memory_space<semaphore_mem>>
    %dma_wait3A_636 = arith.constant 0 : i32
    %dma_wait3A_637 = tpu.memref_slice %arg4[%dma_wait3A_625, %mul3A_2, %dma_wait3A_636] : memref<50x16384x32xf32, #tpu.memory_space<hbm>> -> memref<1x512x32xf32, #tpu.memory_space<hbm>>
    %dma_wait3A_638 = tpu.memref_squeeze %dma_wait3A_637 : memref<1x512x32xf32, #tpu.memory_space<hbm>> -> memref<512x32xf32, #tpu.memory_space<hbm>>
    %dma_wait3A_639 = arith.constant 0 : i32
    %dma_wait3A_640 = arith.constant 0 : i32
    %dma_wait3A_641 = tpu.memref_slice %arg6[%dma_wait3A_624, %dma_wait3A_639, %dma_wait3A_640] : memref<2x512x32xf32, #tpu.memory_space<vmem>> -> memref<1x512x32xf32, #tpu.memory_space<vmem>>
    %dma_wait3A_642 = tpu.memref_squeeze %dma_wait3A_641 : memref<1x512x32xf32, #tpu.memory_space<vmem>> -> memref<512x32xf32, #tpu.memory_space<vmem>>
    tpu.wait_dma2 semaphore(%dma_wait3A_635 : memref<!tpu.dma_semaphore, #tpu.memory_space<semaphore_mem>>) src(%dma_wait3A_642 : memref<512x32xf32, #tpu.memory_space<vmem>>) dst(%dma_wait3A_638 : memref<512x32xf32, #tpu.memory_space<hbm>>)
    return
  }
}

</mosaic_0001>

<sc_bundles>
// kernel: kernel.3.cloned.1.call-start
scs
__scs_entry_jumppad:
0x0: {  	(pc) =	sbr.rel $0x88, $3  }
0x1: {  	(tag) =	ssettag $0x0;
	lr =	simm.s32 $0x1  }
0x2: {  	[smem:$0x3F9F] =	sst lr;
	_ =	strace $0xD0000000  }
0x3: {  	_ = 	snop  }
0x4: {  	_ = 	snop  }
0x5: {  	_ = 	snop  }
0x6: {  	_ = 	snop  }
0x7: {  	_ = 	snop  }
__scs_overlays_trampoline_lowered:
0x8: {  	[smem:$0x3FAE] =	sst s0  }
0x9: {  	[smem:$0x3FAF] =	sst s1  }
0xa: {  	[smem:$0x3FB0] =	sst s2  }
0xb: {  	[smem:$0x3FB1] =	sst s3  }
0xc: {  	[smem:$0x3FB2] =	sst s4  }
0xd: {  	[smem:$0x3FB3] =	sst s5  }
0xe: {  	[smem:$0x3FB4] =	sst s6  }
0xf: {  	[smem:$0x3FB5] =	sst s7  }
0x10: {  	[smem:$0x3FB6] =	sst s8  }
0x11: {  	[smem:$0x3FB7] =	sst s9;
	s0 =	simm.s32 @!p0 $0x0  }
0x12: {  	s1 =	sld [smem:$0x3F9D];
	s0 =	simm.s32 @p0 $0x1  }
0x13: {  	[smem:$0x3FB8] =	sst s0;
	s0 =	simm.s32 @!p1 $0x0  }
0x14: {  	s2 =	sld [smem:$0x3F9C];
	s0 =	simm.s32 @p1 $0x1  }
0x15: {  	[smem:$0x3FB9] =	sst s0;
	s0 =	simm.s32 @!p2 $0x0  }
0x16: {  	s3 =	sld [smem:$0x3FDB];
	s0 =	simm.s32 @p2 $0x1  }
0x17: {  	s4 =	simm.s32 $0x1BF5;
	[smem:$0x3FBB] =	sst s0  }
0x18: {  	s0 =	sld [smem:$0x3F9E];
	_ =	swait.ge [sflag:s4], $0x0  }
0x19: {  	s7 =	sld [smem:$0x3F9F]  }
0x1a: {  	s8 =	sadd.s32 $0xFFFFE003, lr  }
0x1b: {  	s9 =	sadd.s32 $0xFFFFFEF7, lr;
	s5 =	simm.s32 $0xFFFFFFFF;
	p2 =	slt.u32 s8, $0xFFFFF086  }
0x1c: {  	p1 =	slt.u32 s9, $0xF7A;
	s5 =	simm.s32 @!p2 $0x0  }
0x1d: {  	s5 =	simm.s32 @p1 $0x1;
	p0 =	seq.s32 s7, s2  }
0x1e: {  	s7 =	smul.u32 @!p0 $0xF7A, s2;
	p2 =	seq.s32 @!p0 s5, $0x0  }
0x1f: {  	s9 =	smul.u32 $0xF7A, s1;
	s8 =	simm.s32 @!p0 $0x1BF5;
	p2 =	por !p2, p0  }
0x20: {  	[sflag:s8] =	ssyncset.s32 @!p0 $0xFFFFF086;
	s6 =	sadd.s32 @!p0 s3, s7;
	s7 =	simm.s32 @!p0 $0x108  }
0x21: {  	s3 =	sadd.s32 s3, s9;
	s6 =	sadd.s32 @!p0 $0x88, s6;
	s7 =	simm.s32 @p2 $0x1082  }
0x22: {  	[simem:s7], [sflag:s8] =	dma.local @!p0 [hbm:s6], $0xF7A  }
0x23: {  	s9 =	sor.u32 $0xD0000000, s2;
	s6 =	simm.s32 $0x108;
	_ =	swait.ge @!p0 [sflag:s8], $0x0  }
0x24: {  	s3 =	sadd.s32 $0x88, s3;
	s6 =	simm.s32 @!p1 $0x1082;
	[sflag:s4] =	ssyncset.s32 $0xFFFFF086  }
0x25: {  	[simem:s6], [sflag:s4] =	dma.local [hbm:s3], $0xF7A  }
0x26: {  	[smem:$0x3F9F] =	sst s1;
	(tag) =	ssettag s2;
	_ =	strace s9  }
0x27: {  	s1 =	sld [smem:$0x3FAF]  }
0x28: {  	s2 =	sld [smem:$0x3FB0]  }
0x29: {  	s4 =	sld [smem:$0x3FB2]  }
0x2a: {  	p0 =	seq.s32 s5, $0x0;
	s5 =	sld [smem:$0x3FB3]  }
0x2b: {  	s6 =	sld [smem:$0x3FB4]  }
0x2c: {  	s7 =	sld [smem:$0x3FB5]  }
0x2d: {  	s3 =	simm.s32 $0x108;
	s8 =	sld [smem:$0x3FB6]  }
0x2e: {  	s3 =	simm.s32 @!p0 $0x1082;
	s9 =	sld [smem:$0x3FB7]  }
0x2f: {  	lr =	sadd.s32 s0, s3;
	s0 =	sld [smem:$0x3FAE]  }
0x30: {  	s3 =	sld [smem:$0x3FB1]  }
0x31: {  	[smem:$0x3FBA] =	sst s10  }
0x32: {  	s10 =	sld [smem:$0x3FB8];
	_ =	sdelay $0x3  }
0x33: {  	p0 =	seq.s32 s10, $0x1;
	s10 =	sld [smem:$0x3FBA];
	_ =	sdelay $0x3  }
0x34: {  	[smem:$0x3FBA] =	sst s10  }
0x35: {  	s10 =	sld [smem:$0x3FB9];
	_ =	sdelay $0x3  }
0x36: {  	p1 =	seq.s32 s10, $0x1;
	s10 =	sld [smem:$0x3FBA];
	_ =	sdelay $0x3  }
0x37: {  	[smem:$0x3FBA] =	sst s10  }
0x38: {  	s10 =	sld [smem:$0x3FBB]  }
0x39: {  	_ = 	snop;
	(pc) =	sbr.ind lr, $3  }
0x3a: {  	_ = 	snop  }
0x3b: {  	_ = 	snop  }
0x3c: {  	p2 =	seq.s32 s10, $0x1;
	s10 =	sld [smem:$0x3FBA]  }
0x3d: {  	_ =	shalt  }
0x3e: {  	_ =	shalt  }
0x3f: {  	_ =	shalt  }
0x40: {  	_ =	shalt  }
0x41: {  	_ =	shalt  }
0x42: {  	_ =	shalt  }
0x43: {  	_ =	shalt  }
0x44: {  	_ =	shalt  }
0x45: {  	_ =	shalt  }
0x46: {  	_ =	shalt  }
0x47: {  	_ =	shalt  }
0x48: {  	_ =	shalt  }
0x49: {  	_ =	shalt  }
0x4a: {  	_ =	shalt  }
0x4b: {  	_ =	shalt  }
0x4c: {  	_ =	shalt  }
0x4d: {  	_ =	shalt  }
0x4e: {  	_ =	shalt  }
0x4f: {  	_ =	shalt  }
0x50: {  	_ =	shalt  }
0x51: {  	_ =	shalt  }
0x52: {  	_ =	shalt  }
0x53: {  	_ =	shalt  }
0x54: {  	_ =	shalt  }
0x55: {  	_ =	shalt  }
0x56: {  	_ =	shalt  }
0x57: {  	_ =	shalt  }
0x58: {  	_ =	shalt  }
0x59: {  	_ =	shalt  }
0x5a: {  	_ =	shalt  }
0x5b: {  	_ =	shalt  }
0x5c: {  	_ =	shalt  }
0x5d: {  	_ =	shalt  }
0x5e: {  	_ =	shalt  }
0x5f: {  	_ =	shalt  }
0x60: {  	_ =	shalt  }
0x61: {  	_ =	shalt  }
0x62: {  	_ =	shalt  }
0x63: {  	_ =	shalt  }
0x64: {  	_ =	shalt  }
0x65: {  	_ =	shalt  }
0x66: {  	_ =	shalt  }
0x67: {  	_ =	shalt  }
0x68: {  	_ =	shalt  }
0x69: {  	_ =	shalt  }
0x6a: {  	_ =	shalt  }
0x6b: {  	_ =	shalt  }
0x6c: {  	_ =	shalt  }
0x6d: {  	_ =	shalt  }
0x6e: {  	_ =	shalt  }
0x6f: {  	_ =	shalt  }
0x70: {  	_ =	shalt  }
0x71: {  	_ =	shalt  }
0x72: {  	_ =	shalt  }
0x73: {  	_ =	shalt  }
0x74: {  	_ =	shalt  }
0x75: {  	_ =	shalt  }
0x76: {  	_ =	shalt  }
0x77: {  	_ =	shalt  }
0x78: {  	_ =	shalt  }
0x79: {  	_ =	shalt  }
0x7a: {  	_ =	shalt  }
0x7b: {  	_ =	shalt  }
0x7c: {  	_ =	shalt  }
0x7d: {  	_ =	shalt  }
0x7e: {  	_ =	shalt  }
0x7f: {  	_ =	shalt  }
0x80: {  	_ =	shalt  }
0x81: {  	_ =	shalt  }
0x82: {  	_ =	shalt  }
0x83: {  	_ =	shalt  }
0x84: {  	_ =	shalt  }
0x85: {  	_ =	shalt  }
0x86: {  	_ =	shalt  }
0x87: {  	_ =	shalt  }
.Lfunc_end0:
.L_simem_size_0:
called_computation.1_lowered:
.L_overlay_start_0:
0x88: {  	s2 =	sld [smem:$0x3FD9]  }
0x89: {  	s3 =	sld [smem:$0x3FFE];
	_ =	sdelay $0x1  }
0x8a: {  	s1 =	srdreg.scid  }
0x8b: {  	s0 =	sand.u32 $0x1, s1  }
0x8c: {  	s17 =	sshll.u32 s0, $0xA;
	s2 =	sadd.s32 s3, s2  }
0x8d: {  	s2 =	sadd.s32 s2, s17  }
0x8e: {  	[smem:$0x3FC6] =	sst s2  }
0x8f: {  	_ = 	snop  }
0x90: {  	s2 =	sld [smem:$0x3FD0];
	(tm) =	ssettm $0x1  }
0x91: {  	s18 =	sld [smem:$0x3FFB];
	_ =	sdelay $0x3  }
0x92: {  	_ =	strace s18  }
0x93: {  	s3 =	sld [smem:$0x3FFC];
	_ =	sdelay $0x3  }
0x94: {  	_ =	strace s3  }
0x95: {  	s3 =	sld [smem:$0x3FFD];
	_ =	sdelay $0x3  }
0x96: {  	_ =	strace s3  }
0x97: {  	_ =	strace $0x8FFFFFFF  }
0x98: {  	s19 =	sld [smem:$0x3FDB];
	_ =	sdelay $0x1  }
0x99: {  	s4 =	simm.s32 $_scs_section_size  }
0x9a: {  	s5 =	simm.s32 $_size__tile_overlayer_lowered;
	s6 =	simm.s32 $_tile_overlayer_lowered  }
0x9b: {  	s22 =	simm.s32 $0x1BFF;
	s21 =	sshll.u32 s6, $0x1;
	s3 =	sadd.s32 s4, s19  }
0x9c: {  	s7 =	simm.s32 $0x0;
	s20 =	sshll.u32 s5, $0x1;
	s5 =	sadd.s32 s21, s3  }
0x9d: {  	[timem:s7], [sflag:s22] =	dma.local [hbm:s5], s20  }
0x9e: {  	_ =	swait.ge [sflag:s22], s20  }
0x9f: {  	s4 =	ssub.s32 $0x0, s20;
	[sflag:s22] =	ssyncset.done $0x0  }
0xa0: {  	[sflag:s22] =	ssyncadd.s32 s4;
	_ =	sdelay $0x1  }
0xa1: {  	s23 =	simm.s32 $0x1B8B  }
0xa2: {  	_ =	swait.ge [sflag:s23], $0x1  }
0xa3: {  	[sflag:s23] =	ssyncset.done $0x0  }
0xa4: {  	s25 =	simm.s32 $0x1B8E;
	s24 =	sld [smem:$0x3FFE];
	[sflag:s23] =	ssyncadd.s32 $0xFFFFFFFF  }
0xa5: {  	s26 =	simm.s32 $execute0_lowered;
	[smem:$0x3FD2] =	sst s25  }
0xa6: {  	s5 =	sshll.u32 s26, $0x1;
	_ =	strace $0x80000046;
	[dreg:$0x1] =	wrdreg $0xFFFFFFFF  }
0xa7: {  	s28 =	simm.s32 $_size_execute0_lowered;
	s3 =	sadd.s32 s3, s5;
	[dreg:$0x0] =	wrdreg $0x0  }
0xa8: {  	s5 =	sshll.u32 s28, $0x1;
	[dreg:$0x2] =	wrdreg s3  }
0xa9: {  	[dreg:$0x3] =	wrdreg s5  }
0xaa: {  	[dreg:$0x4] =	wrdreg $0xC0  }
0xab: {  	_ =	task [dreg:s7], $0x5FFFF  }
0xac: {  	[dreg:$0x1] =	wrdreg $0xFFFFFFFF  }
0xad: {  	[dreg:$0x0] =	wrdreg $0x60  }
0xae: {  	[dreg:$0x2] =	wrdreg s24  }
0xaf: {  	[dreg:$0x3] =	wrdreg s2  }
0xb0: {  	[dreg:$0x4] =	wrdreg $0x9  }
0xb1: {  	_ =	task.clear_ibuf [dreg:s7], $0x5FFFF;
	_ =	strace $0x90000046  }
0xb2: {  	s29 =	simm.s32 $0x9;
	_ =	strace $0x80000048  }
0xb3: {  	_ =	swait.ge [sflag:s29], $0x1  }
0xb4: {  	[sflag:s29] =	ssyncadd.s32 $0xFFFFFFFF  }
0xb5: {  	_ =	strace $0x90000048  }
0xb6: {  	_ =	sfence  }
0xb7: {  	s30 =	sld [smem:$0x0];
	_ =	sdelay $0x2  }
0xb8: {  	s31 =	sshll.u32 s1, $0xD;
	s1 =	sshrl.u32 s1, $0x2  }
0xb9: {  	s3 =	sand.u32 $0x4000, s31;
	s1 =	sadd.s32 s1, s30  }
0xba: {  	s0 =	sor.u32 s3, s0;
	s1 =	sshll.u32 s1, $0x11  }
0xbb: {  	s0 =	sor.u32 s1, s0  }
0xbc: {  	s0 =	sadd.s32 $0x8F2B, s0  }
0xbd: {  	[sflag:s0] =	ssyncadd.remote.s32 $0x1  }
0xbe: {  	_ =	sfence.sel $0xFFFF  }
0xbf: {  	[dreg:$0x0] =	wrdreg $0xFFFFFFFF;
	(pc) =	sbr.abs _section_cstart, $3  }
0xc0: {  	[dreg:$0x1] =	wrdreg $0xFFFFFFFF  }
0xc1: {  	_ =	task.clear_ibuf [dreg:s7], $0x2FFFF;
	_ =	strace $0x9FFFFFFF  }
0xc2: {  	(tm) =	ssettm $0x7FFFFFFF  }
0xc3: {  	_ =	shalt  }
tec
execute0_lowered:
.L_overlay_start_1:
0x0: {  	(tag) =	ssettag $0x1  }
0x1: {  	s0 =	rddreg [dreg:$0x0]  }
0x2: {  	s1 =	rddreg [dreg:$0x1];
	s3 =	srdreg.scid  }
0x3: {  	s2 =	simm.s32 $0x0;
	s9 =	stileid.u32;
	s28 =	simm.s32 $0x80  }
0x4: {  	s31 =	simm.s32 $0x4C00;
	s5 =	sand.u32 $0x1, s3;
	[smem:$0x7FF] =	sst s2  }
0x5: {  	s12 =	sshll.u32 s9, $0xA;
	s3 =	sadd.s32 $0xA00, s0;
	s18 =	sshll.u32 s9, $0xC  }
0x6: {  	s4 =	sshll.u32 s5, $0x9;
	_ =	strace $0x80000047;
	s7 =	ssub.s32 $0x2, s5  }
0x7: {  	s1 =	sadd.s32 s18, s1;
	s5 =	sshll.u32 s5, $0xB;
	s6 =	sor.u32 s4, s12  }
0x8: {  	s4 =	sadd.s32 $0xF42E00, s0;
	s13 =	sshrl.u32 s7, $0x1;
	s21 =	sadd.s32 s5, s1  }
0x9: {  	s8 =	sshrl.u32 s6, $0x3;
	s0 =	ssub.s32 s7, s13;
	[dreg:$0xb] =	wrdreg s21  }
0xa: {  	s22 =	sor.u32 $0x4B4000, s6;
	s23 =	sor.u32 $0x3EC000, s6;
	s30 =	sor.u32 $0x4000, s6  }
0xb: {  	s24 =	sor.u32 $0x324000, s6;
	s8 =	sadd.s32 s3, s8;
	[dreg:$0xc] =	wrdreg s30  }
0xc: {  	s25 =	sor.u32 $0x25C000, s6;
	s0 =	smax.u32 s0, $0x1;
	[dreg:$0x3] =	wrdreg s8  }
0xd: {  	s26 =	sor.u32 $0x194000, s6;
	s14 =	sadd.s32 $0x19000, s8;
	[dreg:$0xa] =	wrdreg s0  }
0xe: {  	s29 =	sor.u32 $0xCC000, s6;
	s15 =	sadd.s32 $0x32000, s8;
	[dreg:$0x4] =	wrdreg s14  }
0xf: {  	s1 =	sshrl.u32 s23, $0x3;
	s16 =	sadd.s32 $0x4B000, s8;
	[dreg:$0x5] =	wrdreg s15  }
0x10: {  	s5 =	sshrl.u32 s24, $0x3;
	s17 =	sadd.s32 $0x64000, s8;
	[dreg:$0x6] =	wrdreg s16  }
0x11: {  	s19 =	sadd.s32 $0x7D000, s8;
	s20 =	sadd.s32 $0x96000, s8;
	[dreg:$0x7] =	wrdreg s17  }
.Ltmp0:
0x12: {  	s0 =	sshrl.u32 s22, $0x3;
	[dreg:$0x8] =	wrdreg s19;
	(pc) =	sbr.rel .LBB2_1-.Ltmp0, $4  }
0x13: {  	s8 =	simm.s32 $0x0;
	[dreg:$0x9] =	wrdreg s20;
	s14 =	sadd.s32 s0, s3  }
0x14: {  	s15 =	sadd.s32 s1, s3;
	s16 =	sadd.s32 s5, s3;
	s0 =	sshrl.u32 s25, $0x3  }
0x15: {  	s1 =	sshrl.u32 s26, $0x3;
	s5 =	sshrl.u32 s29, $0x3;
	s17 =	sadd.s32 s0, s3  }
0x16: {  	s18 =	sadd.s32 s1, s3;
	s19 =	sadd.s32 s5, s3;
	s1 =	simm.s32 $0x3  }
.LBB2_7:
0x17: {  	s0 =	simm.s32 $0x5  }
0x18: {  	_ =	swait.ge [sflag:s0], $0x4000  }
0x19: {  	[sflag:s0] =	ssyncset.done $0x0  }
0x1a: {  	s5 =	simm.s32 $0x6;
	[sflag:s0] =	ssyncadd.s32 $0xFFFFC000  }
0x1b: {  	_ =	swait.ge [sflag:s5], $0x4000  }
0x1c: {  	s8 =	sadd.s32 $0x1, s8;
	s30 =	rddreg [dreg:$0xa]  }
0x1d: {  	p0 =	sne.s32 s8, s30  }
.Ltmp1:
0x1e: {  	_ = 	snop;
	(pc) =	sbr.rel @!p0 .LBB2_8-.Ltmp1, $3  }
0x1f: {  	_ =	sdelay $0x1  }
0x20: {  	[sflag:s5] =	ssyncset.done $0x0  }
0x21: {  	[sflag:s5] =	ssyncadd.s32 $0xFFFFC000  }
.LBB2_1:
0x22: {  	s0 =	rddreg [dreg:$0x3]  }
0x23: {  	[tilespmem:s2], [sflag:$0x1] =	stream.linear.gather [hbm4b:s0+s2], $0x200, $0x38;
	[tilespmem:$0x9C00] =	vst v63  }
0x24: {  	s22 =	rddreg [dreg:$0x4];
	s5 =	simm.s32 $0x200  }
0x25: {  	[tilespmem:s5], [sflag:$0x1] =	stream.linear.gather [hbm4b:s22+s2], $0x200, $0x38;
	[tilespmem:$0x9C00] =	vst v63  }
0x26: {  	s23 =	rddreg [dreg:$0x5];
	s6 =	simm.s32 $0x400  }
0x27: {  	[tilespmem:s6], [sflag:$0x1] =	stream.linear.gather [hbm4b:s23+s2], $0x200, $0x38;
	[tilespmem:$0x9C00] =	vst v63  }
0x28: {  	s24 =	rddreg [dreg:$0x6];
	s7 =	simm.s32 $0x600  }
0x29: {  	[tilespmem:s7], [sflag:$0x1] =	stream.linear.gather [hbm4b:s24+s2], $0x200, $0x38;
	[tilespmem:$0x9C00] =	vst v63  }
0x2a: {  	s25 =	rddreg [dreg:$0x7];
	s10 =	simm.s32 $0x800  }
0x2b: {  	[tilespmem:s10], [sflag:$0x1] =	stream.linear.gather [hbm4b:s25+s2], $0x200, $0x38;
	[tilespmem:$0x9C00] =	vst v63  }
0x2c: {  	s26 =	rddreg [dreg:$0x8];
	s11 =	simm.s32 $0xA00  }
0x2d: {  	[tilespmem:s11], [sflag:$0x1] =	stream.linear.gather [hbm4b:s26+s2], $0x200, $0x38;
	[tilespmem:$0x9C00] =	vst v63  }
0x2e: {  	s29 =	rddreg [dreg:$0x9];
	s12 =	simm.s32 $0xC00;
	s9 =	simm.s32 $0x1  }
0x2f: {  	[tilespmem:s12], [sflag:$0x1] =	stream.linear.gather [hbm4b:s29+s2], $0x200, $0x38;
	[tilespmem:$0x9C00] =	vst v63  }
0x30: {  	_ =	swait.ge [sflag:s9], $0x200  }
0x31: {  	[sflag:s9] =	ssyncset.done $0x0  }
0x32: {  	[sflag:s9] =	ssyncadd.s32 $0xFFFFFE00  }
0x33: {  	_ =	swait.ge [sflag:s9], $0x200  }
0x34: {  	[sflag:s9] =	ssyncset.done $0x0  }
0x35: {  	[sflag:s9] =	ssyncadd.s32 $0xFFFFFE00  }
0x36: {  	_ =	swait.ge [sflag:s9], $0x200  }
0x37: {  	[sflag:s9] =	ssyncset.done $0x0  }
0x38: {  	[sflag:s9] =	ssyncadd.s32 $0xFFFFFE00  }
0x39: {  	_ =	swait.ge [sflag:s9], $0x200  }
0x3a: {  	[sflag:s9] =	ssyncset.done $0x0  }
0x3b: {  	[sflag:s9] =	ssyncadd.s32 $0xFFFFFE00  }
0x3c: {  	_ =	swait.ge [sflag:s9], $0x200  }
0x3d: {  	[sflag:s9] =	ssyncset.done $0x0  }
0x3e: {  	[sflag:s9] =	ssyncadd.s32 $0xFFFFFE00  }
0x3f: {  	_ =	swait.ge [sflag:s9], $0x200  }
0x40: {  	[sflag:s9] =	ssyncset.done $0x0  }
0x41: {  	[sflag:s9] =	ssyncadd.s32 $0xFFFFFE00  }
0x42: {  	_ =	swait.ge [sflag:s9], $0x200  }
0x43: {  	[sflag:s9] =	ssyncset.done $0x0  }
0x44: {  	s0 =	simm.s32 $0x1C00;
	[sflag:s9] =	ssyncadd.s32 $0xFFFFFE00  }
0x45: {  	[tilespmem:s0], [sflag:$0x3] =	stream.indirect.gather [hbm4b:s4+s28], $0x20, s2, s28, $0xb8;
	[tilespmem:$0x9C00] =	vst v63  }
0x46: {  	s13 =	simm.s32 $0x2C00  }
0x47: {  	[tilespmem:s13], [sflag:$0x3] =	stream.indirect.gather [hbm4b:s4+s28], $0x20, s28, s28, $0xb8;
	[tilespmem:$0x9C00] =	vst v63  }
0x48: {  	s20 =	simm.s32 $0x100;
	s21 =	simm.s32 $0x3C00  }
0x49: {  	[tilespmem:s21], [sflag:$0x3] =	stream.indirect.gather [hbm4b:s4+s28], $0x20, s20, s28, $0xb8;
	[tilespmem:$0x9C00] =	vst v63  }
0x4a: {  	s30 =	simm.s32 $0x180  }
0x4b: {  	[tilespmem:s31], [sflag:$0x3] =	stream.indirect.gather [hbm4b:s4+s28], $0x20, s30, s28, $0xb8;
	[tilespmem:$0x9C00] =	vst v63  }
0x4c: {  	_ =	swait.ge [sflag:s1], $0x1000  }
0x4d: {  	[sflag:s1] =	ssyncset.done $0x0  }
0x4e: {  	[sflag:s1] =	ssyncadd.s32 $0xFFFFF000  }
0x4f: {  	_ =	swait.ge [sflag:s1], $0x1000  }
0x50: {  	[sflag:s1] =	ssyncset.done $0x0  }
0x51: {  	[sflag:s1] =	ssyncadd.s32 $0xFFFFF000  }
0x52: {  	_ =	swait.ge [sflag:s1], $0x1000  }
0x53: {  	[sflag:s1] =	ssyncset.done $0x0  }
0x54: {  	[sflag:s1] =	ssyncadd.s32 $0xFFFFF000  }
0x55: {  	_ =	swait.ge [sflag:s1], $0x1000  }
0x56: {  	[sflag:s1] =	ssyncset.done $0x0  }
0x57: {  	[sflag:s1] =	ssyncadd.s32 $0xFFFFF000  }
0x58: {  	[tilespmem:s0], [sflag:$0x3] =	stream.indirect.gather.add.f32 [hbm:s4], $0x20, s5, s28, $0xb8;
	[tilespmem:$0x9C00] =	vst v63  }
0x59: {  	s22 =	simm.s32 $0x280  }
0x5a: {  	[tilespmem:s13], [sflag:$0x3] =	stream.indirect.gather.add.f32 [hbm:s4], $0x20, s22, s28, $0xb8;
	[tilespmem:$0x9C00] =	vst v63  }
0x5b: {  	s23 =	simm.s32 $0x300  }
0x5c: {  	[tilespmem:s21], [sflag:$0x3] =	stream.indirect.gather.add.f32 [hbm:s4], $0x20, s23, s28, $0xb8;
	[tilespmem:$0x9C00] =	vst v63  }
0x5d: {  	s24 =	simm.s32 $0x380  }
0x5e: {  	[tilespmem:s31], [sflag:$0x3] =	stream.indirect.gather.add.f32 [hbm:s4], $0x20, s24, s28, $0xb8;
	[tilespmem:$0x9C00] =	vst v63  }
0x5f: {  	_ = 	snop  }
0x60: {  	[tilespmem:s0], [sflag:$0x3] =	stream.indirect.gather.add.f32 [hbm:s4], $0x20, s6, s28, $0xb8;
	[tilespmem:$0x9C00] =	vst v63  }
0x61: {  	s25 =	simm.s32 $0x480  }
0x62: {  	[tilespmem:s13], [sflag:$0x3] =	stream.indirect.gather.add.f32 [hbm:s4], $0x20, s25, s28, $0xb8;
	[tilespmem:$0x9C00] =	vst v63  }
0x63: {  	s26 =	simm.s32 $0x500  }
0x64: {  	[tilespmem:s21], [sflag:$0x3] =	stream.indirect.gather.add.f32 [hbm:s4], $0x20, s26, s28, $0xb8;
	[tilespmem:$0x9C00] =	vst v63  }
0x65: {  	s29 =	simm.s32 $0x580  }
0x66: {  	[tilespmem:s31], [sflag:$0x3] =	stream.indirect.gather.add.f32 [hbm:s4], $0x20, s29, s28, $0xb8;
	[tilespmem:$0x9C00] =	vst v63  }
0x67: {  	_ = 	snop  }
0x68: {  	[tilespmem:s0], [sflag:$0x3] =	stream.indirect.gather.add.f32 [hbm:s4], $0x20, s7, s28, $0xb8;
	[tilespmem:$0x9C00] =	vst v63  }
0x69: {  	s30 =	simm.s32 $0x680  }
0x6a: {  	[tilespmem:s13], [sflag:$0x3] =	stream.indirect.gather.add.f32 [hbm:s4], $0x20, s30, s28, $0xb8;
	[tilespmem:$0x9C00] =	vst v63  }
0x6b: {  	s6 =	simm.s32 $0x700  }
0x6c: {  	[tilespmem:s21], [sflag:$0x3] =	stream.indirect.gather.add.f32 [hbm:s4], $0x20, s6, s28, $0xb8;
	[tilespmem:$0x9C00] =	vst v63  }
0x6d: {  	s7 =	simm.s32 $0x780  }
0x6e: {  	[tilespmem:s31], [sflag:$0x3] =	stream.indirect.gather.add.f32 [hbm:s4], $0x20, s7, s28, $0xb8;
	[tilespmem:$0x9C00] =	vst v63  }
0x6f: {  	_ = 	snop  }
0x70: {  	[tilespmem:s0], [sflag:$0x3] =	stream.indirect.gather.add.f32 [hbm:s4], $0x20, s10, s28, $0xb8;
	[tilespmem:$0x9C00] =	vst v63  }
0x71: {  	s10 =	simm.s32 $0x880  }
0x72: {  	[tilespmem:s13], [sflag:$0x3] =	stream.indirect.gather.add.f32 [hbm:s4], $0x20, s10, s28, $0xb8;
	[tilespmem:$0x9C00] =	vst v63  }
0x73: {  	s20 =	simm.s32 $0x900  }
0x74: {  	[tilespmem:s21], [sflag:$0x3] =	stream.indirect.gather.add.f32 [hbm:s4], $0x20, s20, s28, $0xb8;
	[tilespmem:$0x9C00] =	vst v63  }
0x75: {  	s22 =	simm.s32 $0x980  }
0x76: {  	[tilespmem:s31], [sflag:$0x3] =	stream.indirect.gather.add.f32 [hbm:s4], $0x20, s22, s28, $0xb8;
	[tilespmem:$0x9C00] =	vst v63  }
0x77: {  	_ = 	snop  }
0x78: {  	[tilespmem:s0], [sflag:$0x3] =	stream.indirect.gather.add.f32 [hbm:s4], $0x20, s11, s28, $0xb8;
	[tilespmem:$0x9C00] =	vst v63  }
0x79: {  	s23 =	simm.s32 $0xA80  }
0x7a: {  	[tilespmem:s13], [sflag:$0x3] =	stream.indirect.gather.add.f32 [hbm:s4], $0x20, s23, s28, $0xb8;
	[tilespmem:$0x9C00] =	vst v63  }
0x7b: {  	s24 =	simm.s32 $0xB00  }
0x7c: {  	[tilespmem:s21], [sflag:$0x3] =	stream.indirect.gather.add.f32 [hbm:s4], $0x20, s24, s28, $0xb8;
	[tilespmem:$0x9C00] =	vst v63  }
0x7d: {  	s25 =	simm.s32 $0xB80  }
0x7e: {  	[tilespmem:s31], [sflag:$0x3] =	stream.indirect.gather.add.f32 [hbm:s4], $0x20, s25, s28, $0xb8;
	[tilespmem:$0x9C00] =	vst v63  }
0x7f: {  	_ = 	snop  }
0x80: {  	[tilespmem:s0], [sflag:$0x3] =	stream.indirect.gather.add.f32 [hbm:s4], $0x20, s12, s28, $0xb8;
	[tilespmem:$0x9C00] =	vst v63  }
0x81: {  	s26 =	simm.s32 $0xC80  }
0x82: {  	[tilespmem:s13], [sflag:$0x3] =	stream.indirect.gather.add.f32 [hbm:s4], $0x20, s26, s28, $0xb8;
	[tilespmem:$0x9C00] =	vst v63  }
.Ltmp2:
0x83: {  	_ = 	snop;
	(pc) =	sbr.rel .LBB2_2-.Ltmp2, $4  }
0x84: {  	s29 =	simm.s32 $0xD00;
	s20 =	rddreg [dreg:$0xc]  }
0x85: {  	[tilespmem:s21], [sflag:$0x3] =	stream.indirect.gather.add.f32 [hbm:s4], $0x20, s29, s28, $0xb8;
	[tilespmem:$0x9C00] =	vst v63  }
0x86: {  	s30 =	simm.s32 $0xD80;
	s11 =	simm.s32 $0x0;
	s13 =	rddreg [dreg:$0xb]  }
0x87: {  	[tilespmem:s31], [sflag:$0x3] =	stream.indirect.gather.add.f32 [hbm:s4], $0x20, s30, s28, $0xb8;
	[tilespmem:$0x9C00] =	vst v63  }
.LBB2_5:
0x88: {  	s10 =	smul.u32 $0x3800, s5  }
0x89: {  	s22 =	sshrl.u32 s20, $0x3  }
0x8a: {  	s6 =	sadd.s32 $0x1, s5;
	s25 =	sadd.s32 s3, s22;
	s21 =	sshrl.u32 s10, $0x2  }
0x8b: {  	[tilespmem:s21], [sflag:s6] =	stream.linear.gather [hbm4b:s25+s2], $0x200, $0x38;
	[tilespmem:$0x9C00] =	vst v63  }
0x8c: {  	s26 =	sadd.s32 s11, s19;
	s10 =	sadd.s32 $0x200, s21  }
0x8d: {  	[tilespmem:s10], [sflag:s6] =	stream.linear.gather [hbm4b:s26+s2], $0x200, $0x38;
	[tilespmem:$0x9C00] =	vst v63  }
0x8e: {  	s29 =	sadd.s32 s11, s18;
	s26 =	sadd.s32 $0x400, s21  }
0x8f: {  	[tilespmem:s26], [sflag:s6] =	stream.linear.gather [hbm4b:s29+s2], $0x200, $0x38;
	[tilespmem:$0x9C00] =	vst v63  }
0x90: {  	s30 =	sadd.s32 s11, s17;
	s25 =	sadd.s32 $0x600, s21  }
0x91: {  	[tilespmem:s25], [sflag:s6] =	stream.linear.gather [hbm4b:s30+s2], $0x200, $0x38;
	[tilespmem:$0x9C00] =	vst v63  }
0x92: {  	s0 =	sadd.s32 s11, s16;
	s24 =	sadd.s32 $0x800, s21  }
0x93: {  	[tilespmem:s24], [sflag:s6] =	stream.linear.gather [hbm4b:s0+s2], $0x200, $0x38;
	[tilespmem:$0x9C00] =	vst v63  }
0x94: {  	s7 =	sadd.s32 s11, s15;
	s23 =	sadd.s32 $0xA00, s21  }
0x95: {  	[tilespmem:s23], [sflag:s6] =	stream.linear.gather [hbm4b:s7+s2], $0x200, $0x38;
	[tilespmem:$0x9C00] =	vst v63  }
0x96: {  	s22 =	sadd.s32 $0xC00, s21;
	s7 =	sadd.s32 s11, s14  }
0x97: {  	[tilespmem:s22], [sflag:s6] =	stream.linear.gather [hbm4b:s7+s2], $0x200, $0x38;
	[tilespmem:$0x9C00] =	vst v63  }
0x98: {  	_ =	swait.ge [sflag:s6], $0x200  }
0x99: {  	[sflag:s6] =	ssyncset.done $0x0  }
0x9a: {  	[sflag:s6] =	ssyncadd.s32 $0xFFFFFE00  }
0x9b: {  	_ =	swait.ge [sflag:s6], $0x200  }
0x9c: {  	[sflag:s6] =	ssyncset.done $0x0  }
0x9d: {  	[sflag:s6] =	ssyncadd.s32 $0xFFFFFE00  }
0x9e: {  	_ =	swait.ge [sflag:s6], $0x200  }
0x9f: {  	[sflag:s6] =	ssyncset.done $0x0  }
0xa0: {  	[sflag:s6] =	ssyncadd.s32 $0xFFFFFE00  }
0xa1: {  	_ =	swait.ge [sflag:s6], $0x200  }
0xa2: {  	[sflag:s6] =	ssyncset.done $0x0  }
0xa3: {  	[sflag:s6] =	ssyncadd.s32 $0xFFFFFE00  }
0xa4: {  	_ =	swait.ge [sflag:s6], $0x200  }
0xa5: {  	[sflag:s6] =	ssyncset.done $0x0  }
0xa6: {  	[sflag:s6] =	ssyncadd.s32 $0xFFFFFE00  }
0xa7: {  	_ =	swait.ge [sflag:s6], $0x200  }
0xa8: {  	[sflag:s6] =	ssyncset.done $0x0  }
0xa9: {  	[sflag:s6] =	ssyncadd.s32 $0xFFFFFE00  }
0xaa: {  	_ =	swait.ge [sflag:s6], $0x200  }
0xab: {  	s7 =	sshll.u32 s5, $0xE;
	[sflag:s6] =	ssyncset.done $0x0  }
0xac: {  	s5 =	sadd.s32 $0x3, s5;
	[sflag:s6] =	ssyncadd.s32 $0xFFFFFE00;
	s6 =	sor.u32 $0x1C00, s7  }
0xad: {  	[tilespmem:s6], [sflag:s5] =	stream.indirect.gather [hbm4b:s4+s28], $0x20, s21, s28, $0xb8;
	[tilespmem:$0x9C00] =	vst v63  }
0xae: {  	s30 =	sor.u32 $0x80, s21;
	s29 =	sor.u32 $0x2C00, s7  }
0xaf: {  	[tilespmem:s29], [sflag:s5] =	stream.indirect.gather [hbm4b:s4+s28], $0x20, s30, s28, $0xb8;
	[tilespmem:$0x9C00] =	vst v63  }
0xb0: {  	s0 =	sor.u32 $0x100, s21;
	s30 =	sor.u32 $0x3C00, s7  }
0xb1: {  	[tilespmem:s30], [sflag:s5] =	stream.indirect.gather [hbm4b:s4+s28], $0x20, s0, s28, $0xb8;
	[tilespmem:$0x9C00] =	vst v63  }
0xb2: {  	s0 =	sadd.s32 $0x4C00, s7;
	s7 =	sor.u32 $0x180, s21  }
0xb3: {  	[tilespmem:s0], [sflag:s5] =	stream.indirect.gather [hbm4b:s4+s28], $0x20, s7, s28, $0xb8;
	[tilespmem:$0x9C00] =	vst v63  }
0xb4: {  	_ =	swait.ge [sflag:s5], $0x1000  }
0xb5: {  	[sflag:s5] =	ssyncset.done $0x0  }
0xb6: {  	[sflag:s5] =	ssyncadd.s32 $0xFFFFF000  }
0xb7: {  	_ =	swait.ge [sflag:s5], $0x1000  }
0xb8: {  	[sflag:s5] =	ssyncset.done $0x0  }
0xb9: {  	[sflag:s5] =	ssyncadd.s32 $0xFFFFF000  }
0xba: {  	_ =	swait.ge [sflag:s5], $0x1000  }
0xbb: {  	[sflag:s5] =	ssyncset.done $0x0  }
0xbc: {  	[sflag:s5] =	ssyncadd.s32 $0xFFFFF000  }
0xbd: {  	_ =	swait.ge [sflag:s5], $0x1000  }
0xbe: {  	[sflag:s5] =	ssyncset.done $0x0  }
0xbf: {  	[sflag:s5] =	ssyncadd.s32 $0xFFFFF000  }
0xc0: {  	[tilespmem:s6], [sflag:s5] =	stream.indirect.gather.add.f32 [hbm:s4], $0x20, s10, s28, $0xb8;
	[tilespmem:$0x9C00] =	vst v63  }
0xc1: {  	s10 =	sadd.s32 $0x280, s21  }
0xc2: {  	[tilespmem:s29], [sflag:s5] =	stream.indirect.gather.add.f32 [hbm:s4], $0x20, s10, s28, $0xb8;
	[tilespmem:$0x9C00] =	vst v63  }
0xc3: {  	s10 =	sadd.s32 $0x300, s21  }
0xc4: {  	[tilespmem:s30], [sflag:s5] =	stream.indirect.gather.add.f32 [hbm:s4], $0x20, s10, s28, $0xb8;
	[tilespmem:$0x9C00] =	vst v63  }
0xc5: {  	s10 =	sadd.s32 $0x380, s21  }
0xc6: {  	[tilespmem:s0], [sflag:s5] =	stream.indirect.gather.add.f32 [hbm:s4], $0x20, s10, s28, $0xb8;
	[tilespmem:$0x9C00] =	vst v63  }
0xc7: {  	_ = 	snop  }
0xc8: {  	[tilespmem:s6], [sflag:s5] =	stream.indirect.gather.add.f32 [hbm:s4], $0x20, s26, s28, $0xb8;
	[tilespmem:$0x9C00] =	vst v63  }
0xc9: {  	s10 =	sadd.s32 $0x480, s21  }
0xca: {  	[tilespmem:s29], [sflag:s5] =	stream.indirect.gather.add.f32 [hbm:s4], $0x20, s10, s28, $0xb8;
	[tilespmem:$0x9C00] =	vst v63  }
0xcb: {  	s26 =	sadd.s32 $0x500, s21  }
0xcc: {  	[tilespmem:s30], [sflag:s5] =	stream.indirect.gather.add.f32 [hbm:s4], $0x20, s26, s28, $0xb8;
	[tilespmem:$0x9C00] =	vst v63  }
0xcd: {  	s10 =	sadd.s32 $0x580, s21  }
0xce: {  	[tilespmem:s0], [sflag:s5] =	stream.indirect.gather.add.f32 [hbm:s4], $0x20, s10, s28, $0xb8;
	[tilespmem:$0x9C00] =	vst v63  }
0xcf: {  	_ = 	snop  }
0xd0: {  	[tilespmem:s6], [sflag:s5] =	stream.indirect.gather.add.f32 [hbm:s4], $0x20, s25, s28, $0xb8;
	[tilespmem:$0x9C00] =	vst v63  }
0xd1: {  	s25 =	sadd.s32 $0x680, s21  }
0xd2: {  	[tilespmem:s29], [sflag:s5] =	stream.indirect.gather.add.f32 [hbm:s4], $0x20, s25, s28, $0xb8;
	[tilespmem:$0x9C00] =	vst v63  }
0xd3: {  	s26 =	sadd.s32 $0x700, s21  }
0xd4: {  	[tilespmem:s30], [sflag:s5] =	stream.indirect.gather.add.f32 [hbm:s4], $0x20, s26, s28, $0xb8;
	[tilespmem:$0x9C00] =	vst v63  }
0xd5: {  	s10 =	sadd.s32 $0x780, s21  }
0xd6: {  	[tilespmem:s0], [sflag:s5] =	stream.indirect.gather.add.f32 [hbm:s4], $0x20, s10, s28, $0xb8;
	[tilespmem:$0x9C00] =	vst v63  }
0xd7: {  	_ = 	snop  }
0xd8: {  	[tilespmem:s6], [sflag:s5] =	stream.indirect.gather.add.f32 [hbm:s4], $0x20, s24, s28, $0xb8;
	[tilespmem:$0x9C00] =	vst v63  }
0xd9: {  	s25 =	sadd.s32 $0x880, s21  }
0xda: {  	[tilespmem:s29], [sflag:s5] =	stream.indirect.gather.add.f32 [hbm:s4], $0x20, s25, s28, $0xb8;
	[tilespmem:$0x9C00] =	vst v63  }
0xdb: {  	s26 =	sadd.s32 $0x900, s21  }
0xdc: {  	[tilespmem:s30], [sflag:s5] =	stream.indirect.gather.add.f32 [hbm:s4], $0x20, s26, s28, $0xb8;
	[tilespmem:$0x9C00] =	vst v63  }
0xdd: {  	s10 =	sadd.s32 $0x980, s21  }
0xde: {  	[tilespmem:s0], [sflag:s5] =	stream.indirect.gather.add.f32 [hbm:s4], $0x20, s10, s28, $0xb8;
	[tilespmem:$0x9C00] =	vst v63  }
0xdf: {  	_ = 	snop  }
0xe0: {  	[tilespmem:s6], [sflag:s5] =	stream.indirect.gather.add.f32 [hbm:s4], $0x20, s23, s28, $0xb8;
	[tilespmem:$0x9C00] =	vst v63  }
0xe1: {  	s23 =	sadd.s32 $0xA80, s21  }
0xe2: {  	[tilespmem:s29], [sflag:s5] =	stream.indirect.gather.add.f32 [hbm:s4], $0x20, s23, s28, $0xb8;
	[tilespmem:$0x9C00] =	vst v63  }
0xe3: {  	s24 =	sadd.s32 $0xB00, s21  }
0xe4: {  	[tilespmem:s30], [sflag:s5] =	stream.indirect.gather.add.f32 [hbm:s4], $0x20, s24, s28, $0xb8;
	[tilespmem:$0x9C00] =	vst v63  }
0xe5: {  	s25 =	sadd.s32 $0xB80, s21  }
0xe6: {  	[tilespmem:s0], [sflag:s5] =	stream.indirect.gather.add.f32 [hbm:s4], $0x20, s25, s28, $0xb8;
	[tilespmem:$0x9C00] =	vst v63  }
0xe7: {  	_ = 	snop  }
0xe8: {  	[tilespmem:s6], [sflag:s5] =	stream.indirect.gather.add.f32 [hbm:s4], $0x20, s22, s28, $0xb8;
	[tilespmem:$0x9C00] =	vst v63  }
0xe9: {  	s26 =	sadd.s32 $0xC80, s21  }
0xea: {  	[tilespmem:s29], [sflag:s5] =	stream.indirect.gather.add.f32 [hbm:s4], $0x20, s26, s28, $0xb8;
	[tilespmem:$0x9C00] =	vst v63  }
0xeb: {  	s29 =	sadd.s32 $0xD00, s21  }
0xec: {  	[tilespmem:s30], [sflag:s5] =	stream.indirect.gather.add.f32 [hbm:s4], $0x20, s29, s28, $0xb8;
	[tilespmem:$0x9C00] =	vst v63  }
0xed: {  	s30 =	sadd.s32 $0xD80, s21  }
0xee: {  	[tilespmem:s0], [sflag:s5] =	stream.indirect.gather.add.f32 [hbm:s4], $0x20, s30, s28, $0xb8;
	[tilespmem:$0x9C00] =	vst v63  }
.LBB2_6:
0xef: {  	s12 =	sand.u32 $0x1, s12  }
0xf0: {  	s21 =	sadd.s32 $0x3, s12  }
0xf1: {  	_ =	swait.ge [sflag:s21], $0x1000  }
0xf2: {  	[sflag:s21] =	ssyncset.done $0x0  }
0xf3: {  	[sflag:s21] =	ssyncadd.s32 $0xFFFFF000  }
0xf4: {  	_ =	swait.ge [sflag:s21], $0x1000  }
0xf5: {  	[sflag:s21] =	ssyncset.done $0x0  }
0xf6: {  	[sflag:s21] =	ssyncadd.s32 $0xFFFFF000  }
0xf7: {  	_ =	swait.ge [sflag:s21], $0x1000  }
0xf8: {  	[sflag:s21] =	ssyncset.done $0x0  }
0xf9: {  	[sflag:s21] =	ssyncadd.s32 $0xFFFFF000  }
0xfa: {  	_ =	swait.ge [sflag:s21], $0x1000  }
0xfb: {  	[sflag:s21] =	ssyncset.done $0x0  }
0xfc: {  	[sflag:s21] =	ssyncadd.s32 $0xFFFFF000  }
0xfd: {  	_ =	swait.ge [sflag:s21], $0x1000  }
0xfe: {  	[sflag:s21] =	ssyncset.done $0x0  }
0xff: {  	[sflag:s21] =	ssyncadd.s32 $0xFFFFF000  }
0x100: {  	_ =	swait.ge [sflag:s21], $0x1000  }
0x101: {  	[sflag:s21] =	ssyncset.done $0x0  }
0x102: {  	[sflag:s21] =	ssyncadd.s32 $0xFFFFF000  }
0x103: {  	_ =	swait.ge [sflag:s21], $0x1000  }
0x104: {  	[sflag:s21] =	ssyncset.done $0x0  }
0x105: {  	[sflag:s21] =	ssyncadd.s32 $0xFFFFF000  }
0x106: {  	_ =	swait.ge [sflag:s21], $0x1000  }
0x107: {  	[sflag:s21] =	ssyncset.done $0x0  }
0x108: {  	[sflag:s21] =	ssyncadd.s32 $0xFFFFF000  }
0x109: {  	_ =	swait.ge [sflag:s21], $0x1000  }
0x10a: {  	[sflag:s21] =	ssyncset.done $0x0  }
0x10b: {  	[sflag:s21] =	ssyncadd.s32 $0xFFFFF000  }
0x10c: {  	_ =	swait.ge [sflag:s21], $0x1000  }
0x10d: {  	[sflag:s21] =	ssyncset.done $0x0  }
0x10e: {  	[sflag:s21] =	ssyncadd.s32 $0xFFFFF000  }
0x10f: {  	_ =	swait.ge [sflag:s21], $0x1000  }
0x110: {  	[sflag:s21] =	ssyncset.done $0x0  }
0x111: {  	[sflag:s21] =	ssyncadd.s32 $0xFFFFF000  }
0x112: {  	_ =	swait.ge [sflag:s21], $0x1000  }
0x113: {  	[sflag:s21] =	ssyncset.done $0x0  }
0x114: {  	[sflag:s21] =	ssyncadd.s32 $0xFFFFF000  }
0x115: {  	_ =	swait.ge [sflag:s21], $0x1000  }
0x116: {  	[sflag:s21] =	ssyncset.done $0x0  }
0x117: {  	[sflag:s21] =	ssyncadd.s32 $0xFFFFF000  }
0x118: {  	_ =	swait.ge [sflag:s21], $0x1000  }
0x119: {  	[sflag:s21] =	ssyncset.done $0x0  }
0x11a: {  	[sflag:s21] =	ssyncadd.s32 $0xFFFFF000  }
0x11b: {  	_ =	swait.ge [sflag:s21], $0x1000  }
0x11c: {  	[sflag:s21] =	ssyncset.done $0x0  }
0x11d: {  	[sflag:s21] =	ssyncadd.s32 $0xFFFFF000  }
0x11e: {  	_ =	swait.ge [sflag:s21], $0x1000  }
0x11f: {  	[sflag:s21] =	ssyncset.done $0x0  }
0x120: {  	[sflag:s21] =	ssyncadd.s32 $0xFFFFF000  }
0x121: {  	_ =	swait.ge [sflag:s21], $0x1000  }
0x122: {  	[sflag:s21] =	ssyncset.done $0x0  }
0x123: {  	[sflag:s21] =	ssyncadd.s32 $0xFFFFF000  }
0x124: {  	_ =	swait.ge [sflag:s21], $0x1000  }
0x125: {  	[sflag:s21] =	ssyncset.done $0x0  }
0x126: {  	[sflag:s21] =	ssyncadd.s32 $0xFFFFF000  }
0x127: {  	_ =	swait.ge [sflag:s21], $0x1000  }
0x128: {  	[sflag:s21] =	ssyncset.done $0x0  }
0x129: {  	[sflag:s21] =	ssyncadd.s32 $0xFFFFF000  }
0x12a: {  	_ =	swait.ge [sflag:s21], $0x1000  }
0x12b: {  	[sflag:s21] =	ssyncset.done $0x0  }
0x12c: {  	[sflag:s21] =	ssyncadd.s32 $0xFFFFF000  }
0x12d: {  	_ =	swait.ge [sflag:s21], $0x1000  }
0x12e: {  	[sflag:s21] =	ssyncset.done $0x0  }
0x12f: {  	[sflag:s21] =	ssyncadd.s32 $0xFFFFF000  }
0x130: {  	_ =	swait.ge [sflag:s21], $0x1000  }
0x131: {  	[sflag:s21] =	ssyncset.done $0x0  }
0x132: {  	[sflag:s21] =	ssyncadd.s32 $0xFFFFF000  }
0x133: {  	_ =	swait.ge [sflag:s21], $0x1000  }
0x134: {  	s11 =	sadd.s32 $0x800, s11;
	[sflag:s21] =	ssyncset.done $0x0  }
0x135: {  	p0 =	sne.s32 s11, $0x19000;
	[sflag:s21] =	ssyncadd.s32 $0xFFFFF000  }
.Ltmp3:
0x136: {  	_ =	swait.ge [sflag:s21], $0x1000;
	(pc) =	sbr.rel @!p0 .LBB2_7-.Ltmp3, $4  }
0x137: {  	s0 =	sshll.u32 s12, $0xE;
	[sflag:s21] =	ssyncset.done $0x0  }
0x138: {  	s5 =	sadd.s32 $0x5, s12;
	s0 =	sor.u32 $0x1C00, s0;
	[sflag:s21] =	ssyncadd.s32 $0xFFFFF000  }
0x139: {  	[hbm4b:s13+s2] =	stream.linear.scatter [tilespmem:s0], [sflag:s5], $0x4000, $0x38;
	[tilespmem:$0x9C00] =	vst v63  }
0x13a: {  	s9 =	sadd.s32 $0x1, s9;
	s20 =	sadd.s32 $0x4000, s20;
	s13 =	sadd.s32 $0x10000, s13  }
.LBB2_2:
0x13b: {  	s12 =	sadd.s32 $0xFFFFFFFF, s9  }
0x13c: {  	p0 =	seq.s32 s12, $0x0  }
.Ltmp4:
0x13d: {  	_ = 	snop;
	(pc) =	sbr.rel @p0 .LBB2_5-.Ltmp4, $2  }
0x13e: {  	_ =	sdelay $0x2  }
0x13f: {  	s5 =	sand.u32 $0x1, s9  }
0x140: {  	p0 =	seq.s32 s12, $0x31  }
.Ltmp5:
0x141: {  	_ = 	snop;
	(pc) =	sbr.rel @p0 .LBB2_6-.Ltmp5, $1  }
0x142: {  	_ =	sdelay $0x3  }
.Ltmp6:
0x143: {  	(pc) =	sbr.rel .LBB2_5-.Ltmp6, $4  }
0x144: {  	s10 =	sadd.s32 $0x5, s5  }
0x145: {  	_ =	swait.ge [sflag:s10], $0x4000  }
0x146: {  	[sflag:s10] =	ssyncset.done $0x0  }
0x147: {  	[sflag:s10] =	ssyncadd.s32 $0xFFFFC000  }
.LBB2_8:
0x148: {  	_ =	sfence.sel $0x180000  }
0x149: {  	[bflag:$0x0] =	sbarrier.arrive $0xFFFF  }
0x14a: {  	_ =	strace $0x90000047  }
0x14b: {  	s0 =	stileid.u32;
	[bflag:$0x2] =	sbarrier.arrive $0xFFFF  }
0x14c: {  	p0 =	sne.s32 s0, $0x0;
	s0 =	rddreg [dreg:$0x2]  }
0x14d: {  	s0 =	sadd.s32 @!p0 $0x100000, s0  }
0x14e: {  	[sflag:s0] =	ssyncadd.tile.s32 @!p0 $0x1;
	_ =	shalt  }
.Lfunc_end2:
_tile_overlayer_lowered:
.L_overlay_start_2:
0x14f: {  	(tag) =	ssettag $0x2  }
0x150: {  	s0 =	rddreg [dreg:$0x0];
	s2 =	stileid.u32  }
0x151: {  	s1 =	rddreg [dreg:$0x1];
	p0 =	sne.s32 s2, $0x0  }
0x152: {  	s3 =	rddreg [dreg:$0x2];
	[bflag:$0x3] =	sbarrier.arrive $0xFFFF;
	s2 =	simm.s32 @!p0 $0x1C07  }
0x153: {  	[timem:s3], [sflag:s2] =	dma.local @!p0 [hbm:s0], s1  }
0x154: {  	s0 =	simm.s32 @!p0 $0x7  }
0x155: {  	_ =	swait.ge @!p0 [sflag:s0], s1  }
0x156: {  	s1 =	ssub.s32 @!p0 $0x0, s1;
	[sflag:s0] =	ssyncset.done @!p0 $0x0  }
0x157: {  	[sflag:s0] =	ssyncadd.s32 @!p0 s1  }
0x158: {  	[bflag:$0x3] =	sbarrier.arrive $0xFFFF  }
0x159: {  	_ =	shalt  }

// kernel: sparse-core-data-format-call.cloned.1.call-start
scs
called_computation_lowered:
.L_overlay_start_0:
0x0: {  	s2 =	sld [smem:$0x3FD9]  }
0x1: {  	s3 =	sld [smem:$0x3FFE];
	_ =	sdelay $0x1  }
0x2: {  	s1 =	srdreg.scid  }
0x3: {  	s0 =	sand.u32 $0x1, s1  }
0x4: {  	s18 =	sshll.u32 s0, $0xA;
	s2 =	sadd.s32 s3, s2  }
0x5: {  	s2 =	sadd.s32 s2, s18  }
0x6: {  	[smem:$0x3FC6] =	sst s2  }
0x7: {  	_ = 	snop  }
0x8: {  	s2 =	sld [smem:$0x3FD0];
	(tm) =	ssettm $0x1  }
0x9: {  	s19 =	sld [smem:$0x3FFB];
	_ =	sdelay $0x3  }
0xa: {  	_ =	strace s19  }
0xb: {  	s3 =	sld [smem:$0x3FFC];
	_ =	sdelay $0x3  }
0xc: {  	_ =	strace s3  }
0xd: {  	s3 =	sld [smem:$0x3FFD];
	_ =	sdelay $0x3  }
0xe: {  	_ =	strace s3  }
0xf: {  	_ =	strace $0x8FFFFFFF  }
0x10: {  	s20 =	sld [smem:$0x3FDB];
	_ =	sdelay $0x1  }
0x11: {  	s4 =	simm.s32 $_scs_section_size  }
0x12: {  	s5 =	simm.s32 $_size__tile_overlayer_lowered;
	s6 =	simm.s32 $_tile_overlayer_lowered  }
0x13: {  	s23 =	simm.s32 $0x1BFF;
	s22 =	sshll.u32 s6, $0x1;
	s3 =	sadd.s32 s4, s20  }
0x14: {  	s7 =	simm.s32 $0x0;
	s21 =	sshll.u32 s5, $0x1;
	s5 =	sadd.s32 s22, s3  }
0x15: {  	[timem:s7], [sflag:s23] =	dma.local [hbm:s5], s21  }
0x16: {  	_ =	swait.ge [sflag:s23], s21  }
0x17: {  	s4 =	ssub.s32 $0x0, s21;
	[sflag:s23] =	ssyncset.done $0x0  }
0x18: {  	[sflag:s23] =	ssyncadd.s32 s4;
	_ =	sdelay $0x1  }
0x19: {  	s24 =	simm.s32 $0x1B8B  }
0x1a: {  	_ =	swait.ge [sflag:s24], $0x1  }
0x1b: {  	[sflag:s24] =	ssyncset.done $0x0  }
0x1c: {  	s26 =	simm.s32 $0x1B8E;
	s25 =	sld [smem:$0x3FFE];
	[sflag:s24] =	ssyncadd.s32 $0xFFFFFFFF  }
0x1d: {  	s27 =	simm.s32 $execute0_lowered;
	[smem:$0x3FD2] =	sst s26  }
0x1e: {  	s5 =	sshll.u32 s27, $0x1;
	_ =	strace $0x80000049;
	[dreg:$0x1] =	wrdreg $0xFFFFFFFF  }
0x1f: {  	s28 =	simm.s32 $_size_execute0_lowered;
	s3 =	sadd.s32 s3, s5;
	[dreg:$0x0] =	wrdreg $0x0  }
0x20: {  	s5 =	sshll.u32 s28, $0x1;
	[dreg:$0x2] =	wrdreg s3  }
0x21: {  	[dreg:$0x3] =	wrdreg s5  }
0x22: {  	[dreg:$0x4] =	wrdreg $0xC0  }
0x23: {  	_ =	task [dreg:s7], $0x5FFFF  }
0x24: {  	[dreg:$0x1] =	wrdreg $0xFFFFFFFF  }
0x25: {  	[dreg:$0x0] =	wrdreg $0x60  }
0x26: {  	[dreg:$0x2] =	wrdreg s25  }
0x27: {  	[dreg:$0x3] =	wrdreg s2  }
0x28: {  	[dreg:$0x4] =	wrdreg $0x9  }
0x29: {  	_ =	task.clear_ibuf [dreg:s7], $0x5FFFF;
	_ =	strace $0x90000049  }
0x2a: {  	s29 =	simm.s32 $0x9;
	_ =	strace $0x8000004B  }
0x2b: {  	_ =	swait.ge [sflag:s29], $0x1  }
0x2c: {  	[sflag:s29] =	ssyncadd.s32 $0xFFFFFFFF  }
0x2d: {  	_ =	strace $0x9000004B  }
0x2e: {  	_ =	sfence  }
0x2f: {  	s30 =	sld [smem:$0x0];
	_ =	sdelay $0x2  }
0x30: {  	s31 =	sshll.u32 s1, $0xD;
	s1 =	sshrl.u32 s1, $0x2  }
0x31: {  	s3 =	sand.u32 $0x4000, s31;
	s1 =	sadd.s32 s1, s30  }
0x32: {  	s0 =	sor.u32 s3, s0;
	s1 =	sshll.u32 s1, $0x11  }
0x33: {  	s0 =	sor.u32 s1, s0  }
0x34: {  	s0 =	sadd.s32 $0x8F2B, s0  }
0x35: {  	[sflag:s0] =	ssyncadd.remote.s32 $0x1  }
0x36: {  	_ =	sfence.sel $0xFFFF  }
0x37: {  	[dreg:$0x0] =	wrdreg $0xFFFFFFFF;
	(pc) =	sbr.abs _section_cstart, $3  }
0x38: {  	[dreg:$0x1] =	wrdreg $0xFFFFFFFF  }
0x39: {  	_ =	task.clear_ibuf [dreg:s7], $0x2FFFF;
	_ =	strace $0x9FFFFFFF  }
0x3a: {  	(tm) =	ssettm $0x7FFFFFFF  }
0x3b: {  	_ =	shalt  }
tec
execute0_lowered:
.L_overlay_start_1:
0x0: {  	(tag) =	ssettag $0x1  }
0x1: {  	s0 =	srdreg.scid  }
0x2: {  	s1 =	sshll.u32 s0, $0x4  }
0x3: {  	s0 =	stileid.u32;
	s1 =	sand.u32 $0x10, s1  }
0x4: {  	s7 =	rddreg [dreg:$0x0];
	s1 =	sor.u32 s0, s1  }
0x5: {  	s4 =	simm.s32 $0x1;
	s8 =	simm.s32 $0x2;
	s2 =	sshll.u32 s1, $0x7  }
0x6: {  	s13 =	simm.s32 $0x0;
	s9 =	simm.s32 $0x20000;
	s1 =	ssub.s32 $0x4000, s2  }
0x7: {  	s14 =	simm.s32 $0x0;
	s11 =	simm.s32 $0x0;
	s3 =	sand.u32 $0xF80, s1  }
0x8: {  	s12 =	simm.s32 $0x0;
	s5 =	sshrl.u32 s1, $0xC;
	p0 =	sne.s32 s3, $0x0  }
.Ltmp0:
0x9: {  	s1 =	rddreg [dreg:$0x2];
	s4 =	simm.s32 @!p0 $0x0;
	(pc) =	sbr.rel .LBB1_1-.Ltmp0, $4  }
0xa: {  	s6 =	sadd.s32 $0xA00, s7;
	s3 =	rddreg [dreg:$0x1];
	s5 =	sadd.s32 s4, s5  }
0xb: {  	_ =	strace $0x8000004A;
	s4 =	simm.s32 $0x1;
	s5 =	smul.u32 $0x19, s5  }
0xc: {  	s7 =	sadd.s32 $0x40A00, s7;
	s10 =	smov.u32 s2;
	[sflag:s4] =	ssyncpa.u1 $0x0  }
0xd: {  	p0 =	por $0x0, $0x0;
	[sflag:s8] =	ssyncpa.u1 $0x0;
	s8 =	sadd.s32 $0x1, s5  }
.LBB1_7:
0xe: {  	s15 =	sadd.s32 $0x1000, s10  }
0xf: {  	s13 =	sadd.s32 $0x2, s11;
	s17 =	smov.u32 s11;
	p2 =	sgt.s32 s15, $0x3FFF  }
0x10: {  	s17 =	smov.u32 @p2 s13  }
0x11: {  	s15 =	smov.u32 @p2 s2;
	p2 =	sgt.s32 s17, $0x31  }
0x12: {  	s17 =	simm.s32 @p2 $0x0;
	p2 =	sne.s32 s12, s8  }
.Ltmp1:
0x13: {  	p1 =	slt.u32 s12, $0x2;
	(pc) =	sbr.rel @!p2 .LBB1_8-.Ltmp1, $4  }
0x14: {  	s16 =	simm.s32 @!p1 $0x2  }
0x15: {  	s14 =	smov.u32 s11;
	p0 =	por !p0, !p0;
	_ =	swait.ge @!p1 [sflag:s16], $0x2000  }
0x16: {  	s13 =	smov.u32 s10;
	[sflag:s16] =	ssyncset.done @!p1 $0x0;
	s10 =	smov.u32 s15  }
0x17: {  	s12 =	sadd.s32 $0x1, s12;
	[sflag:s16] =	ssyncadd.s32 @!p1 $0xFFFFE000;
	s11 =	smov.u32 s17  }
.LBB1_1:
0x18: {  	p1 =	sge.u32 s12, s5  }
0x19: {  	s15 =	sxor.u32 @!p1 $0xFFFFFFFF, s12;
	s16 =	sshll.u32 @!p1 s11, $0x12  }
0x1a: {  	s17 =	sshll.u32 @!p1 s10, $0x4;
	s19 =	simm.s32 @!p1 $0x20;
	s20 =	simm.s32 @!p1 $0x80  }
0x1b: {  	s15 =	sshll.u32 @!p1 s15, $0xD;
	s17 =	sand.u32 @!p1 $0x3FFF0, s17;
	s18 =	sadd.s32 @!p1 s6, s16  }
0x1c: {  	s16 =	sadd.s32 @!p1 s16, s7;
	s15 =	sand.u32 @!p1 $0x2000, s15;
	s18 =	sadd.s32 @!p1 s17, s18  }
0x1d: {  	[tilespmem:s15], [sflag:$0x1] =	stream.strided.gather @!p1 [hbm4b:s18+s19], $0x1000, s20, s19, $0x38;
	[tilespmem:$0x8080] =	vst v63  }
0x1e: {  	s31 =	sadd.s32 $0xFFFFFFFF, s12;
	s16 =	sadd.s32 @!p1 s17, s16;
	s15 =	sor.u32 @!p1 $0x1000, s15  }
0x1f: {  	[tilespmem:s15], [sflag:$0x1] =	stream.strided.gather @!p1 [hbm4b:s16+s19], $0x1000, s20, s19, $0x38;
	[tilespmem:$0x8080] =	vst v63  }
0x20: {  	p1 =	sge.u32 s31, s5  }
.Ltmp2:
0x21: {  	_ = 	snop;
	(pc) =	sbr.rel @p1 .LBB1_7-.Ltmp2, $1  }
0x22: {  	_ =	sdelay $0x3  }
0x23: {  	s15 =	simm.s32 $0x1;
	s17 =	sand.u32 $0x1, s12  }
0x24: {  	_ =	swait.ge [sflag:s4], $0x2000;
	s15 =	simm.s32 @!p0 $0x0;
	s17 =	smul.u32 $0x8100, s17  }
0x25: {  	p2 =	por $0x1, $0x1;
	[sflag:s4] =	ssyncset.done $0x0;
	s16 =	smul.u32 $0x8100, s15  }
0x26: {  	s18 =	sshll.u32 s15, $0xF;
	[sflag:s4] =	ssyncadd.s32 $0xFFFFE000;
	s30 =	sshrl.u32 s17, $0x2  }
0x27: {  	s31 =	sshrl.u32 s18, $0x2;
	s18 =	simm.s32 $0x0;
	s16 =	sshrl.u32 s16, $0x2  }
0x28: {  	s15 =	sor.u32 $0x4000, s30;
	s17 =	sadd.s32 $0x10, s31;
	s16 =	sor.u32 $0x4000, s16  }
.LBB1_3:
0x29: {  	s19 =	sshll.u32 s18, $0xC  }
0x2a: {  	s19 =	sand.u32 $0x3FFFF000, s19  }
0x2b: {  	s20 =	sadd.s32 s19, s17  }
0x2c: {  	s31 =	smul.u32 $0x4080, s18;
	v1 =	vld [tilespmem:s20+$0x0]  }
0x2d: {  	v0 =	vld [tilespmem:s20+$0xFFFFFFF0]  }
0x2e: {  	s18 =	sshra.s32 s31, $0x2  }
0x2f: {  	s18 =	sadd.s32 s18, s16  }
0x30: {  	s21 =	sadd.s32 $0x0, s18  }
0x31: {  	p1 =	por p2, p2;
	s19 =	simm.s32 $0x4;
	s20 =	sadd.s32 $0x20, s20;
	[tilespmem:s21+$0x810 ss:$0x81] =	vst.msk $0xffff, v1  }
.LBB1_4:
0x32: {  	v1 =	vld [tilespmem:s20+$0x0];
	p2 =	sne.s32 s19, $0x1FC;
	[tilespmem:s21+$0x0 ss:$0x81] =	vst.msk $0xffff, v0;
	s21 =	smov.u32 s19;
	s19 =	sadd.s32 $0x4, s19  }
.Ltmp3:
0x33: {  	v0 =	vld [tilespmem:s20+$0xFFFFFFF0];
	(pc) =	sbr.rel @p2 .LBB1_4-.Ltmp3, $4  }
0x34: {  	_ = 	snop  }
0x35: {  	s21 =	sshra.s32 s21, $0x2  }
0x36: {  	s21 =	sadd.s32 s21, s18  }
0x37: {  	s20 =	sadd.s32 $0x20, s20;
	[tilespmem:s21+$0x810 ss:$0x81] =	vst.msk $0xffff, v1  }
.Ltmp4:
0x38: {  	(pc) =	sbr.rel @p1 .LBB1_3-.Ltmp4, $2  }
0x39: {  	_ =	sdelay $0x2  }
0x3a: {  	[tilespmem:s21+$0x0 ss:$0x81] =	vst.msk $0xffff, v0;
	s18 =	simm.s32 $0x1;
	p2 =	por $0x0, $0x0  }
0x3b: {  	s16 =	sshll.u32 s13, $0x3;
	s17 =	sand.u32 $0x78, s13;
	s14 =	sshll.u32 s14, $0x10  }
.Ltmp5:
0x3c: {  	s30 =	sand.u32 $0xF800, s13;
	s16 =	sand.u32 $0x3C00, s16;
	(pc) =	sbr.rel .LBB1_7-.Ltmp5, $4  }
0x3d: {  	s31 =	sand.u32 $0x7, s13;
	s14 =	sadd.s32 s3, s14;
	s16 =	sor.u32 s17, s16  }
0x3e: {  	s13 =	sshll.u32 s31, $0x12;
	s14 =	sadd.s32 s30, s14;
	s16 =	sshrl.u32 s16, $0x3  }
0x3f: {  	s13 =	sor.u32 $0x400, s13;
	s14 =	sadd.s32 s16, s14  }
0x40: {  	[hbm4b:s14+s13] =	stream.strided.scatter [tilespmem:s15], [sflag:$0x2], $0x2000, s9, s13, $0x20;
	[tilespmem:$0x8080] =	vst v63  }
.LBB1_8:
0x41: {  	_ =	sfence.sel $0x180000  }
0x42: {  	s2 =	simm.s32 $0x1;
	[bflag:$0x0] =	sbarrier.arrive $0xFFFF  }
0x43: {  	s31 =	simm.s32 $0x2;
	[sflag:s2] =	ssyncpa.u1 $0x1  }
0x44: {  	[sflag:s31] =	ssyncpa.u1 $0x1  }
0x45: {  	p0 =	sne.s32 s0, $0x0;
	_ =	strace $0x9000004A  }
0x46: {  	s0 =	sadd.s32 @!p0 $0x100000, s1;
	[bflag:$0x2] =	sbarrier.arrive $0xFFFF  }
0x47: {  	[sflag:s0] =	ssyncadd.tile.s32 @!p0 $0x1;
	_ =	shalt  }
.Lfunc_end1:
_tile_overlayer_lowered:
.L_overlay_start_2:
0x48: {  	(tag) =	ssettag $0x2  }
0x49: {  	s0 =	rddreg [dreg:$0x0];
	s2 =	stileid.u32  }
0x4a: {  	s1 =	rddreg [dreg:$0x1];
	p0 =	sne.s32 s2, $0x0  }
0x4b: {  	s3 =	rddreg [dreg:$0x2];
	[bflag:$0x3] =	sbarrier.arrive $0xFFFF;
	s2 =	simm.s32 @!p0 $0x1C01  }
0x4c: {  	[timem:s3], [sflag:s2] =	dma.local @!p0 [hbm:s0], s1  }
0x4d: {  	s0 =	simm.s32 @!p0 $0x1  }
0x4e: {  	_ =	swait.ge @!p0 [sflag:s0], s1  }
0x4f: {  	s1 =	ssub.s32 @!p0 $0x0, s1;
	[sflag:s0] =	ssyncset.done @!p0 $0x0  }
0x50: {  	[sflag:s0] =	ssyncadd.s32 @!p0 s1  }
0x51: {  	[bflag:$0x3] =	sbarrier.arrive $0xFFFF  }
0x52: {  	_ =	shalt  }

</sc_bundles>
